<compile_context>
chip_gen: v7x
topology: tpu7x:2x2x1
jax: 0.10.2.dev20260603
libtpu: 0.0.44.dev20260713+nightly
codegen_flags: <defaults>
</compile_context>

<pallas_src>
import functools

import jax
import jax.numpy as jnp
from jax import lax
from jax.experimental import pallas as pl
from jax.experimental.pallas import tpu as pltpu
from jax.experimental.pallas import tpu_sc as plsc

N_NODES = 10000
N_EDGES = 320000
D = 128
H = 256
G = 128
NC = 2
NS = 16
CHUNK = 128
IDXBLK = 8

EP = 327680
EW1 = EP // (NC * NS)
EW2 = EP // NS
NCH = EP // CHUNK
N_ACC = N_NODES + 112
RPS = N_ACC // NS

R = 2000
NB = N_NODES // R

def _make_sc_agg(feat_split):
    ew = EW2 if feat_split else EW1
    n_chunks = ew // CHUNK
    nblk = n_chunks // IDXBLK
    mesh = plsc.VectorSubcoreMesh(core_axis_name="c", subcore_axis_name="s")

    @functools.partial(
        pl.kernel,
        out_type=jax.ShapeDtypeStruct((NC, N_ACC, D), jnp.float32),
        mesh=mesh,
        scratch_types=[
            pltpu.VMEM((2, IDXBLK, CHUNK), jnp.int32),
            pltpu.VMEM((2, IDXBLK, CHUNK), jnp.int32),
            pltpu.VMEM((CHUNK, D), jnp.float32),
            pltpu.VMEM((CHUNK, D), jnp.float32),
            pltpu.VMEM_SHARED((N_ACC, D), jnp.float32),
            pltpu.SemaphoreType.DMA,
            pltpu.SemaphoreType.DMA,
            pltpu.SemaphoreType.DMA,
            pltpu.SemaphoreType.DMA,
        ],
    )
    def sc_agg(table_hbm, src_hbm, dst_hbm, zeros_hbm, out_hbm,
               idx_s, idx_d, rows0, rows1, acc, sem0, sem1, isem0, isem1):
        c = lax.axis_index("c")
        s = lax.axis_index("s")
        rows = (rows0, rows1)
        sems = (sem0, sem1)
        isems = (isem0, isem1)
        if feat_split:
            tbl = table_hbm.at[c]
            row_base = s * n_chunks
        else:
            tbl = table_hbm
            row_base = (c * NS + s) * n_chunks

        def gather(ib, j, b):
            return pltpu.make_async_copy(tbl.at[idx_s.at[ib].at[j]], rows[b],
                                         sems[b])

        def scat(ib, j, b):
            pltpu.sync_copy(rows[b], acc.at[idx_d.at[ib].at[j]], add=True)

        def idx_cp(blk, ib):
            row0 = row_base + blk * IDXBLK
            return (
                pltpu.make_async_copy(src_hbm.at[pl.ds(row0, IDXBLK)],
                                      idx_s.at[ib], isems[ib]),
                pltpu.make_async_copy(dst_hbm.at[pl.ds(row0, IDXBLK)],
                                      idx_d.at[ib], isems[ib]),
            )

        for d in idx_cp(0, 0):
            d.start()
        if nblk > 1:
            for d in idx_cp(1, 1):
                d.start()
        for d in idx_cp(0, 0):
            d.wait()
        gather(0, 0, 0).start()
        gather(0, 1, 1).start()
        pltpu.sync_copy(zeros_hbm.at[pl.ds(s * RPS, RPS)],
                        acc.at[pl.ds(s * RPS, RPS)])
        plsc.subcore_barrier()

        def do_block(blk, ib):
            @pl.loop(0, IDXBLK - 2, step=2)
            def _(k):
                for b in range(2):
                    kk = k + b
                    gather(ib, kk, b).wait()
                    scat(ib, kk, b)
                    gather(ib, kk + 2, b).start()

            @pl.when(blk < nblk - 1)
            def _():
                for d in idx_cp(blk + 1, 1 - ib):
                    d.wait()

            for b in range(2):
                kk = IDXBLK - 2 + b
                gather(ib, kk, b).wait()
                scat(ib, kk, b)

                @pl.when(blk < nblk - 1)
                def _():
                    gather(1 - ib, b, b).start()

            @pl.when(blk + 2 < nblk)
            def _():
                for d in idx_cp(blk + 2, ib):
                    d.start()

        @pl.loop(0, nblk, step=2)
        def _(blkp):
            for ib in range(2):
                do_block(blkp + ib, ib)

        plsc.subcore_barrier()
        pltpu.sync_copy(acc.at[pl.ds(s * RPS, RPS)],
                        out_hbm.at[c].at[pl.ds(s * RPS, RPS)])

    return sc_agg


_sc_agg_edge = functools.cache(lambda: _make_sc_agg(False))
_sc_agg_feat = functools.cache(lambda: _make_sc_agg(True))


def _bdot(a, b):
    return jnp.dot(a, b, preferred_element_type=jnp.float32)


def _mlp1(x, agg, W1a, b1a, W1b, b1b):
    def body(x_ref, a_ref, wa, ba, wb, bb, out_ref):
        y = x_ref[...] + a_ref[0] + a_ref[1]
        h = jnp.maximum(_bdot(y, wa[...]) + ba[...], 0.0)
        h = jnp.maximum(_bdot(h, wb[...]) + bb[...], 0.0)
        out_ref[0] = h[:, :D]
        out_ref[1] = h[:, D:]

    return pl.pallas_call(
        body,
        grid=(NB,),
        in_specs=[
            pl.BlockSpec((R, D), lambda i: (i, 0)),
            pl.BlockSpec((NC, R, D), lambda i: (0, i, 0)),
            pl.BlockSpec((D, H), lambda i: (0, 0)),
            pl.BlockSpec((1, H), lambda i: (0, 0)),
            pl.BlockSpec((H, H), lambda i: (0, 0)),
            pl.BlockSpec((1, H), lambda i: (0, 0)),
        ],
        out_specs=pl.BlockSpec((NC, R, D), lambda i: (0, i, 0)),
        out_shape=jax.ShapeDtypeStruct((NC, N_NODES, D), jnp.float32),
    )(x, agg, W1a, b1a.reshape(1, H), W1b, b1b.reshape(1, H))


def _mlp2_pool(h1, agg2, batch3, W2a, b2a, W2b, b2b, fcW, fcb):
    def body(h_ref, a_ref, b_ref, wa, ba, wb, bb, wf, bf, out_ref, acc_ref):
        i = pl.program_id(0)
        y = jnp.concatenate([h_ref[0] + a_ref[0], h_ref[1] + a_ref[1]], axis=1)
        t = jnp.maximum(_bdot(y, wa[...]) + ba[...], 0.0)
        t = jnp.maximum(_bdot(t, wb[...]) + bb[...], 0.0)
        seg = b_ref[0, 0, :]
        onehot = (seg[:, None]
                  == lax.broadcasted_iota(jnp.int32, (R, G), 1)
                  ).astype(jnp.float32)
        contrib = lax.dot_general(onehot, t, (((0,), (0,)), ((), ())),
                                  preferred_element_type=jnp.float32)

        @pl.when(i == 0)
        def _():
            acc_ref[...] = jnp.zeros_like(acc_ref)

        acc_ref[...] += contrib

        @pl.when(i == NB - 1)
        def _():
            out_ref[...] = (jnp.dot(acc_ref[...], wf[...],
                                    preferred_element_type=jnp.float32)
                            + bf[...])

    return pl.pallas_call(
        body,
        grid=(NB,),
        in_specs=[
            pl.BlockSpec((NC, R, D), lambda i: (0, i, 0)),
            pl.BlockSpec((NC, R, D), lambda i: (0, i, 0)),
            pl.BlockSpec((1, 1, R), lambda i: (i, 0, 0)),
            pl.BlockSpec((H, H), lambda i: (0, 0)),
            pl.BlockSpec((1, H), lambda i: (0, 0)),
            pl.BlockSpec((H, H), lambda i: (0, 0)),
            pl.BlockSpec((1, H), lambda i: (0, 0)),
            pl.BlockSpec((H, H), lambda i: (0, 0)),
            pl.BlockSpec((1, H), lambda i: (0, 0)),
        ],
        out_specs=pl.BlockSpec((G, H), lambda i: (0, 0)),
        out_shape=jax.ShapeDtypeStruct((G, H), jnp.float32),
        scratch_shapes=[pltpu.VMEM((G, H), jnp.float32)],
    )(h1, agg2, batch3, W2a, b2a.reshape(1, H), W2b, b2b.reshape(1, H),
      fcW, fcb.reshape(1, H))


def kernel(x, edge_index, batch, W1a, b1a, W1b, b1b, W2a, b2a, W2b, b2b,
           fcW, fcb):
    src = edge_index[0]
    dst = edge_index[1]
    pad = EP - N_EDGES
    pad_iota = jnp.arange(pad, dtype=jnp.int32)
    src_p = jnp.concatenate([src, pad_iota % N_NODES]).reshape(NCH, CHUNK)
    dst_p = jnp.concatenate(
        [dst, N_NODES + (pad_iota % 112)]).reshape(NCH, CHUNK)
    zeros = jnp.zeros((N_ACC, D), jnp.float32)

    agg1 = _sc_agg_edge()(x, src_p, dst_p, zeros)
    h1 = _mlp1(x, agg1, W1a, b1a, W1b, b1b)
    agg2 = _sc_agg_feat()(h1, src_p, dst_p, zeros)
    batch3 = batch.reshape(NB, 1, R)
    return _mlp2_pool(h1, agg2, batch3, W2a, b2a, W2b, b2b, fcW, fcb)

# --- scband reference (transcript-rebuilt; emitter-appended) ---
"""Pipeline reference for scband-gin-73778948211168 (READ-ONLY COPY).

The authoritative reference and input builder live on the scoring server;
editing this copy changes nothing except your own understanding.
"""

import jax, jax.numpy as jnp
import numpy as np

N_NODES = 10000
N_EDGES = 320000
D_FEAT = 128
HIDDEN = 256
N_GRAPHS = 128


def setup_inputs(seed: int = 0) -> dict:
    key = jax.random.key(seed)
    ks = [jax.random.fold_in(key, i) for i in range(16)]
    x = jax.random.normal(ks[0], (N_NODES, D_FEAT), dtype=jnp.float32)
    edge_index = jax.random.randint(ks[1], (2, N_EDGES), 0, N_NODES, dtype=jnp.int64 if jax.config.jax_enable_x64 else jnp.int32).astype(jnp.int32)
    batch = jnp.sort(jax.random.randint(ks[2], (N_NODES,), 0, N_GRAPHS)).astype(jnp.int32)
    def lin(k, fan_in, fan_out):
        bound = 1.0 / np.sqrt(fan_in)
        kw, kb = jax.random.fold_in(k, 0), jax.random.fold_in(k, 1)
        W = jax.random.uniform(kw, (fan_in, fan_out), minval=-bound, maxval=bound, dtype=jnp.float32)
        b = jax.random.uniform(kb, (fan_out,), minval=-bound, maxval=bound, dtype=jnp.float32)
        return W, b
    W1a, b1a = lin(ks[3], D_FEAT, HIDDEN)
    W1b, b1b = lin(ks[4], HIDDEN, HIDDEN)
    W2a, b2a = lin(ks[5], HIDDEN, HIDDEN)
    W2b, b2b = lin(ks[6], HIDDEN, HIDDEN)
    fcW, fcb = lin(ks[7], HIDDEN, HIDDEN)
    return {"x": x, "edge_index": edge_index, "batch": batch,
            "W1a": W1a, "b1a": b1a, "W1b": W1b, "b1b": b1b,
            "W2a": W2a, "b2a": b2a, "W2b": W2b, "b2b": b2b,
            "fcW": fcW, "fcb": fcb}


def _gin_conv(x, edge_index, Wa, ba, Wb, bb, eps=0.0):
    src = edge_index[0]
    dst = edge_index[1]
    msgs = jnp.take(x, src, axis=0)
    agg = jax.ops.segment_sum(msgs, dst, num_segments=x.shape[0])
    h = (1.0 + eps) * x + agg
    h = jax.nn.relu(h @ Wa + ba)
    h = jax.nn.relu(h @ Wb + bb)
    return h


def reference(x, edge_index, batch, W1a, b1a, W1b, b1b, W2a, b2a, W2b, b2b, fcW, fcb):
    h = _gin_conv(x, edge_index, W1a, b1a, W1b, b1b)
    h = jax.nn.relu(h)
    h = _gin_conv(h, edge_index, W2a, b2a, W2b, b2b)
    h = jax.nn.relu(h)
    pooled = jax.ops.segment_sum(h, batch, num_segments=N_GRAPHS)
    out = pooled @ fcW + fcb
    return out

if __name__ == "__main__":
    import jax
    _d = setup_inputs()
    print(jax.jit(kernel)(*tuple(_d.values())))

</pallas_src>

<mosaic_0001>
#map = affine_map<(d0, d1) -> (0, 0)>
#map1 = affine_map<(d0, d1) -> (0, 0, 0)>
module attributes {stable_mosaic.version = 14 : i64} {
  func.func @sc_agg(%arg0: i32, %arg1: i32, %arg2: memref<10000x128xf32, #tpu.memory_space<hbm>>, %arg3: memref<2560x128xi32, #tpu.memory_space<hbm>>, %arg4: memref<2560x128xi32, #tpu.memory_space<hbm>>, %arg5: memref<10112x128xf32, #tpu.memory_space<hbm>>, %arg6: memref<2x10112x128xf32, #tpu.memory_space<hbm>>, %arg7: memref<2x8x128xi32, #tpu.memory_space<vmem>>, %arg8: memref<2x8x128xi32, #tpu.memory_space<vmem>>, %arg9: memref<128x128xf32, #tpu.memory_space<vmem>>, %arg10: memref<128x128xf32, #tpu.memory_space<vmem>>, %arg11: memref<10112x128xf32, #tpu.memory_space<vmem_shared>>, %arg12: memref<!tpu.dma_semaphore, #tpu.memory_space<semaphore_mem>>, %arg13: memref<!tpu.dma_semaphore, #tpu.memory_space<semaphore_mem>>, %arg14: memref<!tpu.dma_semaphore, #tpu.memory_space<semaphore_mem>>, %arg15: memref<!tpu.dma_semaphore, #tpu.memory_space<semaphore_mem>>) attributes {dimension_semantics = [#tpu.dimension_semantics<core_parallel>, #tpu.dimension_semantics<subcore_parallel>], iteration_bounds = array<i64: 2, 16>, scalar_prefetch = 0 : i64, scratch_operands = 9 : i64, tpu.core_type = #tpu.core_type<sc_vector_subcore>, window_params = [{transform_indices = #map}, {transform_indices = #map}, {transform_indices = #map}, {transform_indices = #map}, {transform_indices = #map1}]} {
    %mul3A = arith.constant 16 : i32
    %mul3A_0 = arith.muli %arg0, %mul3A : i32
    %add3A = arith.addi %mul3A_0, %arg1 : i32
    %mul3A_1 = arith.constant 80 : i32
    %mul3A_2 = arith.muli %add3A, %mul3A_1 : i32
    %add3A_3 = arith.constant 0 : i32
    %add3A_4 = arith.addi %mul3A_2, %add3A_3 : i32
    %dma_start3A = arith.constant 0 : i32
    %dma_start3A_5 = arith.constant 0 : i32
    %dma_start3A_6 = arith.constant 0 : i32
    %dma_start3A_7 = tpu.memref_slice %arg7[%dma_start3A, %dma_start3A_5, %dma_start3A_6] : memref<2x8x128xi32, #tpu.memory_space<vmem>> -> memref<1x8x128xi32, #tpu.memory_space<vmem>>
    %dma_start3A_8 = tpu.memref_squeeze %dma_start3A_7 : memref<1x8x128xi32, #tpu.memory_space<vmem>> -> memref<8x128xi32, #tpu.memory_space<vmem>>
    %dma_start3A_9 = arith.constant 0 : i32
    %dma_start3A_10 = tpu.memref_slice %arg3[%add3A_4, %dma_start3A_9] : memref<2560x128xi32, #tpu.memory_space<hbm>> -> memref<8x128xi32, #tpu.memory_space<hbm>>
    %dma_start3A_11 = arith.constant 0 : i32
    %dma_start3A_12 = arith.constant 0 : i32
    %dma_start3A_13 = tpu.memref_slice %arg7[%dma_start3A, %dma_start3A_11, %dma_start3A_12] : memref<2x8x128xi32, #tpu.memory_space<vmem>> -> memref<1x8x128xi32, #tpu.memory_space<vmem>>
    %dma_start3A_14 = tpu.memref_squeeze %dma_start3A_13 : memref<1x8x128xi32, #tpu.memory_space<vmem>> -> memref<8x128xi32, #tpu.memory_space<vmem>>
    %dma_start3A_15 = arith.constant 0 : i32
    %dma_start3A_16 = tpu.memref_slice %arg3[%add3A_4, %dma_start3A_15] : memref<2560x128xi32, #tpu.memory_space<hbm>> -> memref<8x128xi32, #tpu.memory_space<hbm>>
    tpu.enqueue_dma source(%dma_start3A_16 : memref<8x128xi32, #tpu.memory_space<hbm>>) target(%dma_start3A_14 : memref<8x128xi32, #tpu.memory_space<vmem>>) target_semaphore(%arg14 : memref<!tpu.dma_semaphore, #tpu.memory_space<semaphore_mem>>)
    %dma_start3A_17 = arith.constant 0 : i32
    %dma_start3A_18 = arith.constant 0 : i32
    %dma_start3A_19 = arith.constant 0 : i32
    %dma_start3A_20 = tpu.memref_slice %arg8[%dma_start3A_17, %dma_start3A_18, %dma_start3A_19] : memref<2x8x128xi32, #tpu.memory_space<vmem>> -> memref<1x8x128xi32, #tpu.memory_space<vmem>>
    %dma_start3A_21 = tpu.memref_squeeze %dma_start3A_20 : memref<1x8x128xi32, #tpu.memory_space<vmem>> -> memref<8x128xi32, #tpu.memory_space<vmem>>
    %dma_start3A_22 = arith.constant 0 : i32
    %dma_start3A_23 = tpu.memref_slice %arg4[%add3A_4, %dma_start3A_22] : memref<2560x128xi32, #tpu.memory_space<hbm>> -> memref<8x128xi32, #tpu.memory_space<hbm>>
    %dma_start3A_24 = arith.constant 0 : i32
    %dma_start3A_25 = arith.constant 0 : i32
    %dma_start3A_26 = tpu.memref_slice %arg8[%dma_start3A_17, %dma_start3A_24, %dma_start3A_25] : memref<2x8x128xi32, #tpu.memory_space<vmem>> -> memref<1x8x128xi32, #tpu.memory_space<vmem>>
    %dma_start3A_27 = tpu.memref_squeeze %dma_start3A_26 : memref<1x8x128xi32, #tpu.memory_space<vmem>> -> memref<8x128xi32, #tpu.memory_space<vmem>>
    %dma_start3A_28 = arith.constant 0 : i32
    %dma_start3A_29 = tpu.memref_slice %arg4[%add3A_4, %dma_start3A_28] : memref<2560x128xi32, #tpu.memory_space<hbm>> -> memref<8x128xi32, #tpu.memory_space<hbm>>
    tpu.enqueue_dma source(%dma_start3A_29 : memref<8x128xi32, #tpu.memory_space<hbm>>) target(%dma_start3A_27 : memref<8x128xi32, #tpu.memory_space<vmem>>) target_semaphore(%arg14 : memref<!tpu.dma_semaphore, #tpu.memory_space<semaphore_mem>>)
    %add3A_30 = arith.constant 8 : i32
    %add3A_31 = arith.addi %mul3A_2, %add3A_30 : i32
    %dma_start3A_32 = arith.constant 1 : i32
    %dma_start3A_33 = arith.constant 0 : i32
    %dma_start3A_34 = arith.constant 0 : i32
    %dma_start3A_35 = tpu.memref_slice %arg7[%dma_start3A_32, %dma_start3A_33, %dma_start3A_34] : memref<2x8x128xi32, #tpu.memory_space<vmem>> -> memref<1x8x128xi32, #tpu.memory_space<vmem>>
    %dma_start3A_36 = tpu.memref_squeeze %dma_start3A_35 : memref<1x8x128xi32, #tpu.memory_space<vmem>> -> memref<8x128xi32, #tpu.memory_space<vmem>>
    %dma_start3A_37 = arith.constant 0 : i32
    %dma_start3A_38 = tpu.memref_slice %arg3[%add3A_31, %dma_start3A_37] : memref<2560x128xi32, #tpu.memory_space<hbm>> -> memref<8x128xi32, #tpu.memory_space<hbm>>
    %dma_start3A_39 = arith.constant 0 : i32
    %dma_start3A_40 = arith.constant 0 : i32
    %dma_start3A_41 = tpu.memref_slice %arg7[%dma_start3A_32, %dma_start3A_39, %dma_start3A_40] : memref<2x8x128xi32, #tpu.memory_space<vmem>> -> memref<1x8x128xi32, #tpu.memory_space<vmem>>
    %dma_start3A_42 = tpu.memref_squeeze %dma_start3A_41 : memref<1x8x128xi32, #tpu.memory_space<vmem>> -> memref<8x128xi32, #tpu.memory_space<vmem>>
    %dma_start3A_43 = arith.constant 0 : i32
    %dma_start3A_44 = tpu.memref_slice %arg3[%add3A_31, %dma_start3A_43] : memref<2560x128xi32, #tpu.memory_space<hbm>> -> memref<8x128xi32, #tpu.memory_space<hbm>>
    tpu.enqueue_dma source(%dma_start3A_44 : memref<8x128xi32, #tpu.memory_space<hbm>>) target(%dma_start3A_42 : memref<8x128xi32, #tpu.memory_space<vmem>>) target_semaphore(%arg15 : memref<!tpu.dma_semaphore, #tpu.memory_space<semaphore_mem>>)
    %dma_start3A_45 = arith.constant 1 : i32
    %dma_start3A_46 = arith.constant 0 : i32
    %dma_start3A_47 = arith.constant 0 : i32
    %dma_start3A_48 = tpu.memref_slice %arg8[%dma_start3A_45, %dma_start3A_46, %dma_start3A_47] : memref<2x8x128xi32, #tpu.memory_space<vmem>> -> memref<1x8x128xi32, #tpu.memory_space<vmem>>
    %dma_start3A_49 = tpu.memref_squeeze %dma_start3A_48 : memref<1x8x128xi32, #tpu.memory_space<vmem>> -> memref<8x128xi32, #tpu.memory_space<vmem>>
    %dma_start3A_50 = arith.constant 0 : i32
    %dma_start3A_51 = tpu.memref_slice %arg4[%add3A_31, %dma_start3A_50] : memref<2560x128xi32, #tpu.memory_space<hbm>> -> memref<8x128xi32, #tpu.memory_space<hbm>>
    %dma_start3A_52 = arith.constant 0 : i32
    %dma_start3A_53 = arith.constant 0 : i32
    %dma_start3A_54 = tpu.memref_slice %arg8[%dma_start3A_45, %dma_start3A_52, %dma_start3A_53] : memref<2x8x128xi32, #tpu.memory_space<vmem>> -> memref<1x8x128xi32, #tpu.memory_space<vmem>>
    %dma_start3A_55 = tpu.memref_squeeze %dma_start3A_54 : memref<1x8x128xi32, #tpu.memory_space<vmem>> -> memref<8x128xi32, #tpu.memory_space<vmem>>
    %dma_start3A_56 = arith.constant 0 : i32
    %dma_start3A_57 = tpu.memref_slice %arg4[%add3A_31, %dma_start3A_56] : memref<2560x128xi32, #tpu.memory_space<hbm>> -> memref<8x128xi32, #tpu.memory_space<hbm>>
    tpu.enqueue_dma source(%dma_start3A_57 : memref<8x128xi32, #tpu.memory_space<hbm>>) target(%dma_start3A_55 : memref<8x128xi32, #tpu.memory_space<vmem>>) target_semaphore(%arg15 : memref<!tpu.dma_semaphore, #tpu.memory_space<semaphore_mem>>)
    %add3A_58 = arith.constant 0 : i32
    %add3A_59 = arith.addi %mul3A_2, %add3A_58 : i32
    %dma_wait3A = arith.constant 0 : i32
    %dma_wait3A_60 = arith.constant 0 : i32
    %dma_wait3A_61 = arith.constant 0 : i32
    %dma_wait3A_62 = tpu.memref_slice %arg7[%dma_wait3A, %dma_wait3A_60, %dma_wait3A_61] : memref<2x8x128xi32, #tpu.memory_space<vmem>> -> memref<1x8x128xi32, #tpu.memory_space<vmem>>
    %dma_wait3A_63 = tpu.memref_squeeze %dma_wait3A_62 : memref<1x8x128xi32, #tpu.memory_space<vmem>> -> memref<8x128xi32, #tpu.memory_space<vmem>>
    %dma_wait3A_64 = arith.constant 0 : i32
    %dma_wait3A_65 = tpu.memref_slice %arg3[%add3A_59, %dma_wait3A_64] : memref<2560x128xi32, #tpu.memory_space<hbm>> -> memref<8x128xi32, #tpu.memory_space<hbm>>
    %dma_wait3A_66 = arith.constant 0 : i32
    %dma_wait3A_67 = arith.constant 0 : i32
    %dma_wait3A_68 = tpu.memref_slice %arg7[%dma_wait3A, %dma_wait3A_66, %dma_wait3A_67] : memref<2x8x128xi32, #tpu.memory_space<vmem>> -> memref<1x8x128xi32, #tpu.memory_space<vmem>>
    %dma_wait3A_69 = tpu.memref_squeeze %dma_wait3A_68 : memref<1x8x128xi32, #tpu.memory_space<vmem>> -> memref<8x128xi32, #tpu.memory_space<vmem>>
    %dma_wait3A_70 = arith.constant 0 : i32
    %dma_wait3A_71 = tpu.memref_slice %arg3[%add3A_59, %dma_wait3A_70] : memref<2560x128xi32, #tpu.memory_space<hbm>> -> memref<8x128xi32, #tpu.memory_space<hbm>>
    tpu.wait_dma2 semaphore(%arg14 : memref<!tpu.dma_semaphore, #tpu.memory_space<semaphore_mem>>) src(%dma_wait3A_71 : memref<8x128xi32, #tpu.memory_space<hbm>>) dst(%dma_wait3A_69 : memref<8x128xi32, #tpu.memory_space<vmem>>)
    %dma_wait3A_72 = arith.constant 0 : i32
    %dma_wait3A_73 = arith.constant 0 : i32
    %dma_wait3A_74 = arith.constant 0 : i32
    %dma_wait3A_75 = tpu.memref_slice %arg8[%dma_wait3A_72, %dma_wait3A_73, %dma_wait3A_74] : memref<2x8x128xi32, #tpu.memory_space<vmem>> -> memref<1x8x128xi32, #tpu.memory_space<vmem>>
    %dma_wait3A_76 = tpu.memref_squeeze %dma_wait3A_75 : memref<1x8x128xi32, #tpu.memory_space<vmem>> -> memref<8x128xi32, #tpu.memory_space<vmem>>
    %dma_wait3A_77 = arith.constant 0 : i32
    %dma_wait3A_78 = tpu.memref_slice %arg4[%add3A_59, %dma_wait3A_77] : memref<2560x128xi32, #tpu.memory_space<hbm>> -> memref<8x128xi32, #tpu.memory_space<hbm>>
    %dma_wait3A_79 = arith.constant 0 : i32
    %dma_wait3A_80 = arith.constant 0 : i32
    %dma_wait3A_81 = tpu.memref_slice %arg8[%dma_wait3A_72, %dma_wait3A_79, %dma_wait3A_80] : memref<2x8x128xi32, #tpu.memory_space<vmem>> -> memref<1x8x128xi32, #tpu.memory_space<vmem>>
    %dma_wait3A_82 = tpu.memref_squeeze %dma_wait3A_81 : memref<1x8x128xi32, #tpu.memory_space<vmem>> -> memref<8x128xi32, #tpu.memory_space<vmem>>
    %dma_wait3A_83 = arith.constant 0 : i32
    %dma_wait3A_84 = tpu.memref_slice %arg4[%add3A_59, %dma_wait3A_83] : memref<2560x128xi32, #tpu.memory_space<hbm>> -> memref<8x128xi32, #tpu.memory_space<hbm>>
    tpu.wait_dma2 semaphore(%arg14 : memref<!tpu.dma_semaphore, #tpu.memory_space<semaphore_mem>>) src(%dma_wait3A_84 : memref<8x128xi32, #tpu.memory_space<hbm>>) dst(%dma_wait3A_82 : memref<8x128xi32, #tpu.memory_space<vmem>>)
    %dma_start3A_85 = arith.constant 0 : i32
    %dma_start3A_86 = arith.constant 0 : i32
    %dma_start3A_87 = arith.constant 0 : i32
    %dma_start3A_88 = arith.constant 0 : i32
    %dma_start3A_89 = tpu.memref_slice %arg7[%dma_start3A_85, %dma_start3A_87, %dma_start3A_88] : memref<2x8x128xi32, #tpu.memory_space<vmem>> -> memref<1x8x128xi32, #tpu.memory_space<vmem>>
    %dma_start3A_90 = tpu.memref_squeeze %dma_start3A_89 : memref<1x8x128xi32, #tpu.memory_space<vmem>> -> memref<8x128xi32, #tpu.memory_space<vmem>>
    %dma_start3A_91 = arith.constant 0 : i32
    %dma_start3A_92 = tpu.memref_slice %dma_start3A_90[%dma_start3A_86, %dma_start3A_91] : memref<8x128xi32, #tpu.memory_space<vmem>> -> memref<1x128xi32, #tpu.memory_space<vmem>>
    %dma_start3A_93 = tpu.memref_squeeze %dma_start3A_92 : memref<1x128xi32, #tpu.memory_space<vmem>> -> memref<128xi32, #tpu.memory_space<vmem>>
    %dma_start3A_94 = arith.constant 0 : i32
    %dma_start3A_95 = arith.constant 0 : i32
    %dma_start3A_96 = tpu.memref_slice %arg2[%dma_start3A_94, %dma_start3A_95] : memref<10000x128xf32, #tpu.memory_space<hbm>> -> memref<10000x128xf32, #tpu.memory_space<hbm>>
    tpu.enqueue_indirect_dma source(%dma_start3A_96 : memref<10000x128xf32, #tpu.memory_space<hbm>>) target(%arg9 : memref<128x128xf32, #tpu.memory_space<vmem>>) offsets(%dma_start3A_93 : memref<128xi32, #tpu.memory_space<vmem>>) semaphore(%arg12 : memref<!tpu.dma_semaphore, #tpu.memory_space<semaphore_mem>>)
    %dma_start3A_97 = arith.constant 0 : i32
    %dma_start3A_98 = arith.constant 1 : i32
    %dma_start3A_99 = arith.constant 0 : i32
    %dma_start3A_100 = arith.constant 0 : i32
    %dma_start3A_101 = tpu.memref_slice %arg7[%dma_start3A_97, %dma_start3A_99, %dma_start3A_100] : memref<2x8x128xi32, #tpu.memory_space<vmem>> -> memref<1x8x128xi32, #tpu.memory_space<vmem>>
    %dma_start3A_102 = tpu.memref_squeeze %dma_start3A_101 : memref<1x8x128xi32, #tpu.memory_space<vmem>> -> memref<8x128xi32, #tpu.memory_space<vmem>>
    %dma_start3A_103 = arith.constant 0 : i32
    %dma_start3A_104 = tpu.memref_slice %dma_start3A_102[%dma_start3A_98, %dma_start3A_103] : memref<8x128xi32, #tpu.memory_space<vmem>> -> memref<1x128xi32, #tpu.memory_space<vmem>>
    %dma_start3A_105 = tpu.memref_squeeze %dma_start3A_104 : memref<1x128xi32, #tpu.memory_space<vmem>> -> memref<128xi32, #tpu.memory_space<vmem>>
    %dma_start3A_106 = arith.constant 0 : i32
    %dma_start3A_107 = arith.constant 0 : i32
    %dma_start3A_108 = tpu.memref_slice %arg2[%dma_start3A_106, %dma_start3A_107] : memref<10000x128xf32, #tpu.memory_space<hbm>> -> memref<10000x128xf32, #tpu.memory_space<hbm>>
    tpu.enqueue_indirect_dma source(%dma_start3A_108 : memref<10000x128xf32, #tpu.memory_space<hbm>>) target(%arg10 : memref<128x128xf32, #tpu.memory_space<vmem>>) offsets(%dma_start3A_105 : memref<128xi32, #tpu.memory_space<vmem>>) semaphore(%arg13 : memref<!tpu.dma_semaphore, #tpu.memory_space<semaphore_mem>>)
    %mul3A_109 = arith.constant 632 : i32
    %mul3A_110 = arith.muli %arg1, %mul3A_109 : i32
    %mul3A_111 = arith.constant 632 : i32
    %mul3A_112 = arith.muli %arg1, %mul3A_111 : i32
    "tpu.region"() ({
      %run_scoped3A = tpu.sem_alloc : memref<!tpu.dma_semaphore, #tpu.memory_space<semaphore_mem>>
      %dma_start3A_122 = arith.constant 0 : i32
      %dma_start3A_123 = tpu.memref_slice %arg11[%mul3A_112, %dma_start3A_122] : memref<10112x128xf32, #tpu.memory_space<vmem_shared>> -> memref<632x128xf32, #tpu.memory_space<vmem_shared>>
      %dma_start3A_124 = arith.constant 0 : i32
      %dma_start3A_125 = tpu.memref_slice %arg5[%mul3A_110, %dma_start3A_124] : memref<10112x128xf32, #tpu.memory_space<hbm>> -> memref<632x128xf32, #tpu.memory_space<hbm>>
      tpu.enqueue_dma source(%dma_start3A_125 : memref<632x128xf32, #tpu.memory_space<hbm>>) target(%dma_start3A_123 : memref<632x128xf32, #tpu.memory_space<vmem_shared>>) target_semaphore(%run_scoped3A : memref<!tpu.dma_semaphore, #tpu.memory_space<semaphore_mem>>)
      %dma_wait3A_126 = arith.constant 0 : i32
      %dma_wait3A_127 = tpu.memref_slice %arg11[%mul3A_112, %dma_wait3A_126] : memref<10112x128xf32, #tpu.memory_space<vmem_shared>> -> memref<632x128xf32, #tpu.memory_space<vmem_shared>>
      %dma_wait3A_128 = arith.constant 0 : i32
      %dma_wait3A_129 = tpu.memref_slice %arg5[%mul3A_110, %dma_wait3A_128] : memref<10112x128xf32, #tpu.memory_space<hbm>> -> memref<632x128xf32, #tpu.memory_space<hbm>>
      tpu.wait_dma2 semaphore(%run_scoped3A : memref<!tpu.dma_semaphore, #tpu.memory_space<semaphore_mem>>) src(%dma_wait3A_129 : memref<632x128xf32, #tpu.memory_space<hbm>>) dst(%dma_wait3A_127 : memref<632x128xf32, #tpu.memory_space<vmem_shared>>)
      tpu.yield
    }) : () -> ()
    %barrier3A = arith.constant 0 : index
    tpu.barrier barrier_id(%barrier3A)
    %scan3A = arith.constant 0 : i32
    %scan3A_113 = arith.constant 5 : i32
    %scan3A_114 = arith.addi %scan3A, %scan3A_113 : i32
    %scan3A_115 = arith.constant 1 : i32
    scf.for %scan3A_122 = %scan3A to %scan3A_114 step %scan3A_115  : i32 {
      %mul3A_123 = arith.constant 2 : i32
      %mul3A_124 = arith.muli %scan3A_122, %mul3A_123 : i32
      %add3A_125 = arith.constant 0 : i32
      %add3A_126 = arith.addi %add3A_125, %mul3A_124 : i32
      %add3A_127 = arith.constant 0 : i32
      %add3A_128 = arith.addi %add3A_126, %add3A_127 : i32
      %scan3A_129 = arith.constant 0 : i32
      %scan3A_130 = arith.constant 3 : i32
      %scan3A_131 = arith.addi %scan3A_129, %scan3A_130 : i32
      %scan3A_132 = arith.constant 1 : i32
      scf.for %scan3A_237 = %scan3A_129 to %scan3A_131 step %scan3A_132  : i32 {
        %mul3A_238 = arith.constant 2 : i32
        %mul3A_239 = arith.muli %scan3A_237, %mul3A_238 : i32
        %add3A_240 = arith.constant 0 : i32
        %add3A_241 = arith.addi %add3A_240, %mul3A_239 : i32
        %add3A_242 = arith.constant 0 : i32
        %add3A_243 = arith.addi %add3A_241, %add3A_242 : i32
        %dma_wait3A_244 = arith.constant 0 : i32
        %dma_wait3A_245 = arith.constant 0 : i32
        %dma_wait3A_246 = arith.constant 0 : i32
        %dma_wait3A_247 = tpu.memref_slice %arg7[%dma_wait3A_244, %dma_wait3A_245, %dma_wait3A_246] : memref<2x8x128xi32, #tpu.memory_space<vmem>> -> memref<1x8x128xi32, #tpu.memory_space<vmem>>
        %dma_wait3A_248 = tpu.memref_squeeze %dma_wait3A_247 : memref<1x8x128xi32, #tpu.memory_space<vmem>> -> memref<8x128xi32, #tpu.memory_space<vmem>>
        %dma_wait3A_249 = arith.constant 0 : i32
        %dma_wait3A_250 = tpu.memref_slice %dma_wait3A_248[%add3A_243, %dma_wait3A_249] : memref<8x128xi32, #tpu.memory_space<vmem>> -> memref<1x128xi32, #tpu.memory_space<vmem>>
        %dma_wait3A_251 = tpu.memref_squeeze %dma_wait3A_250 : memref<1x128xi32, #tpu.memory_space<vmem>> -> memref<128xi32, #tpu.memory_space<vmem>>
        %dma_wait3A_252 = arith.constant 0 : i32
        %dma_wait3A_253 = arith.constant 0 : i32
        %dma_wait3A_254 = tpu.memref_slice %arg2[%dma_wait3A_252, %dma_wait3A_253] : memref<10000x128xf32, #tpu.memory_space<hbm>> -> memref<10000x128xf32, #tpu.memory_space<hbm>>
        tpu.wait_indirect_dma semaphore(%arg12 : memref<!tpu.dma_semaphore, #tpu.memory_space<semaphore_mem>>) src(%dma_wait3A_254 : memref<10000x128xf32, #tpu.memory_space<hbm>>) dst(%arg9 : memref<128x128xf32, #tpu.memory_space<vmem>>)
        %run_scoped3A_255 = arith.constant 0 : i32
        "tpu.region"() ({
          %run_scoped3A_296 = tpu.sem_alloc : memref<!tpu.dma_semaphore, #tpu.memory_space<semaphore_mem>>
          %dma_start3A_297 = arith.constant 0 : i32
          %dma_start3A_298 = arith.constant 0 : i32
          %dma_start3A_299 = tpu.memref_slice %arg8[%run_scoped3A_255, %dma_start3A_297, %dma_start3A_298] : memref<2x8x128xi32, #tpu.memory_space<vmem>> -> memref<1x8x128xi32, #tpu.memory_space<vmem>>
          %dma_start3A_300 = tpu.memref_squeeze %dma_start3A_299 : memref<1x8x128xi32, #tpu.memory_space<vmem>> -> memref<8x128xi32, #tpu.memory_space<vmem>>
          %dma_start3A_301 = arith.constant 0 : i32
          %dma_start3A_302 = tpu.memref_slice %dma_start3A_300[%add3A_243, %dma_start3A_301] : memref<8x128xi32, #tpu.memory_space<vmem>> -> memref<1x128xi32, #tpu.memory_space<vmem>>
          %dma_start3A_303 = tpu.memref_squeeze %dma_start3A_302 : memref<1x128xi32, #tpu.memory_space<vmem>> -> memref<128xi32, #tpu.memory_space<vmem>>
          %dma_start3A_304 = arith.constant 0 : i32
          %dma_start3A_305 = arith.constant 0 : i32
          %dma_start3A_306 = tpu.memref_slice %arg11[%dma_start3A_304, %dma_start3A_305] : memref<10112x128xf32, #tpu.memory_space<vmem_shared>> -> memref<10112x128xf32, #tpu.memory_space<vmem_shared>>
          tpu.enqueue_indirect_dma source(%arg9 : memref<128x128xf32, #tpu.memory_space<vmem>>) target(%dma_start3A_306 : memref<10112x128xf32, #tpu.memory_space<vmem_shared>>) offsets(%dma_start3A_303 : memref<128xi32, #tpu.memory_space<vmem>>) semaphore(%run_scoped3A_296 : memref<!tpu.dma_semaphore, #tpu.memory_space<semaphore_mem>>) {add = true}
          %dma_wait3A_307 = arith.constant 0 : i32
          %dma_wait3A_308 = arith.constant 0 : i32
          %dma_wait3A_309 = tpu.memref_slice %arg8[%run_scoped3A_255, %dma_wait3A_307, %dma_wait3A_308] : memref<2x8x128xi32, #tpu.memory_space<vmem>> -> memref<1x8x128xi32, #tpu.memory_space<vmem>>
          %dma_wait3A_310 = tpu.memref_squeeze %dma_wait3A_309 : memref<1x8x128xi32, #tpu.memory_space<vmem>> -> memref<8x128xi32, #tpu.memory_space<vmem>>
          %dma_wait3A_311 = arith.constant 0 : i32
          %dma_wait3A_312 = tpu.memref_slice %dma_wait3A_310[%add3A_243, %dma_wait3A_311] : memref<8x128xi32, #tpu.memory_space<vmem>> -> memref<1x128xi32, #tpu.memory_space<vmem>>
          %dma_wait3A_313 = tpu.memref_squeeze %dma_wait3A_312 : memref<1x128xi32, #tpu.memory_space<vmem>> -> memref<128xi32, #tpu.memory_space<vmem>>
          %dma_wait3A_314 = arith.constant 0 : i32
          %dma_wait3A_315 = arith.constant 0 : i32
          %dma_wait3A_316 = tpu.memref_slice %arg11[%dma_wait3A_314, %dma_wait3A_315] : memref<10112x128xf32, #tpu.memory_space<vmem_shared>> -> memref<10112x128xf32, #tpu.memory_space<vmem_shared>>
          tpu.wait_indirect_dma semaphore(%run_scoped3A_296 : memref<!tpu.dma_semaphore, #tpu.memory_space<semaphore_mem>>) src(%arg9 : memref<128x128xf32, #tpu.memory_space<vmem>>) dst(%dma_wait3A_316 : memref<10112x128xf32, #tpu.memory_space<vmem_shared>>)
          tpu.yield
        }) : () -> ()
        %add3A_256 = arith.constant 2 : i32
        %add3A_257 = arith.addi %add3A_243, %add3A_256 : i32
        %dma_start3A_258 = arith.constant 0 : i32
        %dma_start3A_259 = arith.constant 0 : i32
        %dma_start3A_260 = arith.constant 0 : i32
        %dma_start3A_261 = tpu.memref_slice %arg7[%dma_start3A_258, %dma_start3A_259, %dma_start3A_260] : memref<2x8x128xi32, #tpu.memory_space<vmem>> -> memref<1x8x128xi32, #tpu.memory_space<vmem>>
        %dma_start3A_262 = tpu.memref_squeeze %dma_start3A_261 : memref<1x8x128xi32, #tpu.memory_space<vmem>> -> memref<8x128xi32, #tpu.memory_space<vmem>>
        %dma_start3A_263 = arith.constant 0 : i32
        %dma_start3A_264 = tpu.memref_slice %dma_start3A_262[%add3A_257, %dma_start3A_263] : memref<8x128xi32, #tpu.memory_space<vmem>> -> memref<1x128xi32, #tpu.memory_space<vmem>>
        %dma_start3A_265 = tpu.memref_squeeze %dma_start3A_264 : memref<1x128xi32, #tpu.memory_space<vmem>> -> memref<128xi32, #tpu.memory_space<vmem>>
        %dma_start3A_266 = arith.constant 0 : i32
        %dma_start3A_267 = arith.constant 0 : i32
        %dma_start3A_268 = tpu.memref_slice %arg2[%dma_start3A_266, %dma_start3A_267] : memref<10000x128xf32, #tpu.memory_space<hbm>> -> memref<10000x128xf32, #tpu.memory_space<hbm>>
        tpu.enqueue_indirect_dma source(%dma_start3A_268 : memref<10000x128xf32, #tpu.memory_space<hbm>>) target(%arg9 : memref<128x128xf32, #tpu.memory_space<vmem>>) offsets(%dma_start3A_265 : memref<128xi32, #tpu.memory_space<vmem>>) semaphore(%arg12 : memref<!tpu.dma_semaphore, #tpu.memory_space<semaphore_mem>>)
        %add3A_269 = arith.constant 1 : i32
        %add3A_270 = arith.addi %add3A_241, %add3A_269 : i32
        %dma_wait3A_271 = arith.constant 0 : i32
        %dma_wait3A_272 = arith.constant 0 : i32
        %dma_wait3A_273 = arith.constant 0 : i32
        %dma_wait3A_274 = tpu.memref_slice %arg7[%dma_wait3A_271, %dma_wait3A_272, %dma_wait3A_273] : memref<2x8x128xi32, #tpu.memory_space<vmem>> -> memref<1x8x128xi32, #tpu.memory_space<vmem>>
        %dma_wait3A_275 = tpu.memref_squeeze %dma_wait3A_274 : memref<1x8x128xi32, #tpu.memory_space<vmem>> -> memref<8x128xi32, #tpu.memory_space<vmem>>
        %dma_wait3A_276 = arith.constant 0 : i32
        %dma_wait3A_277 = tpu.memref_slice %dma_wait3A_275[%add3A_270, %dma_wait3A_276] : memref<8x128xi32, #tpu.memory_space<vmem>> -> memref<1x128xi32, #tpu.memory_space<vmem>>
        %dma_wait3A_278 = tpu.memref_squeeze %dma_wait3A_277 : memref<1x128xi32, #tpu.memory_space<vmem>> -> memref<128xi32, #tpu.memory_space<vmem>>
        %dma_wait3A_279 = arith.constant 0 : i32
        %dma_wait3A_280 = arith.constant 0 : i32
        %dma_wait3A_281 = tpu.memref_slice %arg2[%dma_wait3A_279, %dma_wait3A_280] : memref<10000x128xf32, #tpu.memory_space<hbm>> -> memref<10000x128xf32, #tpu.memory_space<hbm>>
        tpu.wait_indirect_dma semaphore(%arg13 : memref<!tpu.dma_semaphore, #tpu.memory_space<semaphore_mem>>) src(%dma_wait3A_281 : memref<10000x128xf32, #tpu.memory_space<hbm>>) dst(%arg10 : memref<128x128xf32, #tpu.memory_space<vmem>>)
        %run_scoped3A_282 = arith.constant 0 : i32
        "tpu.region"() ({
          %run_scoped3A_296 = tpu.sem_alloc : memref<!tpu.dma_semaphore, #tpu.memory_space<semaphore_mem>>
          %dma_start3A_297 = arith.constant 0 : i32
          %dma_start3A_298 = arith.constant 0 : i32
          %dma_start3A_299 = tpu.memref_slice %arg8[%run_scoped3A_282, %dma_start3A_297, %dma_start3A_298] : memref<2x8x128xi32, #tpu.memory_space<vmem>> -> memref<1x8x128xi32, #tpu.memory_space<vmem>>
          %dma_start3A_300 = tpu.memref_squeeze %dma_start3A_299 : memref<1x8x128xi32, #tpu.memory_space<vmem>> -> memref<8x128xi32, #tpu.memory_space<vmem>>
          %dma_start3A_301 = arith.constant 0 : i32
          %dma_start3A_302 = tpu.memref_slice %dma_start3A_300[%add3A_270, %dma_start3A_301] : memref<8x128xi32, #tpu.memory_space<vmem>> -> memref<1x128xi32, #tpu.memory_space<vmem>>
          %dma_start3A_303 = tpu.memref_squeeze %dma_start3A_302 : memref<1x128xi32, #tpu.memory_space<vmem>> -> memref<128xi32, #tpu.memory_space<vmem>>
          %dma_start3A_304 = arith.constant 0 : i32
          %dma_start3A_305 = arith.constant 0 : i32
          %dma_start3A_306 = tpu.memref_slice %arg11[%dma_start3A_304, %dma_start3A_305] : memref<10112x128xf32, #tpu.memory_space<vmem_shared>> -> memref<10112x128xf32, #tpu.memory_space<vmem_shared>>
          tpu.enqueue_indirect_dma source(%arg10 : memref<128x128xf32, #tpu.memory_space<vmem>>) target(%dma_start3A_306 : memref<10112x128xf32, #tpu.memory_space<vmem_shared>>) offsets(%dma_start3A_303 : memref<128xi32, #tpu.memory_space<vmem>>) semaphore(%run_scoped3A_296 : memref<!tpu.dma_semaphore, #tpu.memory_space<semaphore_mem>>) {add = true}
          %dma_wait3A_307 = arith.constant 0 : i32
          %dma_wait3A_308 = arith.constant 0 : i32
          %dma_wait3A_309 = tpu.memref_slice %arg8[%run_scoped3A_282, %dma_wait3A_307, %dma_wait3A_308] : memref<2x8x128xi32, #tpu.memory_space<vmem>> -> memref<1x8x128xi32, #tpu.memory_space<vmem>>
          %dma_wait3A_310 = tpu.memref_squeeze %dma_wait3A_309 : memref<1x8x128xi32, #tpu.memory_space<vmem>> -> memref<8x128xi32, #tpu.memory_space<vmem>>
          %dma_wait3A_311 = arith.constant 0 : i32
          %dma_wait3A_312 = tpu.memref_slice %dma_wait3A_310[%add3A_270, %dma_wait3A_311] : memref<8x128xi32, #tpu.memory_space<vmem>> -> memref<1x128xi32, #tpu.memory_space<vmem>>
          %dma_wait3A_313 = tpu.memref_squeeze %dma_wait3A_312 : memref<1x128xi32, #tpu.memory_space<vmem>> -> memref<128xi32, #tpu.memory_space<vmem>>
          %dma_wait3A_314 = arith.constant 0 : i32
          %dma_wait3A_315 = arith.constant 0 : i32
          %dma_wait3A_316 = tpu.memref_slice %arg11[%dma_wait3A_314, %dma_wait3A_315] : memref<10112x128xf32, #tpu.memory_space<vmem_shared>> -> memref<10112x128xf32, #tpu.memory_space<vmem_shared>>
          tpu.wait_indirect_dma semaphore(%run_scoped3A_296 : memref<!tpu.dma_semaphore, #tpu.memory_space<semaphore_mem>>) src(%arg10 : memref<128x128xf32, #tpu.memory_space<vmem>>) dst(%dma_wait3A_316 : memref<10112x128xf32, #tpu.memory_space<vmem_shared>>)
          tpu.yield
        }) : () -> ()
        %add3A_283 = arith.constant 2 : i32
        %add3A_284 = arith.addi %add3A_270, %add3A_283 : i32
        %dma_start3A_285 = arith.constant 0 : i32
        %dma_start3A_286 = arith.constant 0 : i32
        %dma_start3A_287 = arith.constant 0 : i32
        %dma_start3A_288 = tpu.memref_slice %arg7[%dma_start3A_285, %dma_start3A_286, %dma_start3A_287] : memref<2x8x128xi32, #tpu.memory_space<vmem>> -> memref<1x8x128xi32, #tpu.memory_space<vmem>>
        %dma_start3A_289 = tpu.memref_squeeze %dma_start3A_288 : memref<1x8x128xi32, #tpu.memory_space<vmem>> -> memref<8x128xi32, #tpu.memory_space<vmem>>
        %dma_start3A_290 = arith.constant 0 : i32
        %dma_start3A_291 = tpu.memref_slice %dma_start3A_289[%add3A_284, %dma_start3A_290] : memref<8x128xi32, #tpu.memory_space<vmem>> -> memref<1x128xi32, #tpu.memory_space<vmem>>
        %dma_start3A_292 = tpu.memref_squeeze %dma_start3A_291 : memref<1x128xi32, #tpu.memory_space<vmem>> -> memref<128xi32, #tpu.memory_space<vmem>>
        %dma_start3A_293 = arith.constant 0 : i32
        %dma_start3A_294 = arith.constant 0 : i32
        %dma_start3A_295 = tpu.memref_slice %arg2[%dma_start3A_293, %dma_start3A_294] : memref<10000x128xf32, #tpu.memory_space<hbm>> -> memref<10000x128xf32, #tpu.memory_space<hbm>>
        tpu.enqueue_indirect_dma source(%dma_start3A_295 : memref<10000x128xf32, #tpu.memory_space<hbm>>) target(%arg10 : memref<128x128xf32, #tpu.memory_space<vmem>>) offsets(%dma_start3A_292 : memref<128xi32, #tpu.memory_space<vmem>>) semaphore(%arg13 : memref<!tpu.dma_semaphore, #tpu.memory_space<semaphore_mem>>)
      }
      %scan3A_133 = arith.constant 3 : i32
      %lt3A = arith.constant 9 : i32
      %lt3A_134 = arith.cmpi slt, %add3A_128, %lt3A : i32
      %convert_element_type3A = arith.extui %lt3A_134 : i1 to i32
      %cond3A = arith.constant 0 : i32
      %cond3A_135 = arith.cmpi ne, %convert_element_type3A, %cond3A : i32
      scf.if %cond3A_135 {
        %add3A_237 = arith.constant 1 : i32
        %add3A_238 = arith.addi %add3A_128, %add3A_237 : i32
        %mul3A_239 = arith.constant 8 : i32
        %mul3A_240 = arith.muli %add3A_238, %mul3A_239 : i32
        %add3A_241 = arith.addi %mul3A_2, %mul3A_240 : i32
        %dma_wait3A_242 = arith.constant 1 : i32
        %dma_wait3A_243 = arith.constant 0 : i32
        %dma_wait3A_244 = arith.constant 0 : i32
        %dma_wait3A_245 = tpu.memref_slice %arg7[%dma_wait3A_242, %dma_wait3A_243, %dma_wait3A_244] : memref<2x8x128xi32, #tpu.memory_space<vmem>> -> memref<1x8x128xi32, #tpu.memory_space<vmem>>
        %dma_wait3A_246 = tpu.memref_squeeze %dma_wait3A_245 : memref<1x8x128xi32, #tpu.memory_space<vmem>> -> memref<8x128xi32, #tpu.memory_space<vmem>>
        %dma_wait3A_247 = arith.constant 0 : i32
        %dma_wait3A_248 = tpu.memref_slice %arg3[%add3A_241, %dma_wait3A_247] : memref<2560x128xi32, #tpu.memory_space<hbm>> -> memref<8x128xi32, #tpu.memory_space<hbm>>
        %dma_wait3A_249 = arith.constant 0 : i32
        %dma_wait3A_250 = arith.constant 0 : i32
        %dma_wait3A_251 = tpu.memref_slice %arg7[%dma_wait3A_242, %dma_wait3A_249, %dma_wait3A_250] : memref<2x8x128xi32, #tpu.memory_space<vmem>> -> memref<1x8x128xi32, #tpu.memory_space<vmem>>
        %dma_wait3A_252 = tpu.memref_squeeze %dma_wait3A_251 : memref<1x8x128xi32, #tpu.memory_space<vmem>> -> memref<8x128xi32, #tpu.memory_space<vmem>>
        %dma_wait3A_253 = arith.constant 0 : i32
        %dma_wait3A_254 = tpu.memref_slice %arg3[%add3A_241, %dma_wait3A_253] : memref<2560x128xi32, #tpu.memory_space<hbm>> -> memref<8x128xi32, #tpu.memory_space<hbm>>
        tpu.wait_dma2 semaphore(%arg15 : memref<!tpu.dma_semaphore, #tpu.memory_space<semaphore_mem>>) src(%dma_wait3A_254 : memref<8x128xi32, #tpu.memory_space<hbm>>) dst(%dma_wait3A_252 : memref<8x128xi32, #tpu.memory_space<vmem>>)
        %dma_wait3A_255 = arith.constant 1 : i32
        %dma_wait3A_256 = arith.constant 0 : i32
        %dma_wait3A_257 = arith.constant 0 : i32
        %dma_wait3A_258 = tpu.memref_slice %arg8[%dma_wait3A_255, %dma_wait3A_256, %dma_wait3A_257] : memref<2x8x128xi32, #tpu.memory_space<vmem>> -> memref<1x8x128xi32, #tpu.memory_space<vmem>>
        %dma_wait3A_259 = tpu.memref_squeeze %dma_wait3A_258 : memref<1x8x128xi32, #tpu.memory_space<vmem>> -> memref<8x128xi32, #tpu.memory_space<vmem>>
        %dma_wait3A_260 = arith.constant 0 : i32
        %dma_wait3A_261 = tpu.memref_slice %arg4[%add3A_241, %dma_wait3A_260] : memref<2560x128xi32, #tpu.memory_space<hbm>> -> memref<8x128xi32, #tpu.memory_space<hbm>>
        %dma_wait3A_262 = arith.constant 0 : i32
        %dma_wait3A_263 = arith.constant 0 : i32
        %dma_wait3A_264 = tpu.memref_slice %arg8[%dma_wait3A_255, %dma_wait3A_262, %dma_wait3A_263] : memref<2x8x128xi32, #tpu.memory_space<vmem>> -> memref<1x8x128xi32, #tpu.memory_space<vmem>>
        %dma_wait3A_265 = tpu.memref_squeeze %dma_wait3A_264 : memref<1x8x128xi32, #tpu.memory_space<vmem>> -> memref<8x128xi32, #tpu.memory_space<vmem>>
        %dma_wait3A_266 = arith.constant 0 : i32
        %dma_wait3A_267 = tpu.memref_slice %arg4[%add3A_241, %dma_wait3A_266] : memref<2560x128xi32, #tpu.memory_space<hbm>> -> memref<8x128xi32, #tpu.memory_space<hbm>>
        tpu.wait_dma2 semaphore(%arg15 : memref<!tpu.dma_semaphore, #tpu.memory_space<semaphore_mem>>) src(%dma_wait3A_267 : memref<8x128xi32, #tpu.memory_space<hbm>>) dst(%dma_wait3A_265 : memref<8x128xi32, #tpu.memory_space<vmem>>)
      } else {
      }
      %dma_wait3A_136 = arith.constant 0 : i32
      %dma_wait3A_137 = arith.constant 6 : i32
      %dma_wait3A_138 = arith.constant 0 : i32
      %dma_wait3A_139 = arith.constant 0 : i32
      %dma_wait3A_140 = tpu.memref_slice %arg7[%dma_wait3A_136, %dma_wait3A_138, %dma_wait3A_139] : memref<2x8x128xi32, #tpu.memory_space<vmem>> -> memref<1x8x128xi32, #tpu.memory_space<vmem>>
      %dma_wait3A_141 = tpu.memref_squeeze %dma_wait3A_140 : memref<1x8x128xi32, #tpu.memory_space<vmem>> -> memref<8x128xi32, #tpu.memory_space<vmem>>
      %dma_wait3A_142 = arith.constant 0 : i32
      %dma_wait3A_143 = tpu.memref_slice %dma_wait3A_141[%dma_wait3A_137, %dma_wait3A_142] : memref<8x128xi32, #tpu.memory_space<vmem>> -> memref<1x128xi32, #tpu.memory_space<vmem>>
      %dma_wait3A_144 = tpu.memref_squeeze %dma_wait3A_143 : memref<1x128xi32, #tpu.memory_space<vmem>> -> memref<128xi32, #tpu.memory_space<vmem>>
      %dma_wait3A_145 = arith.constant 0 : i32
      %dma_wait3A_146 = arith.constant 0 : i32
      %dma_wait3A_147 = tpu.memref_slice %arg2[%dma_wait3A_145, %dma_wait3A_146] : memref<10000x128xf32, #tpu.memory_space<hbm>> -> memref<10000x128xf32, #tpu.memory_space<hbm>>
      tpu.wait_indirect_dma semaphore(%arg12 : memref<!tpu.dma_semaphore, #tpu.memory_space<semaphore_mem>>) src(%dma_wait3A_147 : memref<10000x128xf32, #tpu.memory_space<hbm>>) dst(%arg9 : memref<128x128xf32, #tpu.memory_space<vmem>>)
      %run_scoped3A = arith.constant 0 : i32
      %run_scoped3A_148 = arith.constant 6 : i32
      "tpu.region"() ({
        %run_scoped3A_237 = tpu.sem_alloc : memref<!tpu.dma_semaphore, #tpu.memory_space<semaphore_mem>>
        %dma_start3A_238 = arith.constant 0 : i32
        %dma_start3A_239 = arith.constant 0 : i32
        %dma_start3A_240 = tpu.memref_slice %arg8[%run_scoped3A, %dma_start3A_238, %dma_start3A_239] : memref<2x8x128xi32, #tpu.memory_space<vmem>> -> memref<1x8x128xi32, #tpu.memory_space<vmem>>
        %dma_start3A_241 = tpu.memref_squeeze %dma_start3A_240 : memref<1x8x128xi32, #tpu.memory_space<vmem>> -> memref<8x128xi32, #tpu.memory_space<vmem>>
        %dma_start3A_242 = arith.constant 0 : i32
        %dma_start3A_243 = tpu.memref_slice %dma_start3A_241[%run_scoped3A_148, %dma_start3A_242] : memref<8x128xi32, #tpu.memory_space<vmem>> -> memref<1x128xi32, #tpu.memory_space<vmem>>
        %dma_start3A_244 = tpu.memref_squeeze %dma_start3A_243 : memref<1x128xi32, #tpu.memory_space<vmem>> -> memref<128xi32, #tpu.memory_space<vmem>>
        %dma_start3A_245 = arith.constant 0 : i32
        %dma_start3A_246 = arith.constant 0 : i32
        %dma_start3A_247 = tpu.memref_slice %arg11[%dma_start3A_245, %dma_start3A_246] : memref<10112x128xf32, #tpu.memory_space<vmem_shared>> -> memref<10112x128xf32, #tpu.memory_space<vmem_shared>>
        tpu.enqueue_indirect_dma source(%arg9 : memref<128x128xf32, #tpu.memory_space<vmem>>) target(%dma_start3A_247 : memref<10112x128xf32, #tpu.memory_space<vmem_shared>>) offsets(%dma_start3A_244 : memref<128xi32, #tpu.memory_space<vmem>>) semaphore(%run_scoped3A_237 : memref<!tpu.dma_semaphore, #tpu.memory_space<semaphore_mem>>) {add = true}
        %dma_wait3A_248 = arith.constant 0 : i32
        %dma_wait3A_249 = arith.constant 0 : i32
        %dma_wait3A_250 = tpu.memref_slice %arg8[%run_scoped3A, %dma_wait3A_248, %dma_wait3A_249] : memref<2x8x128xi32, #tpu.memory_space<vmem>> -> memref<1x8x128xi32, #tpu.memory_space<vmem>>
        %dma_wait3A_251 = tpu.memref_squeeze %dma_wait3A_250 : memref<1x8x128xi32, #tpu.memory_space<vmem>> -> memref<8x128xi32, #tpu.memory_space<vmem>>
        %dma_wait3A_252 = arith.constant 0 : i32
        %dma_wait3A_253 = tpu.memref_slice %dma_wait3A_251[%run_scoped3A_148, %dma_wait3A_252] : memref<8x128xi32, #tpu.memory_space<vmem>> -> memref<1x128xi32, #tpu.memory_space<vmem>>
        %dma_wait3A_254 = tpu.memref_squeeze %dma_wait3A_253 : memref<1x128xi32, #tpu.memory_space<vmem>> -> memref<128xi32, #tpu.memory_space<vmem>>
        %dma_wait3A_255 = arith.constant 0 : i32
        %dma_wait3A_256 = arith.constant 0 : i32
        %dma_wait3A_257 = tpu.memref_slice %arg11[%dma_wait3A_255, %dma_wait3A_256] : memref<10112x128xf32, #tpu.memory_space<vmem_shared>> -> memref<10112x128xf32, #tpu.memory_space<vmem_shared>>
        tpu.wait_indirect_dma semaphore(%run_scoped3A_237 : memref<!tpu.dma_semaphore, #tpu.memory_space<semaphore_mem>>) src(%arg9 : memref<128x128xf32, #tpu.memory_space<vmem>>) dst(%dma_wait3A_257 : memref<10112x128xf32, #tpu.memory_space<vmem_shared>>)
        tpu.yield
      }) : () -> ()
      %lt3A_149 = arith.constant 9 : i32
      %lt3A_150 = arith.cmpi slt, %add3A_128, %lt3A_149 : i32
      %convert_element_type3A_151 = arith.extui %lt3A_150 : i1 to i32
      %cond3A_152 = arith.constant 0 : i32
      %cond3A_153 = arith.cmpi ne, %convert_element_type3A_151, %cond3A_152 : i32
      scf.if %cond3A_153 {
        %dma_start3A_237 = arith.constant 1 : i32
        %dma_start3A_238 = arith.constant 0 : i32
        %dma_start3A_239 = arith.constant 0 : i32
        %dma_start3A_240 = arith.constant 0 : i32
        %dma_start3A_241 = tpu.memref_slice %arg7[%dma_start3A_237, %dma_start3A_239, %dma_start3A_240] : memref<2x8x128xi32, #tpu.memory_space<vmem>> -> memref<1x8x128xi32, #tpu.memory_space<vmem>>
        %dma_start3A_242 = tpu.memref_squeeze %dma_start3A_241 : memref<1x8x128xi32, #tpu.memory_space<vmem>> -> memref<8x128xi32, #tpu.memory_space<vmem>>
        %dma_start3A_243 = arith.constant 0 : i32
        %dma_start3A_244 = tpu.memref_slice %dma_start3A_242[%dma_start3A_238, %dma_start3A_243] : memref<8x128xi32, #tpu.memory_space<vmem>> -> memref<1x128xi32, #tpu.memory_space<vmem>>
        %dma_start3A_245 = tpu.memref_squeeze %dma_start3A_244 : memref<1x128xi32, #tpu.memory_space<vmem>> -> memref<128xi32, #tpu.memory_space<vmem>>
        %dma_start3A_246 = arith.constant 0 : i32
        %dma_start3A_247 = arith.constant 0 : i32
        %dma_start3A_248 = tpu.memref_slice %arg2[%dma_start3A_246, %dma_start3A_247] : memref<10000x128xf32, #tpu.memory_space<hbm>> -> memref<10000x128xf32, #tpu.memory_space<hbm>>
        tpu.enqueue_indirect_dma source(%dma_start3A_248 : memref<10000x128xf32, #tpu.memory_space<hbm>>) target(%arg9 : memref<128x128xf32, #tpu.memory_space<vmem>>) offsets(%dma_start3A_245 : memref<128xi32, #tpu.memory_space<vmem>>) semaphore(%arg12 : memref<!tpu.dma_semaphore, #tpu.memory_space<semaphore_mem>>)
      } else {
      }
      %dma_wait3A_154 = arith.constant 0 : i32
      %dma_wait3A_155 = arith.constant 7 : i32
      %dma_wait3A_156 = arith.constant 0 : i32
      %dma_wait3A_157 = arith.constant 0 : i32
      %dma_wait3A_158 = tpu.memref_slice %arg7[%dma_wait3A_154, %dma_wait3A_156, %dma_wait3A_157] : memref<2x8x128xi32, #tpu.memory_space<vmem>> -> memref<1x8x128xi32, #tpu.memory_space<vmem>>
      %dma_wait3A_159 = tpu.memref_squeeze %dma_wait3A_158 : memref<1x8x128xi32, #tpu.memory_space<vmem>> -> memref<8x128xi32, #tpu.memory_space<vmem>>
      %dma_wait3A_160 = arith.constant 0 : i32
      %dma_wait3A_161 = tpu.memref_slice %dma_wait3A_159[%dma_wait3A_155, %dma_wait3A_160] : memref<8x128xi32, #tpu.memory_space<vmem>> -> memref<1x128xi32, #tpu.memory_space<vmem>>
      %dma_wait3A_162 = tpu.memref_squeeze %dma_wait3A_161 : memref<1x128xi32, #tpu.memory_space<vmem>> -> memref<128xi32, #tpu.memory_space<vmem>>
      %dma_wait3A_163 = arith.constant 0 : i32
      %dma_wait3A_164 = arith.constant 0 : i32
      %dma_wait3A_165 = tpu.memref_slice %arg2[%dma_wait3A_163, %dma_wait3A_164] : memref<10000x128xf32, #tpu.memory_space<hbm>> -> memref<10000x128xf32, #tpu.memory_space<hbm>>
      tpu.wait_indirect_dma semaphore(%arg13 : memref<!tpu.dma_semaphore, #tpu.memory_space<semaphore_mem>>) src(%dma_wait3A_165 : memref<10000x128xf32, #tpu.memory_space<hbm>>) dst(%arg10 : memref<128x128xf32, #tpu.memory_space<vmem>>)
      %run_scoped3A_166 = arith.constant 0 : i32
      %run_scoped3A_167 = arith.constant 7 : i32
      "tpu.region"() ({
        %run_scoped3A_237 = tpu.sem_alloc : memref<!tpu.dma_semaphore, #tpu.memory_space<semaphore_mem>>
        %dma_start3A_238 = arith.constant 0 : i32
        %dma_start3A_239 = arith.constant 0 : i32
        %dma_start3A_240 = tpu.memref_slice %arg8[%run_scoped3A_166, %dma_start3A_238, %dma_start3A_239] : memref<2x8x128xi32, #tpu.memory_space<vmem>> -> memref<1x8x128xi32, #tpu.memory_space<vmem>>
        %dma_start3A_241 = tpu.memref_squeeze %dma_start3A_240 : memref<1x8x128xi32, #tpu.memory_space<vmem>> -> memref<8x128xi32, #tpu.memory_space<vmem>>
        %dma_start3A_242 = arith.constant 0 : i32
        %dma_start3A_243 = tpu.memref_slice %dma_start3A_241[%run_scoped3A_167, %dma_start3A_242] : memref<8x128xi32, #tpu.memory_space<vmem>> -> memref<1x128xi32, #tpu.memory_space<vmem>>
        %dma_start3A_244 = tpu.memref_squeeze %dma_start3A_243 : memref<1x128xi32, #tpu.memory_space<vmem>> -> memref<128xi32, #tpu.memory_space<vmem>>
        %dma_start3A_245 = arith.constant 0 : i32
        %dma_start3A_246 = arith.constant 0 : i32
        %dma_start3A_247 = tpu.memref_slice %arg11[%dma_start3A_245, %dma_start3A_246] : memref<10112x128xf32, #tpu.memory_space<vmem_shared>> -> memref<10112x128xf32, #tpu.memory_space<vmem_shared>>
        tpu.enqueue_indirect_dma source(%arg10 : memref<128x128xf32, #tpu.memory_space<vmem>>) target(%dma_start3A_247 : memref<10112x128xf32, #tpu.memory_space<vmem_shared>>) offsets(%dma_start3A_244 : memref<128xi32, #tpu.memory_space<vmem>>) semaphore(%run_scoped3A_237 : memref<!tpu.dma_semaphore, #tpu.memory_space<semaphore_mem>>) {add = true}
        %dma_wait3A_248 = arith.constant 0 : i32
        %dma_wait3A_249 = arith.constant 0 : i32
        %dma_wait3A_250 = tpu.memref_slice %arg8[%run_scoped3A_166, %dma_wait3A_248, %dma_wait3A_249] : memref<2x8x128xi32, #tpu.memory_space<vmem>> -> memref<1x8x128xi32, #tpu.memory_space<vmem>>
        %dma_wait3A_251 = tpu.memref_squeeze %dma_wait3A_250 : memref<1x8x128xi32, #tpu.memory_space<vmem>> -> memref<8x128xi32, #tpu.memory_space<vmem>>
        %dma_wait3A_252 = arith.constant 0 : i32
        %dma_wait3A_253 = tpu.memref_slice %dma_wait3A_251[%run_scoped3A_167, %dma_wait3A_252] : memref<8x128xi32, #tpu.memory_space<vmem>> -> memref<1x128xi32, #tpu.memory_space<vmem>>
        %dma_wait3A_254 = tpu.memref_squeeze %dma_wait3A_253 : memref<1x128xi32, #tpu.memory_space<vmem>> -> memref<128xi32, #tpu.memory_space<vmem>>
        %dma_wait3A_255 = arith.constant 0 : i32
        %dma_wait3A_256 = arith.constant 0 : i32
        %dma_wait3A_257 = tpu.memref_slice %arg11[%dma_wait3A_255, %dma_wait3A_256] : memref<10112x128xf32, #tpu.memory_space<vmem_shared>> -> memref<10112x128xf32, #tpu.memory_space<vmem_shared>>
        tpu.wait_indirect_dma semaphore(%run_scoped3A_237 : memref<!tpu.dma_semaphore, #tpu.memory_space<semaphore_mem>>) src(%arg10 : memref<128x128xf32, #tpu.memory_space<vmem>>) dst(%dma_wait3A_257 : memref<10112x128xf32, #tpu.memory_space<vmem_shared>>)
        tpu.yield
      }) : () -> ()
      %lt3A_168 = arith.constant 9 : i32
      %lt3A_169 = arith.cmpi slt, %add3A_128, %lt3A_168 : i32
      %convert_element_type3A_170 = arith.extui %lt3A_169 : i1 to i32
      %cond3A_171 = arith.constant 0 : i32
      %cond3A_172 = arith.cmpi ne, %convert_element_type3A_170, %cond3A_171 : i32
      scf.if %cond3A_172 {
        %dma_start3A_237 = arith.constant 1 : i32
        %dma_start3A_238 = arith.constant 1 : i32
        %dma_start3A_239 = arith.constant 0 : i32
        %dma_start3A_240 = arith.constant 0 : i32
        %dma_start3A_241 = tpu.memref_slice %arg7[%dma_start3A_237, %dma_start3A_239, %dma_start3A_240] : memref<2x8x128xi32, #tpu.memory_space<vmem>> -> memref<1x8x128xi32, #tpu.memory_space<vmem>>
        %dma_start3A_242 = tpu.memref_squeeze %dma_start3A_241 : memref<1x8x128xi32, #tpu.memory_space<vmem>> -> memref<8x128xi32, #tpu.memory_space<vmem>>
        %dma_start3A_243 = arith.constant 0 : i32
        %dma_start3A_244 = tpu.memref_slice %dma_start3A_242[%dma_start3A_238, %dma_start3A_243] : memref<8x128xi32, #tpu.memory_space<vmem>> -> memref<1x128xi32, #tpu.memory_space<vmem>>
        %dma_start3A_245 = tpu.memref_squeeze %dma_start3A_244 : memref<1x128xi32, #tpu.memory_space<vmem>> -> memref<128xi32, #tpu.memory_space<vmem>>
        %dma_start3A_246 = arith.constant 0 : i32
        %dma_start3A_247 = arith.constant 0 : i32
        %dma_start3A_248 = tpu.memref_slice %arg2[%dma_start3A_246, %dma_start3A_247] : memref<10000x128xf32, #tpu.memory_space<hbm>> -> memref<10000x128xf32, #tpu.memory_space<hbm>>
        tpu.enqueue_indirect_dma source(%dma_start3A_248 : memref<10000x128xf32, #tpu.memory_space<hbm>>) target(%arg10 : memref<128x128xf32, #tpu.memory_space<vmem>>) offsets(%dma_start3A_245 : memref<128xi32, #tpu.memory_space<vmem>>) semaphore(%arg13 : memref<!tpu.dma_semaphore, #tpu.memory_space<semaphore_mem>>)
      } else {
      }
      %add3A_173 = arith.constant 2 : i32
      %add3A_174 = arith.addi %add3A_128, %add3A_173 : i32
      %lt3A_175 = arith.constant 10 : i32
      %lt3A_176 = arith.cmpi slt, %add3A_174, %lt3A_175 : i32
      %convert_element_type3A_177 = arith.extui %lt3A_176 : i1 to i32
      %cond3A_178 = arith.constant 0 : i32
      %cond3A_179 = arith.cmpi ne, %convert_element_type3A_177, %cond3A_178 : i32
      scf.if %cond3A_179 {
        %add3A_237 = arith.constant 2 : i32
        %add3A_238 = arith.addi %add3A_128, %add3A_237 : i32
        %mul3A_239 = arith.constant 8 : i32
        %mul3A_240 = arith.muli %add3A_238, %mul3A_239 : i32
        %add3A_241 = arith.addi %mul3A_2, %mul3A_240 : i32
        %dma_start3A_242 = arith.constant 0 : i32
        %dma_start3A_243 = arith.constant 0 : i32
        %dma_start3A_244 = arith.constant 0 : i32
        %dma_start3A_245 = tpu.memref_slice %arg7[%dma_start3A_242, %dma_start3A_243, %dma_start3A_244] : memref<2x8x128xi32, #tpu.memory_space<vmem>> -> memref<1x8x128xi32, #tpu.memory_space<vmem>>
        %dma_start3A_246 = tpu.memref_squeeze %dma_start3A_245 : memref<1x8x128xi32, #tpu.memory_space<vmem>> -> memref<8x128xi32, #tpu.memory_space<vmem>>
        %dma_start3A_247 = arith.constant 0 : i32
        %dma_start3A_248 = tpu.memref_slice %arg3[%add3A_241, %dma_start3A_247] : memref<2560x128xi32, #tpu.memory_space<hbm>> -> memref<8x128xi32, #tpu.memory_space<hbm>>
        %dma_start3A_249 = arith.constant 0 : i32
        %dma_start3A_250 = arith.constant 0 : i32
        %dma_start3A_251 = tpu.memref_slice %arg7[%dma_start3A_242, %dma_start3A_249, %dma_start3A_250] : memref<2x8x128xi32, #tpu.memory_space<vmem>> -> memref<1x8x128xi32, #tpu.memory_space<vmem>>
        %dma_start3A_252 = tpu.memref_squeeze %dma_start3A_251 : memref<1x8x128xi32, #tpu.memory_space<vmem>> -> memref<8x128xi32, #tpu.memory_space<vmem>>
        %dma_start3A_253 = arith.constant 0 : i32
        %dma_start3A_254 = tpu.memref_slice %arg3[%add3A_241, %dma_start3A_253] : memref<2560x128xi32, #tpu.memory_space<hbm>> -> memref<8x128xi32, #tpu.memory_space<hbm>>
        tpu.enqueue_dma source(%dma_start3A_254 : memref<8x128xi32, #tpu.memory_space<hbm>>) target(%dma_start3A_252 : memref<8x128xi32, #tpu.memory_space<vmem>>) target_semaphore(%arg14 : memref<!tpu.dma_semaphore, #tpu.memory_space<semaphore_mem>>)
        %dma_start3A_255 = arith.constant 0 : i32
        %dma_start3A_256 = arith.constant 0 : i32
        %dma_start3A_257 = arith.constant 0 : i32
        %dma_start3A_258 = tpu.memref_slice %arg8[%dma_start3A_255, %dma_start3A_256, %dma_start3A_257] : memref<2x8x128xi32, #tpu.memory_space<vmem>> -> memref<1x8x128xi32, #tpu.memory_space<vmem>>
        %dma_start3A_259 = tpu.memref_squeeze %dma_start3A_258 : memref<1x8x128xi32, #tpu.memory_space<vmem>> -> memref<8x128xi32, #tpu.memory_space<vmem>>
        %dma_start3A_260 = arith.constant 0 : i32
        %dma_start3A_261 = tpu.memref_slice %arg4[%add3A_241, %dma_start3A_260] : memref<2560x128xi32, #tpu.memory_space<hbm>> -> memref<8x128xi32, #tpu.memory_space<hbm>>
        %dma_start3A_262 = arith.constant 0 : i32
        %dma_start3A_263 = arith.constant 0 : i32
        %dma_start3A_264 = tpu.memref_slice %arg8[%dma_start3A_255, %dma_start3A_262, %dma_start3A_263] : memref<2x8x128xi32, #tpu.memory_space<vmem>> -> memref<1x8x128xi32, #tpu.memory_space<vmem>>
        %dma_start3A_265 = tpu.memref_squeeze %dma_start3A_264 : memref<1x8x128xi32, #tpu.memory_space<vmem>> -> memref<8x128xi32, #tpu.memory_space<vmem>>
        %dma_start3A_266 = arith.constant 0 : i32
        %dma_start3A_267 = tpu.memref_slice %arg4[%add3A_241, %dma_start3A_266] : memref<2560x128xi32, #tpu.memory_space<hbm>> -> memref<8x128xi32, #tpu.memory_space<hbm>>
        tpu.enqueue_dma source(%dma_start3A_267 : memref<8x128xi32, #tpu.memory_space<hbm>>) target(%dma_start3A_265 : memref<8x128xi32, #tpu.memory_space<vmem>>) target_semaphore(%arg14 : memref<!tpu.dma_semaphore, #tpu.memory_space<semaphore_mem>>)
      } else {
      }
      %add3A_180 = arith.constant 1 : i32
      %add3A_181 = arith.addi %add3A_126, %add3A_180 : i32
      %scan3A_182 = arith.constant 0 : i32
      %scan3A_183 = arith.constant 3 : i32
      %scan3A_184 = arith.addi %scan3A_182, %scan3A_183 : i32
      %scan3A_185 = arith.constant 1 : i32
      scf.for %scan3A_237 = %scan3A_182 to %scan3A_184 step %scan3A_185  : i32 {
        %mul3A_238 = arith.constant 2 : i32
        %mul3A_239 = arith.muli %scan3A_237, %mul3A_238 : i32
        %add3A_240 = arith.constant 0 : i32
        %add3A_241 = arith.addi %add3A_240, %mul3A_239 : i32
        %add3A_242 = arith.constant 0 : i32
        %add3A_243 = arith.addi %add3A_241, %add3A_242 : i32
        %dma_wait3A_244 = arith.constant 1 : i32
        %dma_wait3A_245 = arith.constant 0 : i32
        %dma_wait3A_246 = arith.constant 0 : i32
        %dma_wait3A_247 = tpu.memref_slice %arg7[%dma_wait3A_244, %dma_wait3A_245, %dma_wait3A_246] : memref<2x8x128xi32, #tpu.memory_space<vmem>> -> memref<1x8x128xi32, #tpu.memory_space<vmem>>
        %dma_wait3A_248 = tpu.memref_squeeze %dma_wait3A_247 : memref<1x8x128xi32, #tpu.memory_space<vmem>> -> memref<8x128xi32, #tpu.memory_space<vmem>>
        %dma_wait3A_249 = arith.constant 0 : i32
        %dma_wait3A_250 = tpu.memref_slice %dma_wait3A_248[%add3A_243, %dma_wait3A_249] : memref<8x128xi32, #tpu.memory_space<vmem>> -> memref<1x128xi32, #tpu.memory_space<vmem>>
        %dma_wait3A_251 = tpu.memref_squeeze %dma_wait3A_250 : memref<1x128xi32, #tpu.memory_space<vmem>> -> memref<128xi32, #tpu.memory_space<vmem>>
        %dma_wait3A_252 = arith.constant 0 : i32
        %dma_wait3A_253 = arith.constant 0 : i32
        %dma_wait3A_254 = tpu.memref_slice %arg2[%dma_wait3A_252, %dma_wait3A_253] : memref<10000x128xf32, #tpu.memory_space<hbm>> -> memref<10000x128xf32, #tpu.memory_space<hbm>>
        tpu.wait_indirect_dma semaphore(%arg12 : memref<!tpu.dma_semaphore, #tpu.memory_space<semaphore_mem>>) src(%dma_wait3A_254 : memref<10000x128xf32, #tpu.memory_space<hbm>>) dst(%arg9 : memref<128x128xf32, #tpu.memory_space<vmem>>)
        %run_scoped3A_255 = arith.constant 1 : i32
        "tpu.region"() ({
          %run_scoped3A_296 = tpu.sem_alloc : memref<!tpu.dma_semaphore, #tpu.memory_space<semaphore_mem>>
          %dma_start3A_297 = arith.constant 0 : i32
          %dma_start3A_298 = arith.constant 0 : i32
          %dma_start3A_299 = tpu.memref_slice %arg8[%run_scoped3A_255, %dma_start3A_297, %dma_start3A_298] : memref<2x8x128xi32, #tpu.memory_space<vmem>> -> memref<1x8x128xi32, #tpu.memory_space<vmem>>
          %dma_start3A_300 = tpu.memref_squeeze %dma_start3A_299 : memref<1x8x128xi32, #tpu.memory_space<vmem>> -> memref<8x128xi32, #tpu.memory_space<vmem>>
          %dma_start3A_301 = arith.constant 0 : i32
          %dma_start3A_302 = tpu.memref_slice %dma_start3A_300[%add3A_243, %dma_start3A_301] : memref<8x128xi32, #tpu.memory_space<vmem>> -> memref<1x128xi32, #tpu.memory_space<vmem>>
          %dma_start3A_303 = tpu.memref_squeeze %dma_start3A_302 : memref<1x128xi32, #tpu.memory_space<vmem>> -> memref<128xi32, #tpu.memory_space<vmem>>
          %dma_start3A_304 = arith.constant 0 : i32
          %dma_start3A_305 = arith.constant 0 : i32
          %dma_start3A_306 = tpu.memref_slice %arg11[%dma_start3A_304, %dma_start3A_305] : memref<10112x128xf32, #tpu.memory_space<vmem_shared>> -> memref<10112x128xf32, #tpu.memory_space<vmem_shared>>
          tpu.enqueue_indirect_dma source(%arg9 : memref<128x128xf32, #tpu.memory_space<vmem>>) target(%dma_start3A_306 : memref<10112x128xf32, #tpu.memory_space<vmem_shared>>) offsets(%dma_start3A_303 : memref<128xi32, #tpu.memory_space<vmem>>) semaphore(%run_scoped3A_296 : memref<!tpu.dma_semaphore, #tpu.memory_space<semaphore_mem>>) {add = true}
          %dma_wait3A_307 = arith.constant 0 : i32
          %dma_wait3A_308 = arith.constant 0 : i32
          %dma_wait3A_309 = tpu.memref_slice %arg8[%run_scoped3A_255, %dma_wait3A_307, %dma_wait3A_308] : memref<2x8x128xi32, #tpu.memory_space<vmem>> -> memref<1x8x128xi32, #tpu.memory_space<vmem>>
          %dma_wait3A_310 = tpu.memref_squeeze %dma_wait3A_309 : memref<1x8x128xi32, #tpu.memory_space<vmem>> -> memref<8x128xi32, #tpu.memory_space<vmem>>
          %dma_wait3A_311 = arith.constant 0 : i32
          %dma_wait3A_312 = tpu.memref_slice %dma_wait3A_310[%add3A_243, %dma_wait3A_311] : memref<8x128xi32, #tpu.memory_space<vmem>> -> memref<1x128xi32, #tpu.memory_space<vmem>>
          %dma_wait3A_313 = tpu.memref_squeeze %dma_wait3A_312 : memref<1x128xi32, #tpu.memory_space<vmem>> -> memref<128xi32, #tpu.memory_space<vmem>>
          %dma_wait3A_314 = arith.constant 0 : i32
          %dma_wait3A_315 = arith.constant 0 : i32
          %dma_wait3A_316 = tpu.memref_slice %arg11[%dma_wait3A_314, %dma_wait3A_315] : memref<10112x128xf32, #tpu.memory_space<vmem_shared>> -> memref<10112x128xf32, #tpu.memory_space<vmem_shared>>
          tpu.wait_indirect_dma semaphore(%run_scoped3A_296 : memref<!tpu.dma_semaphore, #tpu.memory_space<semaphore_mem>>) src(%arg9 : memref<128x128xf32, #tpu.memory_space<vmem>>) dst(%dma_wait3A_316 : memref<10112x128xf32, #tpu.memory_space<vmem_shared>>)
          tpu.yield
        }) : () -> ()
        %add3A_256 = arith.constant 2 : i32
        %add3A_257 = arith.addi %add3A_243, %add3A_256 : i32
        %dma_start3A_258 = arith.constant 1 : i32
        %dma_start3A_259 = arith.constant 0 : i32
        %dma_start3A_260 = arith.constant 0 : i32
        %dma_start3A_261 = tpu.memref_slice %arg7[%dma_start3A_258, %dma_start3A_259, %dma_start3A_260] : memref<2x8x128xi32, #tpu.memory_space<vmem>> -> memref<1x8x128xi32, #tpu.memory_space<vmem>>
        %dma_start3A_262 = tpu.memref_squeeze %dma_start3A_261 : memref<1x8x128xi32, #tpu.memory_space<vmem>> -> memref<8x128xi32, #tpu.memory_space<vmem>>
        %dma_start3A_263 = arith.constant 0 : i32
        %dma_start3A_264 = tpu.memref_slice %dma_start3A_262[%add3A_257, %dma_start3A_263] : memref<8x128xi32, #tpu.memory_space<vmem>> -> memref<1x128xi32, #tpu.memory_space<vmem>>
        %dma_start3A_265 = tpu.memref_squeeze %dma_start3A_264 : memref<1x128xi32, #tpu.memory_space<vmem>> -> memref<128xi32, #tpu.memory_space<vmem>>
        %dma_start3A_266 = arith.constant 0 : i32
        %dma_start3A_267 = arith.constant 0 : i32
        %dma_start3A_268 = tpu.memref_slice %arg2[%dma_start3A_266, %dma_start3A_267] : memref<10000x128xf32, #tpu.memory_space<hbm>> -> memref<10000x128xf32, #tpu.memory_space<hbm>>
        tpu.enqueue_indirect_dma source(%dma_start3A_268 : memref<10000x128xf32, #tpu.memory_space<hbm>>) target(%arg9 : memref<128x128xf32, #tpu.memory_space<vmem>>) offsets(%dma_start3A_265 : memref<128xi32, #tpu.memory_space<vmem>>) semaphore(%arg12 : memref<!tpu.dma_semaphore, #tpu.memory_space<semaphore_mem>>)
        %add3A_269 = arith.constant 1 : i32
        %add3A_270 = arith.addi %add3A_241, %add3A_269 : i32
        %dma_wait3A_271 = arith.constant 1 : i32
        %dma_wait3A_272 = arith.constant 0 : i32
        %dma_wait3A_273 = arith.constant 0 : i32
        %dma_wait3A_274 = tpu.memref_slice %arg7[%dma_wait3A_271, %dma_wait3A_272, %dma_wait3A_273] : memref<2x8x128xi32, #tpu.memory_space<vmem>> -> memref<1x8x128xi32, #tpu.memory_space<vmem>>
        %dma_wait3A_275 = tpu.memref_squeeze %dma_wait3A_274 : memref<1x8x128xi32, #tpu.memory_space<vmem>> -> memref<8x128xi32, #tpu.memory_space<vmem>>
        %dma_wait3A_276 = arith.constant 0 : i32
        %dma_wait3A_277 = tpu.memref_slice %dma_wait3A_275[%add3A_270, %dma_wait3A_276] : memref<8x128xi32, #tpu.memory_space<vmem>> -> memref<1x128xi32, #tpu.memory_space<vmem>>
        %dma_wait3A_278 = tpu.memref_squeeze %dma_wait3A_277 : memref<1x128xi32, #tpu.memory_space<vmem>> -> memref<128xi32, #tpu.memory_space<vmem>>
        %dma_wait3A_279 = arith.constant 0 : i32
        %dma_wait3A_280 = arith.constant 0 : i32
        %dma_wait3A_281 = tpu.memref_slice %arg2[%dma_wait3A_279, %dma_wait3A_280] : memref<10000x128xf32, #tpu.memory_space<hbm>> -> memref<10000x128xf32, #tpu.memory_space<hbm>>
        tpu.wait_indirect_dma semaphore(%arg13 : memref<!tpu.dma_semaphore, #tpu.memory_space<semaphore_mem>>) src(%dma_wait3A_281 : memref<10000x128xf32, #tpu.memory_space<hbm>>) dst(%arg10 : memref<128x128xf32, #tpu.memory_space<vmem>>)
        %run_scoped3A_282 = arith.constant 1 : i32
        "tpu.region"() ({
          %run_scoped3A_296 = tpu.sem_alloc : memref<!tpu.dma_semaphore, #tpu.memory_space<semaphore_mem>>
          %dma_start3A_297 = arith.constant 0 : i32
          %dma_start3A_298 = arith.constant 0 : i32
          %dma_start3A_299 = tpu.memref_slice %arg8[%run_scoped3A_282, %dma_start3A_297, %dma_start3A_298] : memref<2x8x128xi32, #tpu.memory_space<vmem>> -> memref<1x8x128xi32, #tpu.memory_space<vmem>>
          %dma_start3A_300 = tpu.memref_squeeze %dma_start3A_299 : memref<1x8x128xi32, #tpu.memory_space<vmem>> -> memref<8x128xi32, #tpu.memory_space<vmem>>
          %dma_start3A_301 = arith.constant 0 : i32
          %dma_start3A_302 = tpu.memref_slice %dma_start3A_300[%add3A_270, %dma_start3A_301] : memref<8x128xi32, #tpu.memory_space<vmem>> -> memref<1x128xi32, #tpu.memory_space<vmem>>
          %dma_start3A_303 = tpu.memref_squeeze %dma_start3A_302 : memref<1x128xi32, #tpu.memory_space<vmem>> -> memref<128xi32, #tpu.memory_space<vmem>>
          %dma_start3A_304 = arith.constant 0 : i32
          %dma_start3A_305 = arith.constant 0 : i32
          %dma_start3A_306 = tpu.memref_slice %arg11[%dma_start3A_304, %dma_start3A_305] : memref<10112x128xf32, #tpu.memory_space<vmem_shared>> -> memref<10112x128xf32, #tpu.memory_space<vmem_shared>>
          tpu.enqueue_indirect_dma source(%arg10 : memref<128x128xf32, #tpu.memory_space<vmem>>) target(%dma_start3A_306 : memref<10112x128xf32, #tpu.memory_space<vmem_shared>>) offsets(%dma_start3A_303 : memref<128xi32, #tpu.memory_space<vmem>>) semaphore(%run_scoped3A_296 : memref<!tpu.dma_semaphore, #tpu.memory_space<semaphore_mem>>) {add = true}
          %dma_wait3A_307 = arith.constant 0 : i32
          %dma_wait3A_308 = arith.constant 0 : i32
          %dma_wait3A_309 = tpu.memref_slice %arg8[%run_scoped3A_282, %dma_wait3A_307, %dma_wait3A_308] : memref<2x8x128xi32, #tpu.memory_space<vmem>> -> memref<1x8x128xi32, #tpu.memory_space<vmem>>
          %dma_wait3A_310 = tpu.memref_squeeze %dma_wait3A_309 : memref<1x8x128xi32, #tpu.memory_space<vmem>> -> memref<8x128xi32, #tpu.memory_space<vmem>>
          %dma_wait3A_311 = arith.constant 0 : i32
          %dma_wait3A_312 = tpu.memref_slice %dma_wait3A_310[%add3A_270, %dma_wait3A_311] : memref<8x128xi32, #tpu.memory_space<vmem>> -> memref<1x128xi32, #tpu.memory_space<vmem>>
          %dma_wait3A_313 = tpu.memref_squeeze %dma_wait3A_312 : memref<1x128xi32, #tpu.memory_space<vmem>> -> memref<128xi32, #tpu.memory_space<vmem>>
          %dma_wait3A_314 = arith.constant 0 : i32
          %dma_wait3A_315 = arith.constant 0 : i32
          %dma_wait3A_316 = tpu.memref_slice %arg11[%dma_wait3A_314, %dma_wait3A_315] : memref<10112x128xf32, #tpu.memory_space<vmem_shared>> -> memref<10112x128xf32, #tpu.memory_space<vmem_shared>>
          tpu.wait_indirect_dma semaphore(%run_scoped3A_296 : memref<!tpu.dma_semaphore, #tpu.memory_space<semaphore_mem>>) src(%arg10 : memref<128x128xf32, #tpu.memory_space<vmem>>) dst(%dma_wait3A_316 : memref<10112x128xf32, #tpu.memory_space<vmem_shared>>)
          tpu.yield
        }) : () -> ()
        %add3A_283 = arith.constant 2 : i32
        %add3A_284 = arith.addi %add3A_270, %add3A_283 : i32
        %dma_start3A_285 = arith.constant 1 : i32
        %dma_start3A_286 = arith.constant 0 : i32
        %dma_start3A_287 = arith.constant 0 : i32
        %dma_start3A_288 = tpu.memref_slice %arg7[%dma_start3A_285, %dma_start3A_286, %dma_start3A_287] : memref<2x8x128xi32, #tpu.memory_space<vmem>> -> memref<1x8x128xi32, #tpu.memory_space<vmem>>
        %dma_start3A_289 = tpu.memref_squeeze %dma_start3A_288 : memref<1x8x128xi32, #tpu.memory_space<vmem>> -> memref<8x128xi32, #tpu.memory_space<vmem>>
        %dma_start3A_290 = arith.constant 0 : i32
        %dma_start3A_291 = tpu.memref_slice %dma_start3A_289[%add3A_284, %dma_start3A_290] : memref<8x128xi32, #tpu.memory_space<vmem>> -> memref<1x128xi32, #tpu.memory_space<vmem>>
        %dma_start3A_292 = tpu.memref_squeeze %dma_start3A_291 : memref<1x128xi32, #tpu.memory_space<vmem>> -> memref<128xi32, #tpu.memory_space<vmem>>
        %dma_start3A_293 = arith.constant 0 : i32
        %dma_start3A_294 = arith.constant 0 : i32
        %dma_start3A_295 = tpu.memref_slice %arg2[%dma_start3A_293, %dma_start3A_294] : memref<10000x128xf32, #tpu.memory_space<hbm>> -> memref<10000x128xf32, #tpu.memory_space<hbm>>
        tpu.enqueue_indirect_dma source(%dma_start3A_295 : memref<10000x128xf32, #tpu.memory_space<hbm>>) target(%arg10 : memref<128x128xf32, #tpu.memory_space<vmem>>) offsets(%dma_start3A_292 : memref<128xi32, #tpu.memory_space<vmem>>) semaphore(%arg13 : memref<!tpu.dma_semaphore, #tpu.memory_space<semaphore_mem>>)
      }
      %scan3A_186 = arith.constant 3 : i32
      %lt3A_187 = arith.constant 9 : i32
      %lt3A_188 = arith.cmpi slt, %add3A_181, %lt3A_187 : i32
      %convert_element_type3A_189 = arith.extui %lt3A_188 : i1 to i32
      %cond3A_190 = arith.constant 0 : i32
      %cond3A_191 = arith.cmpi ne, %convert_element_type3A_189, %cond3A_190 : i32
      scf.if %cond3A_191 {
        %add3A_237 = arith.constant 1 : i32
        %add3A_238 = arith.addi %add3A_181, %add3A_237 : i32
        %mul3A_239 = arith.constant 8 : i32
        %mul3A_240 = arith.muli %add3A_238, %mul3A_239 : i32
        %add3A_241 = arith.addi %mul3A_2, %mul3A_240 : i32
        %dma_wait3A_242 = arith.constant 0 : i32
        %dma_wait3A_243 = arith.constant 0 : i32
        %dma_wait3A_244 = arith.constant 0 : i32
        %dma_wait3A_245 = tpu.memref_slice %arg7[%dma_wait3A_242, %dma_wait3A_243, %dma_wait3A_244] : memref<2x8x128xi32, #tpu.memory_space<vmem>> -> memref<1x8x128xi32, #tpu.memory_space<vmem>>
        %dma_wait3A_246 = tpu.memref_squeeze %dma_wait3A_245 : memref<1x8x128xi32, #tpu.memory_space<vmem>> -> memref<8x128xi32, #tpu.memory_space<vmem>>
        %dma_wait3A_247 = arith.constant 0 : i32
        %dma_wait3A_248 = tpu.memref_slice %arg3[%add3A_241, %dma_wait3A_247] : memref<2560x128xi32, #tpu.memory_space<hbm>> -> memref<8x128xi32, #tpu.memory_space<hbm>>
        %dma_wait3A_249 = arith.constant 0 : i32
        %dma_wait3A_250 = arith.constant 0 : i32
        %dma_wait3A_251 = tpu.memref_slice %arg7[%dma_wait3A_242, %dma_wait3A_249, %dma_wait3A_250] : memref<2x8x128xi32, #tpu.memory_space<vmem>> -> memref<1x8x128xi32, #tpu.memory_space<vmem>>
        %dma_wait3A_252 = tpu.memref_squeeze %dma_wait3A_251 : memref<1x8x128xi32, #tpu.memory_space<vmem>> -> memref<8x128xi32, #tpu.memory_space<vmem>>
        %dma_wait3A_253 = arith.constant 0 : i32
        %dma_wait3A_254 = tpu.memref_slice %arg3[%add3A_241, %dma_wait3A_253] : memref<2560x128xi32, #tpu.memory_space<hbm>> -> memref<8x128xi32, #tpu.memory_space<hbm>>
        tpu.wait_dma2 semaphore(%arg14 : memref<!tpu.dma_semaphore, #tpu.memory_space<semaphore_mem>>) src(%dma_wait3A_254 : memref<8x128xi32, #tpu.memory_space<hbm>>) dst(%dma_wait3A_252 : memref<8x128xi32, #tpu.memory_space<vmem>>)
        %dma_wait3A_255 = arith.constant 0 : i32
        %dma_wait3A_256 = arith.constant 0 : i32
        %dma_wait3A_257 = arith.constant 0 : i32
        %dma_wait3A_258 = tpu.memref_slice %arg8[%dma_wait3A_255, %dma_wait3A_256, %dma_wait3A_257] : memref<2x8x128xi32, #tpu.memory_space<vmem>> -> memref<1x8x128xi32, #tpu.memory_space<vmem>>
        %dma_wait3A_259 = tpu.memref_squeeze %dma_wait3A_258 : memref<1x8x128xi32, #tpu.memory_space<vmem>> -> memref<8x128xi32, #tpu.memory_space<vmem>>
        %dma_wait3A_260 = arith.constant 0 : i32
        %dma_wait3A_261 = tpu.memref_slice %arg4[%add3A_241, %dma_wait3A_260] : memref<2560x128xi32, #tpu.memory_space<hbm>> -> memref<8x128xi32, #tpu.memory_space<hbm>>
        %dma_wait3A_262 = arith.constant 0 : i32
        %dma_wait3A_263 = arith.constant 0 : i32
        %dma_wait3A_264 = tpu.memref_slice %arg8[%dma_wait3A_255, %dma_wait3A_262, %dma_wait3A_263] : memref<2x8x128xi32, #tpu.memory_space<vmem>> -> memref<1x8x128xi32, #tpu.memory_space<vmem>>
        %dma_wait3A_265 = tpu.memref_squeeze %dma_wait3A_264 : memref<1x8x128xi32, #tpu.memory_space<vmem>> -> memref<8x128xi32, #tpu.memory_space<vmem>>
        %dma_wait3A_266 = arith.constant 0 : i32
        %dma_wait3A_267 = tpu.memref_slice %arg4[%add3A_241, %dma_wait3A_266] : memref<2560x128xi32, #tpu.memory_space<hbm>> -> memref<8x128xi32, #tpu.memory_space<hbm>>
        tpu.wait_dma2 semaphore(%arg14 : memref<!tpu.dma_semaphore, #tpu.memory_space<semaphore_mem>>) src(%dma_wait3A_267 : memref<8x128xi32, #tpu.memory_space<hbm>>) dst(%dma_wait3A_265 : memref<8x128xi32, #tpu.memory_space<vmem>>)
      } else {
      }
      %dma_wait3A_192 = arith.constant 1 : i32
      %dma_wait3A_193 = arith.constant 6 : i32
      %dma_wait3A_194 = arith.constant 0 : i32
      %dma_wait3A_195 = arith.constant 0 : i32
      %dma_wait3A_196 = tpu.memref_slice %arg7[%dma_wait3A_192, %dma_wait3A_194, %dma_wait3A_195] : memref<2x8x128xi32, #tpu.memory_space<vmem>> -> memref<1x8x128xi32, #tpu.memory_space<vmem>>
      %dma_wait3A_197 = tpu.memref_squeeze %dma_wait3A_196 : memref<1x8x128xi32, #tpu.memory_space<vmem>> -> memref<8x128xi32, #tpu.memory_space<vmem>>
      %dma_wait3A_198 = arith.constant 0 : i32
      %dma_wait3A_199 = tpu.memref_slice %dma_wait3A_197[%dma_wait3A_193, %dma_wait3A_198] : memref<8x128xi32, #tpu.memory_space<vmem>> -> memref<1x128xi32, #tpu.memory_space<vmem>>
      %dma_wait3A_200 = tpu.memref_squeeze %dma_wait3A_199 : memref<1x128xi32, #tpu.memory_space<vmem>> -> memref<128xi32, #tpu.memory_space<vmem>>
      %dma_wait3A_201 = arith.constant 0 : i32
      %dma_wait3A_202 = arith.constant 0 : i32
      %dma_wait3A_203 = tpu.memref_slice %arg2[%dma_wait3A_201, %dma_wait3A_202] : memref<10000x128xf32, #tpu.memory_space<hbm>> -> memref<10000x128xf32, #tpu.memory_space<hbm>>
      tpu.wait_indirect_dma semaphore(%arg12 : memref<!tpu.dma_semaphore, #tpu.memory_space<semaphore_mem>>) src(%dma_wait3A_203 : memref<10000x128xf32, #tpu.memory_space<hbm>>) dst(%arg9 : memref<128x128xf32, #tpu.memory_space<vmem>>)
      %run_scoped3A_204 = arith.constant 1 : i32
      %run_scoped3A_205 = arith.constant 6 : i32
      "tpu.region"() ({
        %run_scoped3A_237 = tpu.sem_alloc : memref<!tpu.dma_semaphore, #tpu.memory_space<semaphore_mem>>
        %dma_start3A_238 = arith.constant 0 : i32
        %dma_start3A_239 = arith.constant 0 : i32
        %dma_start3A_240 = tpu.memref_slice %arg8[%run_scoped3A_204, %dma_start3A_238, %dma_start3A_239] : memref<2x8x128xi32, #tpu.memory_space<vmem>> -> memref<1x8x128xi32, #tpu.memory_space<vmem>>
        %dma_start3A_241 = tpu.memref_squeeze %dma_start3A_240 : memref<1x8x128xi32, #tpu.memory_space<vmem>> -> memref<8x128xi32, #tpu.memory_space<vmem>>
        %dma_start3A_242 = arith.constant 0 : i32
        %dma_start3A_243 = tpu.memref_slice %dma_start3A_241[%run_scoped3A_205, %dma_start3A_242] : memref<8x128xi32, #tpu.memory_space<vmem>> -> memref<1x128xi32, #tpu.memory_space<vmem>>
        %dma_start3A_244 = tpu.memref_squeeze %dma_start3A_243 : memref<1x128xi32, #tpu.memory_space<vmem>> -> memref<128xi32, #tpu.memory_space<vmem>>
        %dma_start3A_245 = arith.constant 0 : i32
        %dma_start3A_246 = arith.constant 0 : i32
        %dma_start3A_247 = tpu.memref_slice %arg11[%dma_start3A_245, %dma_start3A_246] : memref<10112x128xf32, #tpu.memory_space<vmem_shared>> -> memref<10112x128xf32, #tpu.memory_space<vmem_shared>>
        tpu.enqueue_indirect_dma source(%arg9 : memref<128x128xf32, #tpu.memory_space<vmem>>) target(%dma_start3A_247 : memref<10112x128xf32, #tpu.memory_space<vmem_shared>>) offsets(%dma_start3A_244 : memref<128xi32, #tpu.memory_space<vmem>>) semaphore(%run_scoped3A_237 : memref<!tpu.dma_semaphore, #tpu.memory_space<semaphore_mem>>) {add = true}
        %dma_wait3A_248 = arith.constant 0 : i32
        %dma_wait3A_249 = arith.constant 0 : i32
        %dma_wait3A_250 = tpu.memref_slice %arg8[%run_scoped3A_204, %dma_wait3A_248, %dma_wait3A_249] : memref<2x8x128xi32, #tpu.memory_space<vmem>> -> memref<1x8x128xi32, #tpu.memory_space<vmem>>
        %dma_wait3A_251 = tpu.memref_squeeze %dma_wait3A_250 : memref<1x8x128xi32, #tpu.memory_space<vmem>> -> memref<8x128xi32, #tpu.memory_space<vmem>>
        %dma_wait3A_252 = arith.constant 0 : i32
        %dma_wait3A_253 = tpu.memref_slice %dma_wait3A_251[%run_scoped3A_205, %dma_wait3A_252] : memref<8x128xi32, #tpu.memory_space<vmem>> -> memref<1x128xi32, #tpu.memory_space<vmem>>
        %dma_wait3A_254 = tpu.memref_squeeze %dma_wait3A_253 : memref<1x128xi32, #tpu.memory_space<vmem>> -> memref<128xi32, #tpu.memory_space<vmem>>
        %dma_wait3A_255 = arith.constant 0 : i32
        %dma_wait3A_256 = arith.constant 0 : i32
        %dma_wait3A_257 = tpu.memref_slice %arg11[%dma_wait3A_255, %dma_wait3A_256] : memref<10112x128xf32, #tpu.memory_space<vmem_shared>> -> memref<10112x128xf32, #tpu.memory_space<vmem_shared>>
        tpu.wait_indirect_dma semaphore(%run_scoped3A_237 : memref<!tpu.dma_semaphore, #tpu.memory_space<semaphore_mem>>) src(%arg9 : memref<128x128xf32, #tpu.memory_space<vmem>>) dst(%dma_wait3A_257 : memref<10112x128xf32, #tpu.memory_space<vmem_shared>>)
        tpu.yield
      }) : () -> ()
      %lt3A_206 = arith.constant 9 : i32
      %lt3A_207 = arith.cmpi slt, %add3A_181, %lt3A_206 : i32
      %convert_element_type3A_208 = arith.extui %lt3A_207 : i1 to i32
      %cond3A_209 = arith.constant 0 : i32
      %cond3A_210 = arith.cmpi ne, %convert_element_type3A_208, %cond3A_209 : i32
      scf.if %cond3A_210 {
        %dma_start3A_237 = arith.constant 0 : i32
        %dma_start3A_238 = arith.constant 0 : i32
        %dma_start3A_239 = arith.constant 0 : i32
        %dma_start3A_240 = arith.constant 0 : i32
        %dma_start3A_241 = tpu.memref_slice %arg7[%dma_start3A_237, %dma_start3A_239, %dma_start3A_240] : memref<2x8x128xi32, #tpu.memory_space<vmem>> -> memref<1x8x128xi32, #tpu.memory_space<vmem>>
        %dma_start3A_242 = tpu.memref_squeeze %dma_start3A_241 : memref<1x8x128xi32, #tpu.memory_space<vmem>> -> memref<8x128xi32, #tpu.memory_space<vmem>>
        %dma_start3A_243 = arith.constant 0 : i32
        %dma_start3A_244 = tpu.memref_slice %dma_start3A_242[%dma_start3A_238, %dma_start3A_243] : memref<8x128xi32, #tpu.memory_space<vmem>> -> memref<1x128xi32, #tpu.memory_space<vmem>>
        %dma_start3A_245 = tpu.memref_squeeze %dma_start3A_244 : memref<1x128xi32, #tpu.memory_space<vmem>> -> memref<128xi32, #tpu.memory_space<vmem>>
        %dma_start3A_246 = arith.constant 0 : i32
        %dma_start3A_247 = arith.constant 0 : i32
        %dma_start3A_248 = tpu.memref_slice %arg2[%dma_start3A_246, %dma_start3A_247] : memref<10000x128xf32, #tpu.memory_space<hbm>> -> memref<10000x128xf32, #tpu.memory_space<hbm>>
        tpu.enqueue_indirect_dma source(%dma_start3A_248 : memref<10000x128xf32, #tpu.memory_space<hbm>>) target(%arg9 : memref<128x128xf32, #tpu.memory_space<vmem>>) offsets(%dma_start3A_245 : memref<128xi32, #tpu.memory_space<vmem>>) semaphore(%arg12 : memref<!tpu.dma_semaphore, #tpu.memory_space<semaphore_mem>>)
      } else {
      }
      %dma_wait3A_211 = arith.constant 1 : i32
      %dma_wait3A_212 = arith.constant 7 : i32
      %dma_wait3A_213 = arith.constant 0 : i32
      %dma_wait3A_214 = arith.constant 0 : i32
      %dma_wait3A_215 = tpu.memref_slice %arg7[%dma_wait3A_211, %dma_wait3A_213, %dma_wait3A_214] : memref<2x8x128xi32, #tpu.memory_space<vmem>> -> memref<1x8x128xi32, #tpu.memory_space<vmem>>
      %dma_wait3A_216 = tpu.memref_squeeze %dma_wait3A_215 : memref<1x8x128xi32, #tpu.memory_space<vmem>> -> memref<8x128xi32, #tpu.memory_space<vmem>>
      %dma_wait3A_217 = arith.constant 0 : i32
      %dma_wait3A_218 = tpu.memref_slice %dma_wait3A_216[%dma_wait3A_212, %dma_wait3A_217] : memref<8x128xi32, #tpu.memory_space<vmem>> -> memref<1x128xi32, #tpu.memory_space<vmem>>
      %dma_wait3A_219 = tpu.memref_squeeze %dma_wait3A_218 : memref<1x128xi32, #tpu.memory_space<vmem>> -> memref<128xi32, #tpu.memory_space<vmem>>
      %dma_wait3A_220 = arith.constant 0 : i32
      %dma_wait3A_221 = arith.constant 0 : i32
      %dma_wait3A_222 = tpu.memref_slice %arg2[%dma_wait3A_220, %dma_wait3A_221] : memref<10000x128xf32, #tpu.memory_space<hbm>> -> memref<10000x128xf32, #tpu.memory_space<hbm>>
      tpu.wait_indirect_dma semaphore(%arg13 : memref<!tpu.dma_semaphore, #tpu.memory_space<semaphore_mem>>) src(%dma_wait3A_222 : memref<10000x128xf32, #tpu.memory_space<hbm>>) dst(%arg10 : memref<128x128xf32, #tpu.memory_space<vmem>>)
      %run_scoped3A_223 = arith.constant 1 : i32
      %run_scoped3A_224 = arith.constant 7 : i32
      "tpu.region"() ({
        %run_scoped3A_237 = tpu.sem_alloc : memref<!tpu.dma_semaphore, #tpu.memory_space<semaphore_mem>>
        %dma_start3A_238 = arith.constant 0 : i32
        %dma_start3A_239 = arith.constant 0 : i32
        %dma_start3A_240 = tpu.memref_slice %arg8[%run_scoped3A_223, %dma_start3A_238, %dma_start3A_239] : memref<2x8x128xi32, #tpu.memory_space<vmem>> -> memref<1x8x128xi32, #tpu.memory_space<vmem>>
        %dma_start3A_241 = tpu.memref_squeeze %dma_start3A_240 : memref<1x8x128xi32, #tpu.memory_space<vmem>> -> memref<8x128xi32, #tpu.memory_space<vmem>>
        %dma_start3A_242 = arith.constant 0 : i32
        %dma_start3A_243 = tpu.memref_slice %dma_start3A_241[%run_scoped3A_224, %dma_start3A_242] : memref<8x128xi32, #tpu.memory_space<vmem>> -> memref<1x128xi32, #tpu.memory_space<vmem>>
        %dma_start3A_244 = tpu.memref_squeeze %dma_start3A_243 : memref<1x128xi32, #tpu.memory_space<vmem>> -> memref<128xi32, #tpu.memory_space<vmem>>
        %dma_start3A_245 = arith.constant 0 : i32
        %dma_start3A_246 = arith.constant 0 : i32
        %dma_start3A_247 = tpu.memref_slice %arg11[%dma_start3A_245, %dma_start3A_246] : memref<10112x128xf32, #tpu.memory_space<vmem_shared>> -> memref<10112x128xf32, #tpu.memory_space<vmem_shared>>
        tpu.enqueue_indirect_dma source(%arg10 : memref<128x128xf32, #tpu.memory_space<vmem>>) target(%dma_start3A_247 : memref<10112x128xf32, #tpu.memory_space<vmem_shared>>) offsets(%dma_start3A_244 : memref<128xi32, #tpu.memory_space<vmem>>) semaphore(%run_scoped3A_237 : memref<!tpu.dma_semaphore, #tpu.memory_space<semaphore_mem>>) {add = true}
        %dma_wait3A_248 = arith.constant 0 : i32
        %dma_wait3A_249 = arith.constant 0 : i32
        %dma_wait3A_250 = tpu.memref_slice %arg8[%run_scoped3A_223, %dma_wait3A_248, %dma_wait3A_249] : memref<2x8x128xi32, #tpu.memory_space<vmem>> -> memref<1x8x128xi32, #tpu.memory_space<vmem>>
        %dma_wait3A_251 = tpu.memref_squeeze %dma_wait3A_250 : memref<1x8x128xi32, #tpu.memory_space<vmem>> -> memref<8x128xi32, #tpu.memory_space<vmem>>
        %dma_wait3A_252 = arith.constant 0 : i32
        %dma_wait3A_253 = tpu.memref_slice %dma_wait3A_251[%run_scoped3A_224, %dma_wait3A_252] : memref<8x128xi32, #tpu.memory_space<vmem>> -> memref<1x128xi32, #tpu.memory_space<vmem>>
        %dma_wait3A_254 = tpu.memref_squeeze %dma_wait3A_253 : memref<1x128xi32, #tpu.memory_space<vmem>> -> memref<128xi32, #tpu.memory_space<vmem>>
        %dma_wait3A_255 = arith.constant 0 : i32
        %dma_wait3A_256 = arith.constant 0 : i32
        %dma_wait3A_257 = tpu.memref_slice %arg11[%dma_wait3A_255, %dma_wait3A_256] : memref<10112x128xf32, #tpu.memory_space<vmem_shared>> -> memref<10112x128xf32, #tpu.memory_space<vmem_shared>>
        tpu.wait_indirect_dma semaphore(%run_scoped3A_237 : memref<!tpu.dma_semaphore, #tpu.memory_space<semaphore_mem>>) src(%arg10 : memref<128x128xf32, #tpu.memory_space<vmem>>) dst(%dma_wait3A_257 : memref<10112x128xf32, #tpu.memory_space<vmem_shared>>)
        tpu.yield
      }) : () -> ()
      %lt3A_225 = arith.constant 9 : i32
      %lt3A_226 = arith.cmpi slt, %add3A_181, %lt3A_225 : i32
      %convert_element_type3A_227 = arith.extui %lt3A_226 : i1 to i32
      %cond3A_228 = arith.constant 0 : i32
      %cond3A_229 = arith.cmpi ne, %convert_element_type3A_227, %cond3A_228 : i32
      scf.if %cond3A_229 {
        %dma_start3A_237 = arith.constant 0 : i32
        %dma_start3A_238 = arith.constant 1 : i32
        %dma_start3A_239 = arith.constant 0 : i32
        %dma_start3A_240 = arith.constant 0 : i32
        %dma_start3A_241 = tpu.memref_slice %arg7[%dma_start3A_237, %dma_start3A_239, %dma_start3A_240] : memref<2x8x128xi32, #tpu.memory_space<vmem>> -> memref<1x8x128xi32, #tpu.memory_space<vmem>>
        %dma_start3A_242 = tpu.memref_squeeze %dma_start3A_241 : memref<1x8x128xi32, #tpu.memory_space<vmem>> -> memref<8x128xi32, #tpu.memory_space<vmem>>
        %dma_start3A_243 = arith.constant 0 : i32
        %dma_start3A_244 = tpu.memref_slice %dma_start3A_242[%dma_start3A_238, %dma_start3A_243] : memref<8x128xi32, #tpu.memory_space<vmem>> -> memref<1x128xi32, #tpu.memory_space<vmem>>
        %dma_start3A_245 = tpu.memref_squeeze %dma_start3A_244 : memref<1x128xi32, #tpu.memory_space<vmem>> -> memref<128xi32, #tpu.memory_space<vmem>>
        %dma_start3A_246 = arith.constant 0 : i32
        %dma_start3A_247 = arith.constant 0 : i32
        %dma_start3A_248 = tpu.memref_slice %arg2[%dma_start3A_246, %dma_start3A_247] : memref<10000x128xf32, #tpu.memory_space<hbm>> -> memref<10000x128xf32, #tpu.memory_space<hbm>>
        tpu.enqueue_indirect_dma source(%dma_start3A_248 : memref<10000x128xf32, #tpu.memory_space<hbm>>) target(%arg10 : memref<128x128xf32, #tpu.memory_space<vmem>>) offsets(%dma_start3A_245 : memref<128xi32, #tpu.memory_space<vmem>>) semaphore(%arg13 : memref<!tpu.dma_semaphore, #tpu.memory_space<semaphore_mem>>)
      } else {
      }
      %add3A_230 = arith.constant 2 : i32
      %add3A_231 = arith.addi %add3A_181, %add3A_230 : i32
      %lt3A_232 = arith.constant 10 : i32
      %lt3A_233 = arith.cmpi slt, %add3A_231, %lt3A_232 : i32
      %convert_element_type3A_234 = arith.extui %lt3A_233 : i1 to i32
      %cond3A_235 = arith.constant 0 : i32
      %cond3A_236 = arith.cmpi ne, %convert_element_type3A_234, %cond3A_235 : i32
      scf.if %cond3A_236 {
        %add3A_237 = arith.constant 2 : i32
        %add3A_238 = arith.addi %add3A_181, %add3A_237 : i32
        %mul3A_239 = arith.constant 8 : i32
        %mul3A_240 = arith.muli %add3A_238, %mul3A_239 : i32
        %add3A_241 = arith.addi %mul3A_2, %mul3A_240 : i32
        %dma_start3A_242 = arith.constant 1 : i32
        %dma_start3A_243 = arith.constant 0 : i32
        %dma_start3A_244 = arith.constant 0 : i32
        %dma_start3A_245 = tpu.memref_slice %arg7[%dma_start3A_242, %dma_start3A_243, %dma_start3A_244] : memref<2x8x128xi32, #tpu.memory_space<vmem>> -> memref<1x8x128xi32, #tpu.memory_space<vmem>>
        %dma_start3A_246 = tpu.memref_squeeze %dma_start3A_245 : memref<1x8x128xi32, #tpu.memory_space<vmem>> -> memref<8x128xi32, #tpu.memory_space<vmem>>
        %dma_start3A_247 = arith.constant 0 : i32
        %dma_start3A_248 = tpu.memref_slice %arg3[%add3A_241, %dma_start3A_247] : memref<2560x128xi32, #tpu.memory_space<hbm>> -> memref<8x128xi32, #tpu.memory_space<hbm>>
        %dma_start3A_249 = arith.constant 0 : i32
        %dma_start3A_250 = arith.constant 0 : i32
        %dma_start3A_251 = tpu.memref_slice %arg7[%dma_start3A_242, %dma_start3A_249, %dma_start3A_250] : memref<2x8x128xi32, #tpu.memory_space<vmem>> -> memref<1x8x128xi32, #tpu.memory_space<vmem>>
        %dma_start3A_252 = tpu.memref_squeeze %dma_start3A_251 : memref<1x8x128xi32, #tpu.memory_space<vmem>> -> memref<8x128xi32, #tpu.memory_space<vmem>>
        %dma_start3A_253 = arith.constant 0 : i32
        %dma_start3A_254 = tpu.memref_slice %arg3[%add3A_241, %dma_start3A_253] : memref<2560x128xi32, #tpu.memory_space<hbm>> -> memref<8x128xi32, #tpu.memory_space<hbm>>
        tpu.enqueue_dma source(%dma_start3A_254 : memref<8x128xi32, #tpu.memory_space<hbm>>) target(%dma_start3A_252 : memref<8x128xi32, #tpu.memory_space<vmem>>) target_semaphore(%arg15 : memref<!tpu.dma_semaphore, #tpu.memory_space<semaphore_mem>>)
        %dma_start3A_255 = arith.constant 1 : i32
        %dma_start3A_256 = arith.constant 0 : i32
        %dma_start3A_257 = arith.constant 0 : i32
        %dma_start3A_258 = tpu.memref_slice %arg8[%dma_start3A_255, %dma_start3A_256, %dma_start3A_257] : memref<2x8x128xi32, #tpu.memory_space<vmem>> -> memref<1x8x128xi32, #tpu.memory_space<vmem>>
        %dma_start3A_259 = tpu.memref_squeeze %dma_start3A_258 : memref<1x8x128xi32, #tpu.memory_space<vmem>> -> memref<8x128xi32, #tpu.memory_space<vmem>>
        %dma_start3A_260 = arith.constant 0 : i32
        %dma_start3A_261 = tpu.memref_slice %arg4[%add3A_241, %dma_start3A_260] : memref<2560x128xi32, #tpu.memory_space<hbm>> -> memref<8x128xi32, #tpu.memory_space<hbm>>
        %dma_start3A_262 = arith.constant 0 : i32
        %dma_start3A_263 = arith.constant 0 : i32
        %dma_start3A_264 = tpu.memref_slice %arg8[%dma_start3A_255, %dma_start3A_262, %dma_start3A_263] : memref<2x8x128xi32, #tpu.memory_space<vmem>> -> memref<1x8x128xi32, #tpu.memory_space<vmem>>
        %dma_start3A_265 = tpu.memref_squeeze %dma_start3A_264 : memref<1x8x128xi32, #tpu.memory_space<vmem>> -> memref<8x128xi32, #tpu.memory_space<vmem>>
        %dma_start3A_266 = arith.constant 0 : i32
        %dma_start3A_267 = tpu.memref_slice %arg4[%add3A_241, %dma_start3A_266] : memref<2560x128xi32, #tpu.memory_space<hbm>> -> memref<8x128xi32, #tpu.memory_space<hbm>>
        tpu.enqueue_dma source(%dma_start3A_267 : memref<8x128xi32, #tpu.memory_space<hbm>>) target(%dma_start3A_265 : memref<8x128xi32, #tpu.memory_space<vmem>>) target_semaphore(%arg15 : memref<!tpu.dma_semaphore, #tpu.memory_space<semaphore_mem>>)
      } else {
      }
    }
    %scan3A_116 = arith.constant 5 : i32
    %barrier3A_117 = arith.constant 0 : index
    tpu.barrier barrier_id(%barrier3A_117)
    %mul3A_118 = arith.constant 632 : i32
    %mul3A_119 = arith.muli %arg1, %mul3A_118 : i32
    %mul3A_120 = arith.constant 632 : i32
    %mul3A_121 = arith.muli %arg1, %mul3A_120 : i32
    "tpu.region"() ({
      %run_scoped3A = tpu.sem_alloc : memref<!tpu.dma_semaphore, #tpu.memory_space<semaphore_mem>>
      %dma_start3A_122 = arith.constant 0 : i32
      %dma_start3A_123 = arith.constant 0 : i32
      %dma_start3A_124 = tpu.memref_slice %arg6[%arg0, %dma_start3A_122, %dma_start3A_123] : memref<2x10112x128xf32, #tpu.memory_space<hbm>> -> memref<1x10112x128xf32, #tpu.memory_space<hbm>>
      %dma_start3A_125 = tpu.memref_squeeze %dma_start3A_124 : memref<1x10112x128xf32, #tpu.memory_space<hbm>> -> memref<10112x128xf32, #tpu.memory_space<hbm>>
      %dma_start3A_126 = arith.constant 0 : i32
      %dma_start3A_127 = tpu.memref_slice %dma_start3A_125[%mul3A_121, %dma_start3A_126] : memref<10112x128xf32, #tpu.memory_space<hbm>> -> memref<632x128xf32, #tpu.memory_space<hbm>>
      %dma_start3A_128 = arith.constant 0 : i32
      %dma_start3A_129 = tpu.memref_slice %arg11[%mul3A_119, %dma_start3A_128] : memref<10112x128xf32, #tpu.memory_space<vmem_shared>> -> memref<632x128xf32, #tpu.memory_space<vmem_shared>>
      tpu.enqueue_dma source(%dma_start3A_129 : memref<632x128xf32, #tpu.memory_space<vmem_shared>>) target(%dma_start3A_127 : memref<632x128xf32, #tpu.memory_space<hbm>>) target_semaphore(%run_scoped3A : memref<!tpu.dma_semaphore, #tpu.memory_space<semaphore_mem>>)
      %dma_wait3A_130 = arith.constant 0 : i32
      %dma_wait3A_131 = arith.constant 0 : i32
      %dma_wait3A_132 = tpu.memref_slice %arg6[%arg0, %dma_wait3A_130, %dma_wait3A_131] : memref<2x10112x128xf32, #tpu.memory_space<hbm>> -> memref<1x10112x128xf32, #tpu.memory_space<hbm>>
      %dma_wait3A_133 = tpu.memref_squeeze %dma_wait3A_132 : memref<1x10112x128xf32, #tpu.memory_space<hbm>> -> memref<10112x128xf32, #tpu.memory_space<hbm>>
      %dma_wait3A_134 = arith.constant 0 : i32
      %dma_wait3A_135 = tpu.memref_slice %dma_wait3A_133[%mul3A_121, %dma_wait3A_134] : memref<10112x128xf32, #tpu.memory_space<hbm>> -> memref<632x128xf32, #tpu.memory_space<hbm>>
      %dma_wait3A_136 = arith.constant 0 : i32
      %dma_wait3A_137 = tpu.memref_slice %arg11[%mul3A_119, %dma_wait3A_136] : memref<10112x128xf32, #tpu.memory_space<vmem_shared>> -> memref<632x128xf32, #tpu.memory_space<vmem_shared>>
      tpu.wait_dma2 semaphore(%run_scoped3A : memref<!tpu.dma_semaphore, #tpu.memory_space<semaphore_mem>>) src(%dma_wait3A_137 : memref<632x128xf32, #tpu.memory_space<vmem_shared>>) dst(%dma_wait3A_135 : memref<632x128xf32, #tpu.memory_space<hbm>>)
      tpu.yield
    }) : () -> ()
    return
  }
}

#map = affine_map<(d0, d1) -> (0, 0, 0)>
#map1 = affine_map<(d0, d1) -> (0, 0)>
module attributes {stable_mosaic.version = 14 : i64} {
  func.func @sc_agg(%arg0: i32, %arg1: i32, %arg2: memref<2x10000x128xf32, #tpu.memory_space<hbm>>, %arg3: memref<2560x128xi32, #tpu.memory_space<hbm>>, %arg4: memref<2560x128xi32, #tpu.memory_space<hbm>>, %arg5: memref<10112x128xf32, #tpu.memory_space<hbm>>, %arg6: memref<2x10112x128xf32, #tpu.memory_space<hbm>>, %arg7: memref<2x8x128xi32, #tpu.memory_space<vmem>>, %arg8: memref<2x8x128xi32, #tpu.memory_space<vmem>>, %arg9: memref<128x128xf32, #tpu.memory_space<vmem>>, %arg10: memref<128x128xf32, #tpu.memory_space<vmem>>, %arg11: memref<10112x128xf32, #tpu.memory_space<vmem_shared>>, %arg12: memref<!tpu.dma_semaphore, #tpu.memory_space<semaphore_mem>>, %arg13: memref<!tpu.dma_semaphore, #tpu.memory_space<semaphore_mem>>, %arg14: memref<!tpu.dma_semaphore, #tpu.memory_space<semaphore_mem>>, %arg15: memref<!tpu.dma_semaphore, #tpu.memory_space<semaphore_mem>>) attributes {dimension_semantics = [#tpu.dimension_semantics<core_parallel>, #tpu.dimension_semantics<subcore_parallel>], iteration_bounds = array<i64: 2, 16>, scalar_prefetch = 0 : i64, scratch_operands = 9 : i64, tpu.core_type = #tpu.core_type<sc_vector_subcore>, window_params = [{transform_indices = #map}, {transform_indices = #map1}, {transform_indices = #map1}, {transform_indices = #map1}, {transform_indices = #map}]} {
    %mul3A = arith.constant 160 : i32
    %mul3A_0 = arith.muli %arg1, %mul3A : i32
    %add3A = arith.constant 0 : i32
    %add3A_1 = arith.addi %mul3A_0, %add3A : i32
    %dma_start3A = arith.constant 0 : i32
    %dma_start3A_2 = arith.constant 0 : i32
    %dma_start3A_3 = arith.constant 0 : i32
    %dma_start3A_4 = tpu.memref_slice %arg7[%dma_start3A, %dma_start3A_2, %dma_start3A_3] : memref<2x8x128xi32, #tpu.memory_space<vmem>> -> memref<1x8x128xi32, #tpu.memory_space<vmem>>
    %dma_start3A_5 = tpu.memref_squeeze %dma_start3A_4 : memref<1x8x128xi32, #tpu.memory_space<vmem>> -> memref<8x128xi32, #tpu.memory_space<vmem>>
    %dma_start3A_6 = arith.constant 0 : i32
    %dma_start3A_7 = tpu.memref_slice %arg3[%add3A_1, %dma_start3A_6] : memref<2560x128xi32, #tpu.memory_space<hbm>> -> memref<8x128xi32, #tpu.memory_space<hbm>>
    %dma_start3A_8 = arith.constant 0 : i32
    %dma_start3A_9 = arith.constant 0 : i32
    %dma_start3A_10 = tpu.memref_slice %arg7[%dma_start3A, %dma_start3A_8, %dma_start3A_9] : memref<2x8x128xi32, #tpu.memory_space<vmem>> -> memref<1x8x128xi32, #tpu.memory_space<vmem>>
    %dma_start3A_11 = tpu.memref_squeeze %dma_start3A_10 : memref<1x8x128xi32, #tpu.memory_space<vmem>> -> memref<8x128xi32, #tpu.memory_space<vmem>>
    %dma_start3A_12 = arith.constant 0 : i32
    %dma_start3A_13 = tpu.memref_slice %arg3[%add3A_1, %dma_start3A_12] : memref<2560x128xi32, #tpu.memory_space<hbm>> -> memref<8x128xi32, #tpu.memory_space<hbm>>
    tpu.enqueue_dma source(%dma_start3A_13 : memref<8x128xi32, #tpu.memory_space<hbm>>) target(%dma_start3A_11 : memref<8x128xi32, #tpu.memory_space<vmem>>) target_semaphore(%arg14 : memref<!tpu.dma_semaphore, #tpu.memory_space<semaphore_mem>>)
    %dma_start3A_14 = arith.constant 0 : i32
    %dma_start3A_15 = arith.constant 0 : i32
    %dma_start3A_16 = arith.constant 0 : i32
    %dma_start3A_17 = tpu.memref_slice %arg8[%dma_start3A_14, %dma_start3A_15, %dma_start3A_16] : memref<2x8x128xi32, #tpu.memory_space<vmem>> -> memref<1x8x128xi32, #tpu.memory_space<vmem>>
    %dma_start3A_18 = tpu.memref_squeeze %dma_start3A_17 : memref<1x8x128xi32, #tpu.memory_space<vmem>> -> memref<8x128xi32, #tpu.memory_space<vmem>>
    %dma_start3A_19 = arith.constant 0 : i32
    %dma_start3A_20 = tpu.memref_slice %arg4[%add3A_1, %dma_start3A_19] : memref<2560x128xi32, #tpu.memory_space<hbm>> -> memref<8x128xi32, #tpu.memory_space<hbm>>
    %dma_start3A_21 = arith.constant 0 : i32
    %dma_start3A_22 = arith.constant 0 : i32
    %dma_start3A_23 = tpu.memref_slice %arg8[%dma_start3A_14, %dma_start3A_21, %dma_start3A_22] : memref<2x8x128xi32, #tpu.memory_space<vmem>> -> memref<1x8x128xi32, #tpu.memory_space<vmem>>
    %dma_start3A_24 = tpu.memref_squeeze %dma_start3A_23 : memref<1x8x128xi32, #tpu.memory_space<vmem>> -> memref<8x128xi32, #tpu.memory_space<vmem>>
    %dma_start3A_25 = arith.constant 0 : i32
    %dma_start3A_26 = tpu.memref_slice %arg4[%add3A_1, %dma_start3A_25] : memref<2560x128xi32, #tpu.memory_space<hbm>> -> memref<8x128xi32, #tpu.memory_space<hbm>>
    tpu.enqueue_dma source(%dma_start3A_26 : memref<8x128xi32, #tpu.memory_space<hbm>>) target(%dma_start3A_24 : memref<8x128xi32, #tpu.memory_space<vmem>>) target_semaphore(%arg14 : memref<!tpu.dma_semaphore, #tpu.memory_space<semaphore_mem>>)
    %add3A_27 = arith.constant 8 : i32
    %add3A_28 = arith.addi %mul3A_0, %add3A_27 : i32
    %dma_start3A_29 = arith.constant 1 : i32
    %dma_start3A_30 = arith.constant 0 : i32
    %dma_start3A_31 = arith.constant 0 : i32
    %dma_start3A_32 = tpu.memref_slice %arg7[%dma_start3A_29, %dma_start3A_30, %dma_start3A_31] : memref<2x8x128xi32, #tpu.memory_space<vmem>> -> memref<1x8x128xi32, #tpu.memory_space<vmem>>
    %dma_start3A_33 = tpu.memref_squeeze %dma_start3A_32 : memref<1x8x128xi32, #tpu.memory_space<vmem>> -> memref<8x128xi32, #tpu.memory_space<vmem>>
    %dma_start3A_34 = arith.constant 0 : i32
    %dma_start3A_35 = tpu.memref_slice %arg3[%add3A_28, %dma_start3A_34] : memref<2560x128xi32, #tpu.memory_space<hbm>> -> memref<8x128xi32, #tpu.memory_space<hbm>>
    %dma_start3A_36 = arith.constant 0 : i32
    %dma_start3A_37 = arith.constant 0 : i32
    %dma_start3A_38 = tpu.memref_slice %arg7[%dma_start3A_29, %dma_start3A_36, %dma_start3A_37] : memref<2x8x128xi32, #tpu.memory_space<vmem>> -> memref<1x8x128xi32, #tpu.memory_space<vmem>>
    %dma_start3A_39 = tpu.memref_squeeze %dma_start3A_38 : memref<1x8x128xi32, #tpu.memory_space<vmem>> -> memref<8x128xi32, #tpu.memory_space<vmem>>
    %dma_start3A_40 = arith.constant 0 : i32
    %dma_start3A_41 = tpu.memref_slice %arg3[%add3A_28, %dma_start3A_40] : memref<2560x128xi32, #tpu.memory_space<hbm>> -> memref<8x128xi32, #tpu.memory_space<hbm>>
    tpu.enqueue_dma source(%dma_start3A_41 : memref<8x128xi32, #tpu.memory_space<hbm>>) target(%dma_start3A_39 : memref<8x128xi32, #tpu.memory_space<vmem>>) target_semaphore(%arg15 : memref<!tpu.dma_semaphore, #tpu.memory_space<semaphore_mem>>)
    %dma_start3A_42 = arith.constant 1 : i32
    %dma_start3A_43 = arith.constant 0 : i32
    %dma_start3A_44 = arith.constant 0 : i32
    %dma_start3A_45 = tpu.memref_slice %arg8[%dma_start3A_42, %dma_start3A_43, %dma_start3A_44] : memref<2x8x128xi32, #tpu.memory_space<vmem>> -> memref<1x8x128xi32, #tpu.memory_space<vmem>>
    %dma_start3A_46 = tpu.memref_squeeze %dma_start3A_45 : memref<1x8x128xi32, #tpu.memory_space<vmem>> -> memref<8x128xi32, #tpu.memory_space<vmem>>
    %dma_start3A_47 = arith.constant 0 : i32
    %dma_start3A_48 = tpu.memref_slice %arg4[%add3A_28, %dma_start3A_47] : memref<2560x128xi32, #tpu.memory_space<hbm>> -> memref<8x128xi32, #tpu.memory_space<hbm>>
    %dma_start3A_49 = arith.constant 0 : i32
    %dma_start3A_50 = arith.constant 0 : i32
    %dma_start3A_51 = tpu.memref_slice %arg8[%dma_start3A_42, %dma_start3A_49, %dma_start3A_50] : memref<2x8x128xi32, #tpu.memory_space<vmem>> -> memref<1x8x128xi32, #tpu.memory_space<vmem>>
    %dma_start3A_52 = tpu.memref_squeeze %dma_start3A_51 : memref<1x8x128xi32, #tpu.memory_space<vmem>> -> memref<8x128xi32, #tpu.memory_space<vmem>>
    %dma_start3A_53 = arith.constant 0 : i32
    %dma_start3A_54 = tpu.memref_slice %arg4[%add3A_28, %dma_start3A_53] : memref<2560x128xi32, #tpu.memory_space<hbm>> -> memref<8x128xi32, #tpu.memory_space<hbm>>
    tpu.enqueue_dma source(%dma_start3A_54 : memref<8x128xi32, #tpu.memory_space<hbm>>) target(%dma_start3A_52 : memref<8x128xi32, #tpu.memory_space<vmem>>) target_semaphore(%arg15 : memref<!tpu.dma_semaphore, #tpu.memory_space<semaphore_mem>>)
    %add3A_55 = arith.constant 0 : i32
    %add3A_56 = arith.addi %mul3A_0, %add3A_55 : i32
    %dma_wait3A = arith.constant 0 : i32
    %dma_wait3A_57 = arith.constant 0 : i32
    %dma_wait3A_58 = arith.constant 0 : i32
    %dma_wait3A_59 = tpu.memref_slice %arg7[%dma_wait3A, %dma_wait3A_57, %dma_wait3A_58] : memref<2x8x128xi32, #tpu.memory_space<vmem>> -> memref<1x8x128xi32, #tpu.memory_space<vmem>>
    %dma_wait3A_60 = tpu.memref_squeeze %dma_wait3A_59 : memref<1x8x128xi32, #tpu.memory_space<vmem>> -> memref<8x128xi32, #tpu.memory_space<vmem>>
    %dma_wait3A_61 = arith.constant 0 : i32
    %dma_wait3A_62 = tpu.memref_slice %arg3[%add3A_56, %dma_wait3A_61] : memref<2560x128xi32, #tpu.memory_space<hbm>> -> memref<8x128xi32, #tpu.memory_space<hbm>>
    %dma_wait3A_63 = arith.constant 0 : i32
    %dma_wait3A_64 = arith.constant 0 : i32
    %dma_wait3A_65 = tpu.memref_slice %arg7[%dma_wait3A, %dma_wait3A_63, %dma_wait3A_64] : memref<2x8x128xi32, #tpu.memory_space<vmem>> -> memref<1x8x128xi32, #tpu.memory_space<vmem>>
    %dma_wait3A_66 = tpu.memref_squeeze %dma_wait3A_65 : memref<1x8x128xi32, #tpu.memory_space<vmem>> -> memref<8x128xi32, #tpu.memory_space<vmem>>
    %dma_wait3A_67 = arith.constant 0 : i32
    %dma_wait3A_68 = tpu.memref_slice %arg3[%add3A_56, %dma_wait3A_67] : memref<2560x128xi32, #tpu.memory_space<hbm>> -> memref<8x128xi32, #tpu.memory_space<hbm>>
    tpu.wait_dma2 semaphore(%arg14 : memref<!tpu.dma_semaphore, #tpu.memory_space<semaphore_mem>>) src(%dma_wait3A_68 : memref<8x128xi32, #tpu.memory_space<hbm>>) dst(%dma_wait3A_66 : memref<8x128xi32, #tpu.memory_space<vmem>>)
    %dma_wait3A_69 = arith.constant 0 : i32
    %dma_wait3A_70 = arith.constant 0 : i32
    %dma_wait3A_71 = arith.constant 0 : i32
    %dma_wait3A_72 = tpu.memref_slice %arg8[%dma_wait3A_69, %dma_wait3A_70, %dma_wait3A_71] : memref<2x8x128xi32, #tpu.memory_space<vmem>> -> memref<1x8x128xi32, #tpu.memory_space<vmem>>
    %dma_wait3A_73 = tpu.memref_squeeze %dma_wait3A_72 : memref<1x8x128xi32, #tpu.memory_space<vmem>> -> memref<8x128xi32, #tpu.memory_space<vmem>>
    %dma_wait3A_74 = arith.constant 0 : i32
    %dma_wait3A_75 = tpu.memref_slice %arg4[%add3A_56, %dma_wait3A_74] : memref<2560x128xi32, #tpu.memory_space<hbm>> -> memref<8x128xi32, #tpu.memory_space<hbm>>
    %dma_wait3A_76 = arith.constant 0 : i32
    %dma_wait3A_77 = arith.constant 0 : i32
    %dma_wait3A_78 = tpu.memref_slice %arg8[%dma_wait3A_69, %dma_wait3A_76, %dma_wait3A_77] : memref<2x8x128xi32, #tpu.memory_space<vmem>> -> memref<1x8x128xi32, #tpu.memory_space<vmem>>
    %dma_wait3A_79 = tpu.memref_squeeze %dma_wait3A_78 : memref<1x8x128xi32, #tpu.memory_space<vmem>> -> memref<8x128xi32, #tpu.memory_space<vmem>>
    %dma_wait3A_80 = arith.constant 0 : i32
    %dma_wait3A_81 = tpu.memref_slice %arg4[%add3A_56, %dma_wait3A_80] : memref<2560x128xi32, #tpu.memory_space<hbm>> -> memref<8x128xi32, #tpu.memory_space<hbm>>
    tpu.wait_dma2 semaphore(%arg14 : memref<!tpu.dma_semaphore, #tpu.memory_space<semaphore_mem>>) src(%dma_wait3A_81 : memref<8x128xi32, #tpu.memory_space<hbm>>) dst(%dma_wait3A_79 : memref<8x128xi32, #tpu.memory_space<vmem>>)
    %dma_start3A_82 = arith.constant 0 : i32
    %dma_start3A_83 = arith.constant 0 : i32
    %dma_start3A_84 = arith.constant 0 : i32
    %dma_start3A_85 = arith.constant 0 : i32
    %dma_start3A_86 = tpu.memref_slice %arg7[%dma_start3A_82, %dma_start3A_84, %dma_start3A_85] : memref<2x8x128xi32, #tpu.memory_space<vmem>> -> memref<1x8x128xi32, #tpu.memory_space<vmem>>
    %dma_start3A_87 = tpu.memref_squeeze %dma_start3A_86 : memref<1x8x128xi32, #tpu.memory_space<vmem>> -> memref<8x128xi32, #tpu.memory_space<vmem>>
    %dma_start3A_88 = arith.constant 0 : i32
    %dma_start3A_89 = tpu.memref_slice %dma_start3A_87[%dma_start3A_83, %dma_start3A_88] : memref<8x128xi32, #tpu.memory_space<vmem>> -> memref<1x128xi32, #tpu.memory_space<vmem>>
    %dma_start3A_90 = tpu.memref_squeeze %dma_start3A_89 : memref<1x128xi32, #tpu.memory_space<vmem>> -> memref<128xi32, #tpu.memory_space<vmem>>
    %dma_start3A_91 = arith.constant 0 : i32
    %dma_start3A_92 = arith.constant 0 : i32
    %dma_start3A_93 = tpu.memref_slice %arg2[%arg0, %dma_start3A_91, %dma_start3A_92] : memref<2x10000x128xf32, #tpu.memory_space<hbm>> -> memref<1x10000x128xf32, #tpu.memory_space<hbm>>
    %dma_start3A_94 = tpu.memref_squeeze %dma_start3A_93 : memref<1x10000x128xf32, #tpu.memory_space<hbm>> -> memref<10000x128xf32, #tpu.memory_space<hbm>>
    %dma_start3A_95 = arith.constant 0 : i32
    %dma_start3A_96 = arith.constant 0 : i32
    %dma_start3A_97 = tpu.memref_slice %dma_start3A_94[%dma_start3A_95, %dma_start3A_96] : memref<10000x128xf32, #tpu.memory_space<hbm>> -> memref<10000x128xf32, #tpu.memory_space<hbm>>
    tpu.enqueue_indirect_dma source(%dma_start3A_97 : memref<10000x128xf32, #tpu.memory_space<hbm>>) target(%arg9 : memref<128x128xf32, #tpu.memory_space<vmem>>) offsets(%dma_start3A_90 : memref<128xi32, #tpu.memory_space<vmem>>) semaphore(%arg12 : memref<!tpu.dma_semaphore, #tpu.memory_space<semaphore_mem>>)
    %dma_start3A_98 = arith.constant 0 : i32
    %dma_start3A_99 = arith.constant 1 : i32
    %dma_start3A_100 = arith.constant 0 : i32
    %dma_start3A_101 = arith.constant 0 : i32
    %dma_start3A_102 = tpu.memref_slice %arg7[%dma_start3A_98, %dma_start3A_100, %dma_start3A_101] : memref<2x8x128xi32, #tpu.memory_space<vmem>> -> memref<1x8x128xi32, #tpu.memory_space<vmem>>
    %dma_start3A_103 = tpu.memref_squeeze %dma_start3A_102 : memref<1x8x128xi32, #tpu.memory_space<vmem>> -> memref<8x128xi32, #tpu.memory_space<vmem>>
    %dma_start3A_104 = arith.constant 0 : i32
    %dma_start3A_105 = tpu.memref_slice %dma_start3A_103[%dma_start3A_99, %dma_start3A_104] : memref<8x128xi32, #tpu.memory_space<vmem>> -> memref<1x128xi32, #tpu.memory_space<vmem>>
    %dma_start3A_106 = tpu.memref_squeeze %dma_start3A_105 : memref<1x128xi32, #tpu.memory_space<vmem>> -> memref<128xi32, #tpu.memory_space<vmem>>
    %dma_start3A_107 = arith.constant 0 : i32
    %dma_start3A_108 = arith.constant 0 : i32
    %dma_start3A_109 = tpu.memref_slice %arg2[%arg0, %dma_start3A_107, %dma_start3A_108] : memref<2x10000x128xf32, #tpu.memory_space<hbm>> -> memref<1x10000x128xf32, #tpu.memory_space<hbm>>
    %dma_start3A_110 = tpu.memref_squeeze %dma_start3A_109 : memref<1x10000x128xf32, #tpu.memory_space<hbm>> -> memref<10000x128xf32, #tpu.memory_space<hbm>>
    %dma_start3A_111 = arith.constant 0 : i32
    %dma_start3A_112 = arith.constant 0 : i32
    %dma_start3A_113 = tpu.memref_slice %dma_start3A_110[%dma_start3A_111, %dma_start3A_112] : memref<10000x128xf32, #tpu.memory_space<hbm>> -> memref<10000x128xf32, #tpu.memory_space<hbm>>
    tpu.enqueue_indirect_dma source(%dma_start3A_113 : memref<10000x128xf32, #tpu.memory_space<hbm>>) target(%arg10 : memref<128x128xf32, #tpu.memory_space<vmem>>) offsets(%dma_start3A_106 : memref<128xi32, #tpu.memory_space<vmem>>) semaphore(%arg13 : memref<!tpu.dma_semaphore, #tpu.memory_space<semaphore_mem>>)
    %mul3A_114 = arith.constant 632 : i32
    %mul3A_115 = arith.muli %arg1, %mul3A_114 : i32
    %mul3A_116 = arith.constant 632 : i32
    %mul3A_117 = arith.muli %arg1, %mul3A_116 : i32
    "tpu.region"() ({
      %run_scoped3A = tpu.sem_alloc : memref<!tpu.dma_semaphore, #tpu.memory_space<semaphore_mem>>
      %dma_start3A_127 = arith.constant 0 : i32
      %dma_start3A_128 = tpu.memref_slice %arg11[%mul3A_117, %dma_start3A_127] : memref<10112x128xf32, #tpu.memory_space<vmem_shared>> -> memref<632x128xf32, #tpu.memory_space<vmem_shared>>
      %dma_start3A_129 = arith.constant 0 : i32
      %dma_start3A_130 = tpu.memref_slice %arg5[%mul3A_115, %dma_start3A_129] : memref<10112x128xf32, #tpu.memory_space<hbm>> -> memref<632x128xf32, #tpu.memory_space<hbm>>
      tpu.enqueue_dma source(%dma_start3A_130 : memref<632x128xf32, #tpu.memory_space<hbm>>) target(%dma_start3A_128 : memref<632x128xf32, #tpu.memory_space<vmem_shared>>) target_semaphore(%run_scoped3A : memref<!tpu.dma_semaphore, #tpu.memory_space<semaphore_mem>>)
      %dma_wait3A_131 = arith.constant 0 : i32
      %dma_wait3A_132 = tpu.memref_slice %arg11[%mul3A_117, %dma_wait3A_131] : memref<10112x128xf32, #tpu.memory_space<vmem_shared>> -> memref<632x128xf32, #tpu.memory_space<vmem_shared>>
      %dma_wait3A_133 = arith.constant 0 : i32
      %dma_wait3A_134 = tpu.memref_slice %arg5[%mul3A_115, %dma_wait3A_133] : memref<10112x128xf32, #tpu.memory_space<hbm>> -> memref<632x128xf32, #tpu.memory_space<hbm>>
      tpu.wait_dma2 semaphore(%run_scoped3A : memref<!tpu.dma_semaphore, #tpu.memory_space<semaphore_mem>>) src(%dma_wait3A_134 : memref<632x128xf32, #tpu.memory_space<hbm>>) dst(%dma_wait3A_132 : memref<632x128xf32, #tpu.memory_space<vmem_shared>>)
      tpu.yield
    }) : () -> ()
    %barrier3A = arith.constant 0 : index
    tpu.barrier barrier_id(%barrier3A)
    %scan3A = arith.constant 0 : i32
    %scan3A_118 = arith.constant 10 : i32
    %scan3A_119 = arith.addi %scan3A, %scan3A_118 : i32
    %scan3A_120 = arith.constant 1 : i32
    scf.for %scan3A_127 = %scan3A to %scan3A_119 step %scan3A_120  : i32 {
      %mul3A_128 = arith.constant 2 : i32
      %mul3A_129 = arith.muli %scan3A_127, %mul3A_128 : i32
      %add3A_130 = arith.constant 0 : i32
      %add3A_131 = arith.addi %add3A_130, %mul3A_129 : i32
      %add3A_132 = arith.constant 0 : i32
      %add3A_133 = arith.addi %add3A_131, %add3A_132 : i32
      %scan3A_134 = arith.constant 0 : i32
      %scan3A_135 = arith.constant 3 : i32
      %scan3A_136 = arith.addi %scan3A_134, %scan3A_135 : i32
      %scan3A_137 = arith.constant 1 : i32
      scf.for %scan3A_258 = %scan3A_134 to %scan3A_136 step %scan3A_137  : i32 {
        %mul3A_259 = arith.constant 2 : i32
        %mul3A_260 = arith.muli %scan3A_258, %mul3A_259 : i32
        %add3A_261 = arith.constant 0 : i32
        %add3A_262 = arith.addi %add3A_261, %mul3A_260 : i32
        %add3A_263 = arith.constant 0 : i32
        %add3A_264 = arith.addi %add3A_262, %add3A_263 : i32
        %dma_wait3A_265 = arith.constant 0 : i32
        %dma_wait3A_266 = arith.constant 0 : i32
        %dma_wait3A_267 = arith.constant 0 : i32
        %dma_wait3A_268 = tpu.memref_slice %arg7[%dma_wait3A_265, %dma_wait3A_266, %dma_wait3A_267] : memref<2x8x128xi32, #tpu.memory_space<vmem>> -> memref<1x8x128xi32, #tpu.memory_space<vmem>>
        %dma_wait3A_269 = tpu.memref_squeeze %dma_wait3A_268 : memref<1x8x128xi32, #tpu.memory_space<vmem>> -> memref<8x128xi32, #tpu.memory_space<vmem>>
        %dma_wait3A_270 = arith.constant 0 : i32
        %dma_wait3A_271 = tpu.memref_slice %dma_wait3A_269[%add3A_264, %dma_wait3A_270] : memref<8x128xi32, #tpu.memory_space<vmem>> -> memref<1x128xi32, #tpu.memory_space<vmem>>
        %dma_wait3A_272 = tpu.memref_squeeze %dma_wait3A_271 : memref<1x128xi32, #tpu.memory_space<vmem>> -> memref<128xi32, #tpu.memory_space<vmem>>
        %dma_wait3A_273 = arith.constant 0 : i32
        %dma_wait3A_274 = arith.constant 0 : i32
        %dma_wait3A_275 = tpu.memref_slice %arg2[%arg0, %dma_wait3A_273, %dma_wait3A_274] : memref<2x10000x128xf32, #tpu.memory_space<hbm>> -> memref<1x10000x128xf32, #tpu.memory_space<hbm>>
        %dma_wait3A_276 = tpu.memref_squeeze %dma_wait3A_275 : memref<1x10000x128xf32, #tpu.memory_space<hbm>> -> memref<10000x128xf32, #tpu.memory_space<hbm>>
        %dma_wait3A_277 = arith.constant 0 : i32
        %dma_wait3A_278 = arith.constant 0 : i32
        %dma_wait3A_279 = tpu.memref_slice %dma_wait3A_276[%dma_wait3A_277, %dma_wait3A_278] : memref<10000x128xf32, #tpu.memory_space<hbm>> -> memref<10000x128xf32, #tpu.memory_space<hbm>>
        tpu.wait_indirect_dma semaphore(%arg12 : memref<!tpu.dma_semaphore, #tpu.memory_space<semaphore_mem>>) src(%dma_wait3A_279 : memref<10000x128xf32, #tpu.memory_space<hbm>>) dst(%arg9 : memref<128x128xf32, #tpu.memory_space<vmem>>)
        %run_scoped3A_280 = arith.constant 0 : i32
        "tpu.region"() ({
          %run_scoped3A_333 = tpu.sem_alloc : memref<!tpu.dma_semaphore, #tpu.memory_space<semaphore_mem>>
          %dma_start3A_334 = arith.constant 0 : i32
          %dma_start3A_335 = arith.constant 0 : i32
          %dma_start3A_336 = tpu.memref_slice %arg8[%run_scoped3A_280, %dma_start3A_334, %dma_start3A_335] : memref<2x8x128xi32, #tpu.memory_space<vmem>> -> memref<1x8x128xi32, #tpu.memory_space<vmem>>
          %dma_start3A_337 = tpu.memref_squeeze %dma_start3A_336 : memref<1x8x128xi32, #tpu.memory_space<vmem>> -> memref<8x128xi32, #tpu.memory_space<vmem>>
          %dma_start3A_338 = arith.constant 0 : i32
          %dma_start3A_339 = tpu.memref_slice %dma_start3A_337[%add3A_264, %dma_start3A_338] : memref<8x128xi32, #tpu.memory_space<vmem>> -> memref<1x128xi32, #tpu.memory_space<vmem>>
          %dma_start3A_340 = tpu.memref_squeeze %dma_start3A_339 : memref<1x128xi32, #tpu.memory_space<vmem>> -> memref<128xi32, #tpu.memory_space<vmem>>
          %dma_start3A_341 = arith.constant 0 : i32
          %dma_start3A_342 = arith.constant 0 : i32
          %dma_start3A_343 = tpu.memref_slice %arg11[%dma_start3A_341, %dma_start3A_342] : memref<10112x128xf32, #tpu.memory_space<vmem_shared>> -> memref<10112x128xf32, #tpu.memory_space<vmem_shared>>
          tpu.enqueue_indirect_dma source(%arg9 : memref<128x128xf32, #tpu.memory_space<vmem>>) target(%dma_start3A_343 : memref<10112x128xf32, #tpu.memory_space<vmem_shared>>) offsets(%dma_start3A_340 : memref<128xi32, #tpu.memory_space<vmem>>) semaphore(%run_scoped3A_333 : memref<!tpu.dma_semaphore, #tpu.memory_space<semaphore_mem>>) {add = true}
          %dma_wait3A_344 = arith.constant 0 : i32
          %dma_wait3A_345 = arith.constant 0 : i32
          %dma_wait3A_346 = tpu.memref_slice %arg8[%run_scoped3A_280, %dma_wait3A_344, %dma_wait3A_345] : memref<2x8x128xi32, #tpu.memory_space<vmem>> -> memref<1x8x128xi32, #tpu.memory_space<vmem>>
          %dma_wait3A_347 = tpu.memref_squeeze %dma_wait3A_346 : memref<1x8x128xi32, #tpu.memory_space<vmem>> -> memref<8x128xi32, #tpu.memory_space<vmem>>
          %dma_wait3A_348 = arith.constant 0 : i32
          %dma_wait3A_349 = tpu.memref_slice %dma_wait3A_347[%add3A_264, %dma_wait3A_348] : memref<8x128xi32, #tpu.memory_space<vmem>> -> memref<1x128xi32, #tpu.memory_space<vmem>>
          %dma_wait3A_350 = tpu.memref_squeeze %dma_wait3A_349 : memref<1x128xi32, #tpu.memory_space<vmem>> -> memref<128xi32, #tpu.memory_space<vmem>>
          %dma_wait3A_351 = arith.constant 0 : i32
          %dma_wait3A_352 = arith.constant 0 : i32
          %dma_wait3A_353 = tpu.memref_slice %arg11[%dma_wait3A_351, %dma_wait3A_352] : memref<10112x128xf32, #tpu.memory_space<vmem_shared>> -> memref<10112x128xf32, #tpu.memory_space<vmem_shared>>
          tpu.wait_indirect_dma semaphore(%run_scoped3A_333 : memref<!tpu.dma_semaphore, #tpu.memory_space<semaphore_mem>>) src(%arg9 : memref<128x128xf32, #tpu.memory_space<vmem>>) dst(%dma_wait3A_353 : memref<10112x128xf32, #tpu.memory_space<vmem_shared>>)
          tpu.yield
        }) : () -> ()
        %add3A_281 = arith.constant 2 : i32
        %add3A_282 = arith.addi %add3A_264, %add3A_281 : i32
        %dma_start3A_283 = arith.constant 0 : i32
        %dma_start3A_284 = arith.constant 0 : i32
        %dma_start3A_285 = arith.constant 0 : i32
        %dma_start3A_286 = tpu.memref_slice %arg7[%dma_start3A_283, %dma_start3A_284, %dma_start3A_285] : memref<2x8x128xi32, #tpu.memory_space<vmem>> -> memref<1x8x128xi32, #tpu.memory_space<vmem>>
        %dma_start3A_287 = tpu.memref_squeeze %dma_start3A_286 : memref<1x8x128xi32, #tpu.memory_space<vmem>> -> memref<8x128xi32, #tpu.memory_space<vmem>>
        %dma_start3A_288 = arith.constant 0 : i32
        %dma_start3A_289 = tpu.memref_slice %dma_start3A_287[%add3A_282, %dma_start3A_288] : memref<8x128xi32, #tpu.memory_space<vmem>> -> memref<1x128xi32, #tpu.memory_space<vmem>>
        %dma_start3A_290 = tpu.memref_squeeze %dma_start3A_289 : memref<1x128xi32, #tpu.memory_space<vmem>> -> memref<128xi32, #tpu.memory_space<vmem>>
        %dma_start3A_291 = arith.constant 0 : i32
        %dma_start3A_292 = arith.constant 0 : i32
        %dma_start3A_293 = tpu.memref_slice %arg2[%arg0, %dma_start3A_291, %dma_start3A_292] : memref<2x10000x128xf32, #tpu.memory_space<hbm>> -> memref<1x10000x128xf32, #tpu.memory_space<hbm>>
        %dma_start3A_294 = tpu.memref_squeeze %dma_start3A_293 : memref<1x10000x128xf32, #tpu.memory_space<hbm>> -> memref<10000x128xf32, #tpu.memory_space<hbm>>
        %dma_start3A_295 = arith.constant 0 : i32
        %dma_start3A_296 = arith.constant 0 : i32
        %dma_start3A_297 = tpu.memref_slice %dma_start3A_294[%dma_start3A_295, %dma_start3A_296] : memref<10000x128xf32, #tpu.memory_space<hbm>> -> memref<10000x128xf32, #tpu.memory_space<hbm>>
        tpu.enqueue_indirect_dma source(%dma_start3A_297 : memref<10000x128xf32, #tpu.memory_space<hbm>>) target(%arg9 : memref<128x128xf32, #tpu.memory_space<vmem>>) offsets(%dma_start3A_290 : memref<128xi32, #tpu.memory_space<vmem>>) semaphore(%arg12 : memref<!tpu.dma_semaphore, #tpu.memory_space<semaphore_mem>>)
        %add3A_298 = arith.constant 1 : i32
        %add3A_299 = arith.addi %add3A_262, %add3A_298 : i32
        %dma_wait3A_300 = arith.constant 0 : i32
        %dma_wait3A_301 = arith.constant 0 : i32
        %dma_wait3A_302 = arith.constant 0 : i32
        %dma_wait3A_303 = tpu.memref_slice %arg7[%dma_wait3A_300, %dma_wait3A_301, %dma_wait3A_302] : memref<2x8x128xi32, #tpu.memory_space<vmem>> -> memref<1x8x128xi32, #tpu.memory_space<vmem>>
        %dma_wait3A_304 = tpu.memref_squeeze %dma_wait3A_303 : memref<1x8x128xi32, #tpu.memory_space<vmem>> -> memref<8x128xi32, #tpu.memory_space<vmem>>
        %dma_wait3A_305 = arith.constant 0 : i32
        %dma_wait3A_306 = tpu.memref_slice %dma_wait3A_304[%add3A_299, %dma_wait3A_305] : memref<8x128xi32, #tpu.memory_space<vmem>> -> memref<1x128xi32, #tpu.memory_space<vmem>>
        %dma_wait3A_307 = tpu.memref_squeeze %dma_wait3A_306 : memref<1x128xi32, #tpu.memory_space<vmem>> -> memref<128xi32, #tpu.memory_space<vmem>>
        %dma_wait3A_308 = arith.constant 0 : i32
        %dma_wait3A_309 = arith.constant 0 : i32
        %dma_wait3A_310 = tpu.memref_slice %arg2[%arg0, %dma_wait3A_308, %dma_wait3A_309] : memref<2x10000x128xf32, #tpu.memory_space<hbm>> -> memref<1x10000x128xf32, #tpu.memory_space<hbm>>
        %dma_wait3A_311 = tpu.memref_squeeze %dma_wait3A_310 : memref<1x10000x128xf32, #tpu.memory_space<hbm>> -> memref<10000x128xf32, #tpu.memory_space<hbm>>
        %dma_wait3A_312 = arith.constant 0 : i32
        %dma_wait3A_313 = arith.constant 0 : i32
        %dma_wait3A_314 = tpu.memref_slice %dma_wait3A_311[%dma_wait3A_312, %dma_wait3A_313] : memref<10000x128xf32, #tpu.memory_space<hbm>> -> memref<10000x128xf32, #tpu.memory_space<hbm>>
        tpu.wait_indirect_dma semaphore(%arg13 : memref<!tpu.dma_semaphore, #tpu.memory_space<semaphore_mem>>) src(%dma_wait3A_314 : memref<10000x128xf32, #tpu.memory_space<hbm>>) dst(%arg10 : memref<128x128xf32, #tpu.memory_space<vmem>>)
        %run_scoped3A_315 = arith.constant 0 : i32
        "tpu.region"() ({
          %run_scoped3A_333 = tpu.sem_alloc : memref<!tpu.dma_semaphore, #tpu.memory_space<semaphore_mem>>
          %dma_start3A_334 = arith.constant 0 : i32
          %dma_start3A_335 = arith.constant 0 : i32
          %dma_start3A_336 = tpu.memref_slice %arg8[%run_scoped3A_315, %dma_start3A_334, %dma_start3A_335] : memref<2x8x128xi32, #tpu.memory_space<vmem>> -> memref<1x8x128xi32, #tpu.memory_space<vmem>>
          %dma_start3A_337 = tpu.memref_squeeze %dma_start3A_336 : memref<1x8x128xi32, #tpu.memory_space<vmem>> -> memref<8x128xi32, #tpu.memory_space<vmem>>
          %dma_start3A_338 = arith.constant 0 : i32
          %dma_start3A_339 = tpu.memref_slice %dma_start3A_337[%add3A_299, %dma_start3A_338] : memref<8x128xi32, #tpu.memory_space<vmem>> -> memref<1x128xi32, #tpu.memory_space<vmem>>
          %dma_start3A_340 = tpu.memref_squeeze %dma_start3A_339 : memref<1x128xi32, #tpu.memory_space<vmem>> -> memref<128xi32, #tpu.memory_space<vmem>>
          %dma_start3A_341 = arith.constant 0 : i32
          %dma_start3A_342 = arith.constant 0 : i32
          %dma_start3A_343 = tpu.memref_slice %arg11[%dma_start3A_341, %dma_start3A_342] : memref<10112x128xf32, #tpu.memory_space<vmem_shared>> -> memref<10112x128xf32, #tpu.memory_space<vmem_shared>>
          tpu.enqueue_indirect_dma source(%arg10 : memref<128x128xf32, #tpu.memory_space<vmem>>) target(%dma_start3A_343 : memref<10112x128xf32, #tpu.memory_space<vmem_shared>>) offsets(%dma_start3A_340 : memref<128xi32, #tpu.memory_space<vmem>>) semaphore(%run_scoped3A_333 : memref<!tpu.dma_semaphore, #tpu.memory_space<semaphore_mem>>) {add = true}
          %dma_wait3A_344 = arith.constant 0 : i32
          %dma_wait3A_345 = arith.constant 0 : i32
          %dma_wait3A_346 = tpu.memref_slice %arg8[%run_scoped3A_315, %dma_wait3A_344, %dma_wait3A_345] : memref<2x8x128xi32, #tpu.memory_space<vmem>> -> memref<1x8x128xi32, #tpu.memory_space<vmem>>
          %dma_wait3A_347 = tpu.memref_squeeze %dma_wait3A_346 : memref<1x8x128xi32, #tpu.memory_space<vmem>> -> memref<8x128xi32, #tpu.memory_space<vmem>>
          %dma_wait3A_348 = arith.constant 0 : i32
          %dma_wait3A_349 = tpu.memref_slice %dma_wait3A_347[%add3A_299, %dma_wait3A_348] : memref<8x128xi32, #tpu.memory_space<vmem>> -> memref<1x128xi32, #tpu.memory_space<vmem>>
          %dma_wait3A_350 = tpu.memref_squeeze %dma_wait3A_349 : memref<1x128xi32, #tpu.memory_space<vmem>> -> memref<128xi32, #tpu.memory_space<vmem>>
          %dma_wait3A_351 = arith.constant 0 : i32
          %dma_wait3A_352 = arith.constant 0 : i32
          %dma_wait3A_353 = tpu.memref_slice %arg11[%dma_wait3A_351, %dma_wait3A_352] : memref<10112x128xf32, #tpu.memory_space<vmem_shared>> -> memref<10112x128xf32, #tpu.memory_space<vmem_shared>>
          tpu.wait_indirect_dma semaphore(%run_scoped3A_333 : memref<!tpu.dma_semaphore, #tpu.memory_space<semaphore_mem>>) src(%arg10 : memref<128x128xf32, #tpu.memory_space<vmem>>) dst(%dma_wait3A_353 : memref<10112x128xf32, #tpu.memory_space<vmem_shared>>)
          tpu.yield
        }) : () -> ()
        %add3A_316 = arith.constant 2 : i32
        %add3A_317 = arith.addi %add3A_299, %add3A_316 : i32
        %dma_start3A_318 = arith.constant 0 : i32
        %dma_start3A_319 = arith.constant 0 : i32
        %dma_start3A_320 = arith.constant 0 : i32
        %dma_start3A_321 = tpu.memref_slice %arg7[%dma_start3A_318, %dma_start3A_319, %dma_start3A_320] : memref<2x8x128xi32, #tpu.memory_space<vmem>> -> memref<1x8x128xi32, #tpu.memory_space<vmem>>
        %dma_start3A_322 = tpu.memref_squeeze %dma_start3A_321 : memref<1x8x128xi32, #tpu.memory_space<vmem>> -> memref<8x128xi32, #tpu.memory_space<vmem>>
        %dma_start3A_323 = arith.constant 0 : i32
        %dma_start3A_324 = tpu.memref_slice %dma_start3A_322[%add3A_317, %dma_start3A_323] : memref<8x128xi32, #tpu.memory_space<vmem>> -> memref<1x128xi32, #tpu.memory_space<vmem>>
        %dma_start3A_325 = tpu.memref_squeeze %dma_start3A_324 : memref<1x128xi32, #tpu.memory_space<vmem>> -> memref<128xi32, #tpu.memory_space<vmem>>
        %dma_start3A_326 = arith.constant 0 : i32
        %dma_start3A_327 = arith.constant 0 : i32
        %dma_start3A_328 = tpu.memref_slice %arg2[%arg0, %dma_start3A_326, %dma_start3A_327] : memref<2x10000x128xf32, #tpu.memory_space<hbm>> -> memref<1x10000x128xf32, #tpu.memory_space<hbm>>
        %dma_start3A_329 = tpu.memref_squeeze %dma_start3A_328 : memref<1x10000x128xf32, #tpu.memory_space<hbm>> -> memref<10000x128xf32, #tpu.memory_space<hbm>>
        %dma_start3A_330 = arith.constant 0 : i32
        %dma_start3A_331 = arith.constant 0 : i32
        %dma_start3A_332 = tpu.memref_slice %dma_start3A_329[%dma_start3A_330, %dma_start3A_331] : memref<10000x128xf32, #tpu.memory_space<hbm>> -> memref<10000x128xf32, #tpu.memory_space<hbm>>
        tpu.enqueue_indirect_dma source(%dma_start3A_332 : memref<10000x128xf32, #tpu.memory_space<hbm>>) target(%arg10 : memref<128x128xf32, #tpu.memory_space<vmem>>) offsets(%dma_start3A_325 : memref<128xi32, #tpu.memory_space<vmem>>) semaphore(%arg13 : memref<!tpu.dma_semaphore, #tpu.memory_space<semaphore_mem>>)
      }
      %scan3A_138 = arith.constant 3 : i32
      %lt3A = arith.constant 19 : i32
      %lt3A_139 = arith.cmpi slt, %add3A_133, %lt3A : i32
      %convert_element_type3A = arith.extui %lt3A_139 : i1 to i32
      %cond3A = arith.constant 0 : i32
      %cond3A_140 = arith.cmpi ne, %convert_element_type3A, %cond3A : i32
      scf.if %cond3A_140 {
        %add3A_258 = arith.constant 1 : i32
        %add3A_259 = arith.addi %add3A_133, %add3A_258 : i32
        %mul3A_260 = arith.constant 8 : i32
        %mul3A_261 = arith.muli %add3A_259, %mul3A_260 : i32
        %add3A_262 = arith.addi %mul3A_0, %mul3A_261 : i32
        %dma_wait3A_263 = arith.constant 1 : i32
        %dma_wait3A_264 = arith.constant 0 : i32
        %dma_wait3A_265 = arith.constant 0 : i32
        %dma_wait3A_266 = tpu.memref_slice %arg7[%dma_wait3A_263, %dma_wait3A_264, %dma_wait3A_265] : memref<2x8x128xi32, #tpu.memory_space<vmem>> -> memref<1x8x128xi32, #tpu.memory_space<vmem>>
        %dma_wait3A_267 = tpu.memref_squeeze %dma_wait3A_266 : memref<1x8x128xi32, #tpu.memory_space<vmem>> -> memref<8x128xi32, #tpu.memory_space<vmem>>
        %dma_wait3A_268 = arith.constant 0 : i32
        %dma_wait3A_269 = tpu.memref_slice %arg3[%add3A_262, %dma_wait3A_268] : memref<2560x128xi32, #tpu.memory_space<hbm>> -> memref<8x128xi32, #tpu.memory_space<hbm>>
        %dma_wait3A_270 = arith.constant 0 : i32
        %dma_wait3A_271 = arith.constant 0 : i32
        %dma_wait3A_272 = tpu.memref_slice %arg7[%dma_wait3A_263, %dma_wait3A_270, %dma_wait3A_271] : memref<2x8x128xi32, #tpu.memory_space<vmem>> -> memref<1x8x128xi32, #tpu.memory_space<vmem>>
        %dma_wait3A_273 = tpu.memref_squeeze %dma_wait3A_272 : memref<1x8x128xi32, #tpu.memory_space<vmem>> -> memref<8x128xi32, #tpu.memory_space<vmem>>
        %dma_wait3A_274 = arith.constant 0 : i32
        %dma_wait3A_275 = tpu.memref_slice %arg3[%add3A_262, %dma_wait3A_274] : memref<2560x128xi32, #tpu.memory_space<hbm>> -> memref<8x128xi32, #tpu.memory_space<hbm>>
        tpu.wait_dma2 semaphore(%arg15 : memref<!tpu.dma_semaphore, #tpu.memory_space<semaphore_mem>>) src(%dma_wait3A_275 : memref<8x128xi32, #tpu.memory_space<hbm>>) dst(%dma_wait3A_273 : memref<8x128xi32, #tpu.memory_space<vmem>>)
        %dma_wait3A_276 = arith.constant 1 : i32
        %dma_wait3A_277 = arith.constant 0 : i32
        %dma_wait3A_278 = arith.constant 0 : i32
        %dma_wait3A_279 = tpu.memref_slice %arg8[%dma_wait3A_276, %dma_wait3A_277, %dma_wait3A_278] : memref<2x8x128xi32, #tpu.memory_space<vmem>> -> memref<1x8x128xi32, #tpu.memory_space<vmem>>
        %dma_wait3A_280 = tpu.memref_squeeze %dma_wait3A_279 : memref<1x8x128xi32, #tpu.memory_space<vmem>> -> memref<8x128xi32, #tpu.memory_space<vmem>>
        %dma_wait3A_281 = arith.constant 0 : i32
        %dma_wait3A_282 = tpu.memref_slice %arg4[%add3A_262, %dma_wait3A_281] : memref<2560x128xi32, #tpu.memory_space<hbm>> -> memref<8x128xi32, #tpu.memory_space<hbm>>
        %dma_wait3A_283 = arith.constant 0 : i32
        %dma_wait3A_284 = arith.constant 0 : i32
        %dma_wait3A_285 = tpu.memref_slice %arg8[%dma_wait3A_276, %dma_wait3A_283, %dma_wait3A_284] : memref<2x8x128xi32, #tpu.memory_space<vmem>> -> memref<1x8x128xi32, #tpu.memory_space<vmem>>
        %dma_wait3A_286 = tpu.memref_squeeze %dma_wait3A_285 : memref<1x8x128xi32, #tpu.memory_space<vmem>> -> memref<8x128xi32, #tpu.memory_space<vmem>>
        %dma_wait3A_287 = arith.constant 0 : i32
        %dma_wait3A_288 = tpu.memref_slice %arg4[%add3A_262, %dma_wait3A_287] : memref<2560x128xi32, #tpu.memory_space<hbm>> -> memref<8x128xi32, #tpu.memory_space<hbm>>
        tpu.wait_dma2 semaphore(%arg15 : memref<!tpu.dma_semaphore, #tpu.memory_space<semaphore_mem>>) src(%dma_wait3A_288 : memref<8x128xi32, #tpu.memory_space<hbm>>) dst(%dma_wait3A_286 : memref<8x128xi32, #tpu.memory_space<vmem>>)
      } else {
      }
      %dma_wait3A_141 = arith.constant 0 : i32
      %dma_wait3A_142 = arith.constant 6 : i32
      %dma_wait3A_143 = arith.constant 0 : i32
      %dma_wait3A_144 = arith.constant 0 : i32
      %dma_wait3A_145 = tpu.memref_slice %arg7[%dma_wait3A_141, %dma_wait3A_143, %dma_wait3A_144] : memref<2x8x128xi32, #tpu.memory_space<vmem>> -> memref<1x8x128xi32, #tpu.memory_space<vmem>>
      %dma_wait3A_146 = tpu.memref_squeeze %dma_wait3A_145 : memref<1x8x128xi32, #tpu.memory_space<vmem>> -> memref<8x128xi32, #tpu.memory_space<vmem>>
      %dma_wait3A_147 = arith.constant 0 : i32
      %dma_wait3A_148 = tpu.memref_slice %dma_wait3A_146[%dma_wait3A_142, %dma_wait3A_147] : memref<8x128xi32, #tpu.memory_space<vmem>> -> memref<1x128xi32, #tpu.memory_space<vmem>>
      %dma_wait3A_149 = tpu.memref_squeeze %dma_wait3A_148 : memref<1x128xi32, #tpu.memory_space<vmem>> -> memref<128xi32, #tpu.memory_space<vmem>>
      %dma_wait3A_150 = arith.constant 0 : i32
      %dma_wait3A_151 = arith.constant 0 : i32
      %dma_wait3A_152 = tpu.memref_slice %arg2[%arg0, %dma_wait3A_150, %dma_wait3A_151] : memref<2x10000x128xf32, #tpu.memory_space<hbm>> -> memref<1x10000x128xf32, #tpu.memory_space<hbm>>
      %dma_wait3A_153 = tpu.memref_squeeze %dma_wait3A_152 : memref<1x10000x128xf32, #tpu.memory_space<hbm>> -> memref<10000x128xf32, #tpu.memory_space<hbm>>
      %dma_wait3A_154 = arith.constant 0 : i32
      %dma_wait3A_155 = arith.constant 0 : i32
      %dma_wait3A_156 = tpu.memref_slice %dma_wait3A_153[%dma_wait3A_154, %dma_wait3A_155] : memref<10000x128xf32, #tpu.memory_space<hbm>> -> memref<10000x128xf32, #tpu.memory_space<hbm>>
      tpu.wait_indirect_dma semaphore(%arg12 : memref<!tpu.dma_semaphore, #tpu.memory_space<semaphore_mem>>) src(%dma_wait3A_156 : memref<10000x128xf32, #tpu.memory_space<hbm>>) dst(%arg9 : memref<128x128xf32, #tpu.memory_space<vmem>>)
      %run_scoped3A = arith.constant 0 : i32
      %run_scoped3A_157 = arith.constant 6 : i32
      "tpu.region"() ({
        %run_scoped3A_258 = tpu.sem_alloc : memref<!tpu.dma_semaphore, #tpu.memory_space<semaphore_mem>>
        %dma_start3A_259 = arith.constant 0 : i32
        %dma_start3A_260 = arith.constant 0 : i32
        %dma_start3A_261 = tpu.memref_slice %arg8[%run_scoped3A, %dma_start3A_259, %dma_start3A_260] : memref<2x8x128xi32, #tpu.memory_space<vmem>> -> memref<1x8x128xi32, #tpu.memory_space<vmem>>
        %dma_start3A_262 = tpu.memref_squeeze %dma_start3A_261 : memref<1x8x128xi32, #tpu.memory_space<vmem>> -> memref<8x128xi32, #tpu.memory_space<vmem>>
        %dma_start3A_263 = arith.constant 0 : i32
        %dma_start3A_264 = tpu.memref_slice %dma_start3A_262[%run_scoped3A_157, %dma_start3A_263] : memref<8x128xi32, #tpu.memory_space<vmem>> -> memref<1x128xi32, #tpu.memory_space<vmem>>
        %dma_start3A_265 = tpu.memref_squeeze %dma_start3A_264 : memref<1x128xi32, #tpu.memory_space<vmem>> -> memref<128xi32, #tpu.memory_space<vmem>>
        %dma_start3A_266 = arith.constant 0 : i32
        %dma_start3A_267 = arith.constant 0 : i32
        %dma_start3A_268 = tpu.memref_slice %arg11[%dma_start3A_266, %dma_start3A_267] : memref<10112x128xf32, #tpu.memory_space<vmem_shared>> -> memref<10112x128xf32, #tpu.memory_space<vmem_shared>>
        tpu.enqueue_indirect_dma source(%arg9 : memref<128x128xf32, #tpu.memory_space<vmem>>) target(%dma_start3A_268 : memref<10112x128xf32, #tpu.memory_space<vmem_shared>>) offsets(%dma_start3A_265 : memref<128xi32, #tpu.memory_space<vmem>>) semaphore(%run_scoped3A_258 : memref<!tpu.dma_semaphore, #tpu.memory_space<semaphore_mem>>) {add = true}
        %dma_wait3A_269 = arith.constant 0 : i32
        %dma_wait3A_270 = arith.constant 0 : i32
        %dma_wait3A_271 = tpu.memref_slice %arg8[%run_scoped3A, %dma_wait3A_269, %dma_wait3A_270] : memref<2x8x128xi32, #tpu.memory_space<vmem>> -> memref<1x8x128xi32, #tpu.memory_space<vmem>>
        %dma_wait3A_272 = tpu.memref_squeeze %dma_wait3A_271 : memref<1x8x128xi32, #tpu.memory_space<vmem>> -> memref<8x128xi32, #tpu.memory_space<vmem>>
        %dma_wait3A_273 = arith.constant 0 : i32
        %dma_wait3A_274 = tpu.memref_slice %dma_wait3A_272[%run_scoped3A_157, %dma_wait3A_273] : memref<8x128xi32, #tpu.memory_space<vmem>> -> memref<1x128xi32, #tpu.memory_space<vmem>>
        %dma_wait3A_275 = tpu.memref_squeeze %dma_wait3A_274 : memref<1x128xi32, #tpu.memory_space<vmem>> -> memref<128xi32, #tpu.memory_space<vmem>>
        %dma_wait3A_276 = arith.constant 0 : i32
        %dma_wait3A_277 = arith.constant 0 : i32
        %dma_wait3A_278 = tpu.memref_slice %arg11[%dma_wait3A_276, %dma_wait3A_277] : memref<10112x128xf32, #tpu.memory_space<vmem_shared>> -> memref<10112x128xf32, #tpu.memory_space<vmem_shared>>
        tpu.wait_indirect_dma semaphore(%run_scoped3A_258 : memref<!tpu.dma_semaphore, #tpu.memory_space<semaphore_mem>>) src(%arg9 : memref<128x128xf32, #tpu.memory_space<vmem>>) dst(%dma_wait3A_278 : memref<10112x128xf32, #tpu.memory_space<vmem_shared>>)
        tpu.yield
      }) : () -> ()
      %lt3A_158 = arith.constant 19 : i32
      %lt3A_159 = arith.cmpi slt, %add3A_133, %lt3A_158 : i32
      %convert_element_type3A_160 = arith.extui %lt3A_159 : i1 to i32
      %cond3A_161 = arith.constant 0 : i32
      %cond3A_162 = arith.cmpi ne, %convert_element_type3A_160, %cond3A_161 : i32
      scf.if %cond3A_162 {
        %dma_start3A_258 = arith.constant 1 : i32
        %dma_start3A_259 = arith.constant 0 : i32
        %dma_start3A_260 = arith.constant 0 : i32
        %dma_start3A_261 = arith.constant 0 : i32
        %dma_start3A_262 = tpu.memref_slice %arg7[%dma_start3A_258, %dma_start3A_260, %dma_start3A_261] : memref<2x8x128xi32, #tpu.memory_space<vmem>> -> memref<1x8x128xi32, #tpu.memory_space<vmem>>
        %dma_start3A_263 = tpu.memref_squeeze %dma_start3A_262 : memref<1x8x128xi32, #tpu.memory_space<vmem>> -> memref<8x128xi32, #tpu.memory_space<vmem>>
        %dma_start3A_264 = arith.constant 0 : i32
        %dma_start3A_265 = tpu.memref_slice %dma_start3A_263[%dma_start3A_259, %dma_start3A_264] : memref<8x128xi32, #tpu.memory_space<vmem>> -> memref<1x128xi32, #tpu.memory_space<vmem>>
        %dma_start3A_266 = tpu.memref_squeeze %dma_start3A_265 : memref<1x128xi32, #tpu.memory_space<vmem>> -> memref<128xi32, #tpu.memory_space<vmem>>
        %dma_start3A_267 = arith.constant 0 : i32
        %dma_start3A_268 = arith.constant 0 : i32
        %dma_start3A_269 = tpu.memref_slice %arg2[%arg0, %dma_start3A_267, %dma_start3A_268] : memref<2x10000x128xf32, #tpu.memory_space<hbm>> -> memref<1x10000x128xf32, #tpu.memory_space<hbm>>
        %dma_start3A_270 = tpu.memref_squeeze %dma_start3A_269 : memref<1x10000x128xf32, #tpu.memory_space<hbm>> -> memref<10000x128xf32, #tpu.memory_space<hbm>>
        %dma_start3A_271 = arith.constant 0 : i32
        %dma_start3A_272 = arith.constant 0 : i32
        %dma_start3A_273 = tpu.memref_slice %dma_start3A_270[%dma_start3A_271, %dma_start3A_272] : memref<10000x128xf32, #tpu.memory_space<hbm>> -> memref<10000x128xf32, #tpu.memory_space<hbm>>
        tpu.enqueue_indirect_dma source(%dma_start3A_273 : memref<10000x128xf32, #tpu.memory_space<hbm>>) target(%arg9 : memref<128x128xf32, #tpu.memory_space<vmem>>) offsets(%dma_start3A_266 : memref<128xi32, #tpu.memory_space<vmem>>) semaphore(%arg12 : memref<!tpu.dma_semaphore, #tpu.memory_space<semaphore_mem>>)
      } else {
      }
      %dma_wait3A_163 = arith.constant 0 : i32
      %dma_wait3A_164 = arith.constant 7 : i32
      %dma_wait3A_165 = arith.constant 0 : i32
      %dma_wait3A_166 = arith.constant 0 : i32
      %dma_wait3A_167 = tpu.memref_slice %arg7[%dma_wait3A_163, %dma_wait3A_165, %dma_wait3A_166] : memref<2x8x128xi32, #tpu.memory_space<vmem>> -> memref<1x8x128xi32, #tpu.memory_space<vmem>>
      %dma_wait3A_168 = tpu.memref_squeeze %dma_wait3A_167 : memref<1x8x128xi32, #tpu.memory_space<vmem>> -> memref<8x128xi32, #tpu.memory_space<vmem>>
      %dma_wait3A_169 = arith.constant 0 : i32
      %dma_wait3A_170 = tpu.memref_slice %dma_wait3A_168[%dma_wait3A_164, %dma_wait3A_169] : memref<8x128xi32, #tpu.memory_space<vmem>> -> memref<1x128xi32, #tpu.memory_space<vmem>>
      %dma_wait3A_171 = tpu.memref_squeeze %dma_wait3A_170 : memref<1x128xi32, #tpu.memory_space<vmem>> -> memref<128xi32, #tpu.memory_space<vmem>>
      %dma_wait3A_172 = arith.constant 0 : i32
      %dma_wait3A_173 = arith.constant 0 : i32
      %dma_wait3A_174 = tpu.memref_slice %arg2[%arg0, %dma_wait3A_172, %dma_wait3A_173] : memref<2x10000x128xf32, #tpu.memory_space<hbm>> -> memref<1x10000x128xf32, #tpu.memory_space<hbm>>
      %dma_wait3A_175 = tpu.memref_squeeze %dma_wait3A_174 : memref<1x10000x128xf32, #tpu.memory_space<hbm>> -> memref<10000x128xf32, #tpu.memory_space<hbm>>
      %dma_wait3A_176 = arith.constant 0 : i32
      %dma_wait3A_177 = arith.constant 0 : i32
      %dma_wait3A_178 = tpu.memref_slice %dma_wait3A_175[%dma_wait3A_176, %dma_wait3A_177] : memref<10000x128xf32, #tpu.memory_space<hbm>> -> memref<10000x128xf32, #tpu.memory_space<hbm>>
      tpu.wait_indirect_dma semaphore(%arg13 : memref<!tpu.dma_semaphore, #tpu.memory_space<semaphore_mem>>) src(%dma_wait3A_178 : memref<10000x128xf32, #tpu.memory_space<hbm>>) dst(%arg10 : memref<128x128xf32, #tpu.memory_space<vmem>>)
      %run_scoped3A_179 = arith.constant 0 : i32
      %run_scoped3A_180 = arith.constant 7 : i32
      "tpu.region"() ({
        %run_scoped3A_258 = tpu.sem_alloc : memref<!tpu.dma_semaphore, #tpu.memory_space<semaphore_mem>>
        %dma_start3A_259 = arith.constant 0 : i32
        %dma_start3A_260 = arith.constant 0 : i32
        %dma_start3A_261 = tpu.memref_slice %arg8[%run_scoped3A_179, %dma_start3A_259, %dma_start3A_260] : memref<2x8x128xi32, #tpu.memory_space<vmem>> -> memref<1x8x128xi32, #tpu.memory_space<vmem>>
        %dma_start3A_262 = tpu.memref_squeeze %dma_start3A_261 : memref<1x8x128xi32, #tpu.memory_space<vmem>> -> memref<8x128xi32, #tpu.memory_space<vmem>>
        %dma_start3A_263 = arith.constant 0 : i32
        %dma_start3A_264 = tpu.memref_slice %dma_start3A_262[%run_scoped3A_180, %dma_start3A_263] : memref<8x128xi32, #tpu.memory_space<vmem>> -> memref<1x128xi32, #tpu.memory_space<vmem>>
        %dma_start3A_265 = tpu.memref_squeeze %dma_start3A_264 : memref<1x128xi32, #tpu.memory_space<vmem>> -> memref<128xi32, #tpu.memory_space<vmem>>
        %dma_start3A_266 = arith.constant 0 : i32
        %dma_start3A_267 = arith.constant 0 : i32
        %dma_start3A_268 = tpu.memref_slice %arg11[%dma_start3A_266, %dma_start3A_267] : memref<10112x128xf32, #tpu.memory_space<vmem_shared>> -> memref<10112x128xf32, #tpu.memory_space<vmem_shared>>
        tpu.enqueue_indirect_dma source(%arg10 : memref<128x128xf32, #tpu.memory_space<vmem>>) target(%dma_start3A_268 : memref<10112x128xf32, #tpu.memory_space<vmem_shared>>) offsets(%dma_start3A_265 : memref<128xi32, #tpu.memory_space<vmem>>) semaphore(%run_scoped3A_258 : memref<!tpu.dma_semaphore, #tpu.memory_space<semaphore_mem>>) {add = true}
        %dma_wait3A_269 = arith.constant 0 : i32
        %dma_wait3A_270 = arith.constant 0 : i32
        %dma_wait3A_271 = tpu.memref_slice %arg8[%run_scoped3A_179, %dma_wait3A_269, %dma_wait3A_270] : memref<2x8x128xi32, #tpu.memory_space<vmem>> -> memref<1x8x128xi32, #tpu.memory_space<vmem>>
        %dma_wait3A_272 = tpu.memref_squeeze %dma_wait3A_271 : memref<1x8x128xi32, #tpu.memory_space<vmem>> -> memref<8x128xi32, #tpu.memory_space<vmem>>
        %dma_wait3A_273 = arith.constant 0 : i32
        %dma_wait3A_274 = tpu.memref_slice %dma_wait3A_272[%run_scoped3A_180, %dma_wait3A_273] : memref<8x128xi32, #tpu.memory_space<vmem>> -> memref<1x128xi32, #tpu.memory_space<vmem>>
        %dma_wait3A_275 = tpu.memref_squeeze %dma_wait3A_274 : memref<1x128xi32, #tpu.memory_space<vmem>> -> memref<128xi32, #tpu.memory_space<vmem>>
        %dma_wait3A_276 = arith.constant 0 : i32
        %dma_wait3A_277 = arith.constant 0 : i32
        %dma_wait3A_278 = tpu.memref_slice %arg11[%dma_wait3A_276, %dma_wait3A_277] : memref<10112x128xf32, #tpu.memory_space<vmem_shared>> -> memref<10112x128xf32, #tpu.memory_space<vmem_shared>>
        tpu.wait_indirect_dma semaphore(%run_scoped3A_258 : memref<!tpu.dma_semaphore, #tpu.memory_space<semaphore_mem>>) src(%arg10 : memref<128x128xf32, #tpu.memory_space<vmem>>) dst(%dma_wait3A_278 : memref<10112x128xf32, #tpu.memory_space<vmem_shared>>)
        tpu.yield
      }) : () -> ()
      %lt3A_181 = arith.constant 19 : i32
      %lt3A_182 = arith.cmpi slt, %add3A_133, %lt3A_181 : i32
      %convert_element_type3A_183 = arith.extui %lt3A_182 : i1 to i32
      %cond3A_184 = arith.constant 0 : i32
      %cond3A_185 = arith.cmpi ne, %convert_element_type3A_183, %cond3A_184 : i32
      scf.if %cond3A_185 {
        %dma_start3A_258 = arith.constant 1 : i32
        %dma_start3A_259 = arith.constant 1 : i32
        %dma_start3A_260 = arith.constant 0 : i32
        %dma_start3A_261 = arith.constant 0 : i32
        %dma_start3A_262 = tpu.memref_slice %arg7[%dma_start3A_258, %dma_start3A_260, %dma_start3A_261] : memref<2x8x128xi32, #tpu.memory_space<vmem>> -> memref<1x8x128xi32, #tpu.memory_space<vmem>>
        %dma_start3A_263 = tpu.memref_squeeze %dma_start3A_262 : memref<1x8x128xi32, #tpu.memory_space<vmem>> -> memref<8x128xi32, #tpu.memory_space<vmem>>
        %dma_start3A_264 = arith.constant 0 : i32
        %dma_start3A_265 = tpu.memref_slice %dma_start3A_263[%dma_start3A_259, %dma_start3A_264] : memref<8x128xi32, #tpu.memory_space<vmem>> -> memref<1x128xi32, #tpu.memory_space<vmem>>
        %dma_start3A_266 = tpu.memref_squeeze %dma_start3A_265 : memref<1x128xi32, #tpu.memory_space<vmem>> -> memref<128xi32, #tpu.memory_space<vmem>>
        %dma_start3A_267 = arith.constant 0 : i32
        %dma_start3A_268 = arith.constant 0 : i32
        %dma_start3A_269 = tpu.memref_slice %arg2[%arg0, %dma_start3A_267, %dma_start3A_268] : memref<2x10000x128xf32, #tpu.memory_space<hbm>> -> memref<1x10000x128xf32, #tpu.memory_space<hbm>>
        %dma_start3A_270 = tpu.memref_squeeze %dma_start3A_269 : memref<1x10000x128xf32, #tpu.memory_space<hbm>> -> memref<10000x128xf32, #tpu.memory_space<hbm>>
        %dma_start3A_271 = arith.constant 0 : i32
        %dma_start3A_272 = arith.constant 0 : i32
        %dma_start3A_273 = tpu.memref_slice %dma_start3A_270[%dma_start3A_271, %dma_start3A_272] : memref<10000x128xf32, #tpu.memory_space<hbm>> -> memref<10000x128xf32, #tpu.memory_space<hbm>>
        tpu.enqueue_indirect_dma source(%dma_start3A_273 : memref<10000x128xf32, #tpu.memory_space<hbm>>) target(%arg10 : memref<128x128xf32, #tpu.memory_space<vmem>>) offsets(%dma_start3A_266 : memref<128xi32, #tpu.memory_space<vmem>>) semaphore(%arg13 : memref<!tpu.dma_semaphore, #tpu.memory_space<semaphore_mem>>)
      } else {
      }
      %add3A_186 = arith.constant 2 : i32
      %add3A_187 = arith.addi %add3A_133, %add3A_186 : i32
      %lt3A_188 = arith.constant 20 : i32
      %lt3A_189 = arith.cmpi slt, %add3A_187, %lt3A_188 : i32
      %convert_element_type3A_190 = arith.extui %lt3A_189 : i1 to i32
      %cond3A_191 = arith.constant 0 : i32
      %cond3A_192 = arith.cmpi ne, %convert_element_type3A_190, %cond3A_191 : i32
      scf.if %cond3A_192 {
        %add3A_258 = arith.constant 2 : i32
        %add3A_259 = arith.addi %add3A_133, %add3A_258 : i32
        %mul3A_260 = arith.constant 8 : i32
        %mul3A_261 = arith.muli %add3A_259, %mul3A_260 : i32
        %add3A_262 = arith.addi %mul3A_0, %mul3A_261 : i32
        %dma_start3A_263 = arith.constant 0 : i32
        %dma_start3A_264 = arith.constant 0 : i32
        %dma_start3A_265 = arith.constant 0 : i32
        %dma_start3A_266 = tpu.memref_slice %arg7[%dma_start3A_263, %dma_start3A_264, %dma_start3A_265] : memref<2x8x128xi32, #tpu.memory_space<vmem>> -> memref<1x8x128xi32, #tpu.memory_space<vmem>>
        %dma_start3A_267 = tpu.memref_squeeze %dma_start3A_266 : memref<1x8x128xi32, #tpu.memory_space<vmem>> -> memref<8x128xi32, #tpu.memory_space<vmem>>
        %dma_start3A_268 = arith.constant 0 : i32
        %dma_start3A_269 = tpu.memref_slice %arg3[%add3A_262, %dma_start3A_268] : memref<2560x128xi32, #tpu.memory_space<hbm>> -> memref<8x128xi32, #tpu.memory_space<hbm>>
        %dma_start3A_270 = arith.constant 0 : i32
        %dma_start3A_271 = arith.constant 0 : i32
        %dma_start3A_272 = tpu.memref_slice %arg7[%dma_start3A_263, %dma_start3A_270, %dma_start3A_271] : memref<2x8x128xi32, #tpu.memory_space<vmem>> -> memref<1x8x128xi32, #tpu.memory_space<vmem>>
        %dma_start3A_273 = tpu.memref_squeeze %dma_start3A_272 : memref<1x8x128xi32, #tpu.memory_space<vmem>> -> memref<8x128xi32, #tpu.memory_space<vmem>>
        %dma_start3A_274 = arith.constant 0 : i32
        %dma_start3A_275 = tpu.memref_slice %arg3[%add3A_262, %dma_start3A_274] : memref<2560x128xi32, #tpu.memory_space<hbm>> -> memref<8x128xi32, #tpu.memory_space<hbm>>
        tpu.enqueue_dma source(%dma_start3A_275 : memref<8x128xi32, #tpu.memory_space<hbm>>) target(%dma_start3A_273 : memref<8x128xi32, #tpu.memory_space<vmem>>) target_semaphore(%arg14 : memref<!tpu.dma_semaphore, #tpu.memory_space<semaphore_mem>>)
        %dma_start3A_276 = arith.constant 0 : i32
        %dma_start3A_277 = arith.constant 0 : i32
        %dma_start3A_278 = arith.constant 0 : i32
        %dma_start3A_279 = tpu.memref_slice %arg8[%dma_start3A_276, %dma_start3A_277, %dma_start3A_278] : memref<2x8x128xi32, #tpu.memory_space<vmem>> -> memref<1x8x128xi32, #tpu.memory_space<vmem>>
        %dma_start3A_280 = tpu.memref_squeeze %dma_start3A_279 : memref<1x8x128xi32, #tpu.memory_space<vmem>> -> memref<8x128xi32, #tpu.memory_space<vmem>>
        %dma_start3A_281 = arith.constant 0 : i32
        %dma_start3A_282 = tpu.memref_slice %arg4[%add3A_262, %dma_start3A_281] : memref<2560x128xi32, #tpu.memory_space<hbm>> -> memref<8x128xi32, #tpu.memory_space<hbm>>
        %dma_start3A_283 = arith.constant 0 : i32
        %dma_start3A_284 = arith.constant 0 : i32
        %dma_start3A_285 = tpu.memref_slice %arg8[%dma_start3A_276, %dma_start3A_283, %dma_start3A_284] : memref<2x8x128xi32, #tpu.memory_space<vmem>> -> memref<1x8x128xi32, #tpu.memory_space<vmem>>
        %dma_start3A_286 = tpu.memref_squeeze %dma_start3A_285 : memref<1x8x128xi32, #tpu.memory_space<vmem>> -> memref<8x128xi32, #tpu.memory_space<vmem>>
        %dma_start3A_287 = arith.constant 0 : i32
        %dma_start3A_288 = tpu.memref_slice %arg4[%add3A_262, %dma_start3A_287] : memref<2560x128xi32, #tpu.memory_space<hbm>> -> memref<8x128xi32, #tpu.memory_space<hbm>>
        tpu.enqueue_dma source(%dma_start3A_288 : memref<8x128xi32, #tpu.memory_space<hbm>>) target(%dma_start3A_286 : memref<8x128xi32, #tpu.memory_space<vmem>>) target_semaphore(%arg14 : memref<!tpu.dma_semaphore, #tpu.memory_space<semaphore_mem>>)
      } else {
      }
      %add3A_193 = arith.constant 1 : i32
      %add3A_194 = arith.addi %add3A_131, %add3A_193 : i32
      %scan3A_195 = arith.constant 0 : i32
      %scan3A_196 = arith.constant 3 : i32
      %scan3A_197 = arith.addi %scan3A_195, %scan3A_196 : i32
      %scan3A_198 = arith.constant 1 : i32
      scf.for %scan3A_258 = %scan3A_195 to %scan3A_197 step %scan3A_198  : i32 {
        %mul3A_259 = arith.constant 2 : i32
        %mul3A_260 = arith.muli %scan3A_258, %mul3A_259 : i32
        %add3A_261 = arith.constant 0 : i32
        %add3A_262 = arith.addi %add3A_261, %mul3A_260 : i32
        %add3A_263 = arith.constant 0 : i32
        %add3A_264 = arith.addi %add3A_262, %add3A_263 : i32
        %dma_wait3A_265 = arith.constant 1 : i32
        %dma_wait3A_266 = arith.constant 0 : i32
        %dma_wait3A_267 = arith.constant 0 : i32
        %dma_wait3A_268 = tpu.memref_slice %arg7[%dma_wait3A_265, %dma_wait3A_266, %dma_wait3A_267] : memref<2x8x128xi32, #tpu.memory_space<vmem>> -> memref<1x8x128xi32, #tpu.memory_space<vmem>>
        %dma_wait3A_269 = tpu.memref_squeeze %dma_wait3A_268 : memref<1x8x128xi32, #tpu.memory_space<vmem>> -> memref<8x128xi32, #tpu.memory_space<vmem>>
        %dma_wait3A_270 = arith.constant 0 : i32
        %dma_wait3A_271 = tpu.memref_slice %dma_wait3A_269[%add3A_264, %dma_wait3A_270] : memref<8x128xi32, #tpu.memory_space<vmem>> -> memref<1x128xi32, #tpu.memory_space<vmem>>
        %dma_wait3A_272 = tpu.memref_squeeze %dma_wait3A_271 : memref<1x128xi32, #tpu.memory_space<vmem>> -> memref<128xi32, #tpu.memory_space<vmem>>
        %dma_wait3A_273 = arith.constant 0 : i32
        %dma_wait3A_274 = arith.constant 0 : i32
        %dma_wait3A_275 = tpu.memref_slice %arg2[%arg0, %dma_wait3A_273, %dma_wait3A_274] : memref<2x10000x128xf32, #tpu.memory_space<hbm>> -> memref<1x10000x128xf32, #tpu.memory_space<hbm>>
        %dma_wait3A_276 = tpu.memref_squeeze %dma_wait3A_275 : memref<1x10000x128xf32, #tpu.memory_space<hbm>> -> memref<10000x128xf32, #tpu.memory_space<hbm>>
        %dma_wait3A_277 = arith.constant 0 : i32
        %dma_wait3A_278 = arith.constant 0 : i32
        %dma_wait3A_279 = tpu.memref_slice %dma_wait3A_276[%dma_wait3A_277, %dma_wait3A_278] : memref<10000x128xf32, #tpu.memory_space<hbm>> -> memref<10000x128xf32, #tpu.memory_space<hbm>>
        tpu.wait_indirect_dma semaphore(%arg12 : memref<!tpu.dma_semaphore, #tpu.memory_space<semaphore_mem>>) src(%dma_wait3A_279 : memref<10000x128xf32, #tpu.memory_space<hbm>>) dst(%arg9 : memref<128x128xf32, #tpu.memory_space<vmem>>)
        %run_scoped3A_280 = arith.constant 1 : i32
        "tpu.region"() ({
          %run_scoped3A_333 = tpu.sem_alloc : memref<!tpu.dma_semaphore, #tpu.memory_space<semaphore_mem>>
          %dma_start3A_334 = arith.constant 0 : i32
          %dma_start3A_335 = arith.constant 0 : i32
          %dma_start3A_336 = tpu.memref_slice %arg8[%run_scoped3A_280, %dma_start3A_334, %dma_start3A_335] : memref<2x8x128xi32, #tpu.memory_space<vmem>> -> memref<1x8x128xi32, #tpu.memory_space<vmem>>
          %dma_start3A_337 = tpu.memref_squeeze %dma_start3A_336 : memref<1x8x128xi32, #tpu.memory_space<vmem>> -> memref<8x128xi32, #tpu.memory_space<vmem>>
          %dma_start3A_338 = arith.constant 0 : i32
          %dma_start3A_339 = tpu.memref_slice %dma_start3A_337[%add3A_264, %dma_start3A_338] : memref<8x128xi32, #tpu.memory_space<vmem>> -> memref<1x128xi32, #tpu.memory_space<vmem>>
          %dma_start3A_340 = tpu.memref_squeeze %dma_start3A_339 : memref<1x128xi32, #tpu.memory_space<vmem>> -> memref<128xi32, #tpu.memory_space<vmem>>
          %dma_start3A_341 = arith.constant 0 : i32
          %dma_start3A_342 = arith.constant 0 : i32
          %dma_start3A_343 = tpu.memref_slice %arg11[%dma_start3A_341, %dma_start3A_342] : memref<10112x128xf32, #tpu.memory_space<vmem_shared>> -> memref<10112x128xf32, #tpu.memory_space<vmem_shared>>
          tpu.enqueue_indirect_dma source(%arg9 : memref<128x128xf32, #tpu.memory_space<vmem>>) target(%dma_start3A_343 : memref<10112x128xf32, #tpu.memory_space<vmem_shared>>) offsets(%dma_start3A_340 : memref<128xi32, #tpu.memory_space<vmem>>) semaphore(%run_scoped3A_333 : memref<!tpu.dma_semaphore, #tpu.memory_space<semaphore_mem>>) {add = true}
          %dma_wait3A_344 = arith.constant 0 : i32
          %dma_wait3A_345 = arith.constant 0 : i32
          %dma_wait3A_346 = tpu.memref_slice %arg8[%run_scoped3A_280, %dma_wait3A_344, %dma_wait3A_345] : memref<2x8x128xi32, #tpu.memory_space<vmem>> -> memref<1x8x128xi32, #tpu.memory_space<vmem>>
          %dma_wait3A_347 = tpu.memref_squeeze %dma_wait3A_346 : memref<1x8x128xi32, #tpu.memory_space<vmem>> -> memref<8x128xi32, #tpu.memory_space<vmem>>
          %dma_wait3A_348 = arith.constant 0 : i32
          %dma_wait3A_349 = tpu.memref_slice %dma_wait3A_347[%add3A_264, %dma_wait3A_348] : memref<8x128xi32, #tpu.memory_space<vmem>> -> memref<1x128xi32, #tpu.memory_space<vmem>>
          %dma_wait3A_350 = tpu.memref_squeeze %dma_wait3A_349 : memref<1x128xi32, #tpu.memory_space<vmem>> -> memref<128xi32, #tpu.memory_space<vmem>>
          %dma_wait3A_351 = arith.constant 0 : i32
          %dma_wait3A_352 = arith.constant 0 : i32
          %dma_wait3A_353 = tpu.memref_slice %arg11[%dma_wait3A_351, %dma_wait3A_352] : memref<10112x128xf32, #tpu.memory_space<vmem_shared>> -> memref<10112x128xf32, #tpu.memory_space<vmem_shared>>
          tpu.wait_indirect_dma semaphore(%run_scoped3A_333 : memref<!tpu.dma_semaphore, #tpu.memory_space<semaphore_mem>>) src(%arg9 : memref<128x128xf32, #tpu.memory_space<vmem>>) dst(%dma_wait3A_353 : memref<10112x128xf32, #tpu.memory_space<vmem_shared>>)
          tpu.yield
        }) : () -> ()
        %add3A_281 = arith.constant 2 : i32
        %add3A_282 = arith.addi %add3A_264, %add3A_281 : i32
        %dma_start3A_283 = arith.constant 1 : i32
        %dma_start3A_284 = arith.constant 0 : i32
        %dma_start3A_285 = arith.constant 0 : i32
        %dma_start3A_286 = tpu.memref_slice %arg7[%dma_start3A_283, %dma_start3A_284, %dma_start3A_285] : memref<2x8x128xi32, #tpu.memory_space<vmem>> -> memref<1x8x128xi32, #tpu.memory_space<vmem>>
        %dma_start3A_287 = tpu.memref_squeeze %dma_start3A_286 : memref<1x8x128xi32, #tpu.memory_space<vmem>> -> memref<8x128xi32, #tpu.memory_space<vmem>>
        %dma_start3A_288 = arith.constant 0 : i32
        %dma_start3A_289 = tpu.memref_slice %dma_start3A_287[%add3A_282, %dma_start3A_288] : memref<8x128xi32, #tpu.memory_space<vmem>> -> memref<1x128xi32, #tpu.memory_space<vmem>>
        %dma_start3A_290 = tpu.memref_squeeze %dma_start3A_289 : memref<1x128xi32, #tpu.memory_space<vmem>> -> memref<128xi32, #tpu.memory_space<vmem>>
        %dma_start3A_291 = arith.constant 0 : i32
        %dma_start3A_292 = arith.constant 0 : i32
        %dma_start3A_293 = tpu.memref_slice %arg2[%arg0, %dma_start3A_291, %dma_start3A_292] : memref<2x10000x128xf32, #tpu.memory_space<hbm>> -> memref<1x10000x128xf32, #tpu.memory_space<hbm>>
        %dma_start3A_294 = tpu.memref_squeeze %dma_start3A_293 : memref<1x10000x128xf32, #tpu.memory_space<hbm>> -> memref<10000x128xf32, #tpu.memory_space<hbm>>
        %dma_start3A_295 = arith.constant 0 : i32
        %dma_start3A_296 = arith.constant 0 : i32
        %dma_start3A_297 = tpu.memref_slice %dma_start3A_294[%dma_start3A_295, %dma_start3A_296] : memref<10000x128xf32, #tpu.memory_space<hbm>> -> memref<10000x128xf32, #tpu.memory_space<hbm>>
        tpu.enqueue_indirect_dma source(%dma_start3A_297 : memref<10000x128xf32, #tpu.memory_space<hbm>>) target(%arg9 : memref<128x128xf32, #tpu.memory_space<vmem>>) offsets(%dma_start3A_290 : memref<128xi32, #tpu.memory_space<vmem>>) semaphore(%arg12 : memref<!tpu.dma_semaphore, #tpu.memory_space<semaphore_mem>>)
        %add3A_298 = arith.constant 1 : i32
        %add3A_299 = arith.addi %add3A_262, %add3A_298 : i32
        %dma_wait3A_300 = arith.constant 1 : i32
        %dma_wait3A_301 = arith.constant 0 : i32
        %dma_wait3A_302 = arith.constant 0 : i32
        %dma_wait3A_303 = tpu.memref_slice %arg7[%dma_wait3A_300, %dma_wait3A_301, %dma_wait3A_302] : memref<2x8x128xi32, #tpu.memory_space<vmem>> -> memref<1x8x128xi32, #tpu.memory_space<vmem>>
        %dma_wait3A_304 = tpu.memref_squeeze %dma_wait3A_303 : memref<1x8x128xi32, #tpu.memory_space<vmem>> -> memref<8x128xi32, #tpu.memory_space<vmem>>
        %dma_wait3A_305 = arith.constant 0 : i32
        %dma_wait3A_306 = tpu.memref_slice %dma_wait3A_304[%add3A_299, %dma_wait3A_305] : memref<8x128xi32, #tpu.memory_space<vmem>> -> memref<1x128xi32, #tpu.memory_space<vmem>>
        %dma_wait3A_307 = tpu.memref_squeeze %dma_wait3A_306 : memref<1x128xi32, #tpu.memory_space<vmem>> -> memref<128xi32, #tpu.memory_space<vmem>>
        %dma_wait3A_308 = arith.constant 0 : i32
        %dma_wait3A_309 = arith.constant 0 : i32
        %dma_wait3A_310 = tpu.memref_slice %arg2[%arg0, %dma_wait3A_308, %dma_wait3A_309] : memref<2x10000x128xf32, #tpu.memory_space<hbm>> -> memref<1x10000x128xf32, #tpu.memory_space<hbm>>
        %dma_wait3A_311 = tpu.memref_squeeze %dma_wait3A_310 : memref<1x10000x128xf32, #tpu.memory_space<hbm>> -> memref<10000x128xf32, #tpu.memory_space<hbm>>
        %dma_wait3A_312 = arith.constant 0 : i32
        %dma_wait3A_313 = arith.constant 0 : i32
        %dma_wait3A_314 = tpu.memref_slice %dma_wait3A_311[%dma_wait3A_312, %dma_wait3A_313] : memref<10000x128xf32, #tpu.memory_space<hbm>> -> memref<10000x128xf32, #tpu.memory_space<hbm>>
        tpu.wait_indirect_dma semaphore(%arg13 : memref<!tpu.dma_semaphore, #tpu.memory_space<semaphore_mem>>) src(%dma_wait3A_314 : memref<10000x128xf32, #tpu.memory_space<hbm>>) dst(%arg10 : memref<128x128xf32, #tpu.memory_space<vmem>>)
        %run_scoped3A_315 = arith.constant 1 : i32
        "tpu.region"() ({
          %run_scoped3A_333 = tpu.sem_alloc : memref<!tpu.dma_semaphore, #tpu.memory_space<semaphore_mem>>
          %dma_start3A_334 = arith.constant 0 : i32
          %dma_start3A_335 = arith.constant 0 : i32
          %dma_start3A_336 = tpu.memref_slice %arg8[%run_scoped3A_315, %dma_start3A_334, %dma_start3A_335] : memref<2x8x128xi32, #tpu.memory_space<vmem>> -> memref<1x8x128xi32, #tpu.memory_space<vmem>>
          %dma_start3A_337 = tpu.memref_squeeze %dma_start3A_336 : memref<1x8x128xi32, #tpu.memory_space<vmem>> -> memref<8x128xi32, #tpu.memory_space<vmem>>
          %dma_start3A_338 = arith.constant 0 : i32
          %dma_start3A_339 = tpu.memref_slice %dma_start3A_337[%add3A_299, %dma_start3A_338] : memref<8x128xi32, #tpu.memory_space<vmem>> -> memref<1x128xi32, #tpu.memory_space<vmem>>
          %dma_start3A_340 = tpu.memref_squeeze %dma_start3A_339 : memref<1x128xi32, #tpu.memory_space<vmem>> -> memref<128xi32, #tpu.memory_space<vmem>>
          %dma_start3A_341 = arith.constant 0 : i32
          %dma_start3A_342 = arith.constant 0 : i32
          %dma_start3A_343 = tpu.memref_slice %arg11[%dma_start3A_341, %dma_start3A_342] : memref<10112x128xf32, #tpu.memory_space<vmem_shared>> -> memref<10112x128xf32, #tpu.memory_space<vmem_shared>>
          tpu.enqueue_indirect_dma source(%arg10 : memref<128x128xf32, #tpu.memory_space<vmem>>) target(%dma_start3A_343 : memref<10112x128xf32, #tpu.memory_space<vmem_shared>>) offsets(%dma_start3A_340 : memref<128xi32, #tpu.memory_space<vmem>>) semaphore(%run_scoped3A_333 : memref<!tpu.dma_semaphore, #tpu.memory_space<semaphore_mem>>) {add = true}
          %dma_wait3A_344 = arith.constant 0 : i32
          %dma_wait3A_345 = arith.constant 0 : i32
          %dma_wait3A_346 = tpu.memref_slice %arg8[%run_scoped3A_315, %dma_wait3A_344, %dma_wait3A_345] : memref<2x8x128xi32, #tpu.memory_space<vmem>> -> memref<1x8x128xi32, #tpu.memory_space<vmem>>
          %dma_wait3A_347 = tpu.memref_squeeze %dma_wait3A_346 : memref<1x8x128xi32, #tpu.memory_space<vmem>> -> memref<8x128xi32, #tpu.memory_space<vmem>>
          %dma_wait3A_348 = arith.constant 0 : i32
          %dma_wait3A_349 = tpu.memref_slice %dma_wait3A_347[%add3A_299, %dma_wait3A_348] : memref<8x128xi32, #tpu.memory_space<vmem>> -> memref<1x128xi32, #tpu.memory_space<vmem>>
          %dma_wait3A_350 = tpu.memref_squeeze %dma_wait3A_349 : memref<1x128xi32, #tpu.memory_space<vmem>> -> memref<128xi32, #tpu.memory_space<vmem>>
          %dma_wait3A_351 = arith.constant 0 : i32
          %dma_wait3A_352 = arith.constant 0 : i32
          %dma_wait3A_353 = tpu.memref_slice %arg11[%dma_wait3A_351, %dma_wait3A_352] : memref<10112x128xf32, #tpu.memory_space<vmem_shared>> -> memref<10112x128xf32, #tpu.memory_space<vmem_shared>>
          tpu.wait_indirect_dma semaphore(%run_scoped3A_333 : memref<!tpu.dma_semaphore, #tpu.memory_space<semaphore_mem>>) src(%arg10 : memref<128x128xf32, #tpu.memory_space<vmem>>) dst(%dma_wait3A_353 : memref<10112x128xf32, #tpu.memory_space<vmem_shared>>)
          tpu.yield
        }) : () -> ()
        %add3A_316 = arith.constant 2 : i32
        %add3A_317 = arith.addi %add3A_299, %add3A_316 : i32
        %dma_start3A_318 = arith.constant 1 : i32
        %dma_start3A_319 = arith.constant 0 : i32
        %dma_start3A_320 = arith.constant 0 : i32
        %dma_start3A_321 = tpu.memref_slice %arg7[%dma_start3A_318, %dma_start3A_319, %dma_start3A_320] : memref<2x8x128xi32, #tpu.memory_space<vmem>> -> memref<1x8x128xi32, #tpu.memory_space<vmem>>
        %dma_start3A_322 = tpu.memref_squeeze %dma_start3A_321 : memref<1x8x128xi32, #tpu.memory_space<vmem>> -> memref<8x128xi32, #tpu.memory_space<vmem>>
        %dma_start3A_323 = arith.constant 0 : i32
        %dma_start3A_324 = tpu.memref_slice %dma_start3A_322[%add3A_317, %dma_start3A_323] : memref<8x128xi32, #tpu.memory_space<vmem>> -> memref<1x128xi32, #tpu.memory_space<vmem>>
        %dma_start3A_325 = tpu.memref_squeeze %dma_start3A_324 : memref<1x128xi32, #tpu.memory_space<vmem>> -> memref<128xi32, #tpu.memory_space<vmem>>
        %dma_start3A_326 = arith.constant 0 : i32
        %dma_start3A_327 = arith.constant 0 : i32
        %dma_start3A_328 = tpu.memref_slice %arg2[%arg0, %dma_start3A_326, %dma_start3A_327] : memref<2x10000x128xf32, #tpu.memory_space<hbm>> -> memref<1x10000x128xf32, #tpu.memory_space<hbm>>
        %dma_start3A_329 = tpu.memref_squeeze %dma_start3A_328 : memref<1x10000x128xf32, #tpu.memory_space<hbm>> -> memref<10000x128xf32, #tpu.memory_space<hbm>>
        %dma_start3A_330 = arith.constant 0 : i32
        %dma_start3A_331 = arith.constant 0 : i32
        %dma_start3A_332 = tpu.memref_slice %dma_start3A_329[%dma_start3A_330, %dma_start3A_331] : memref<10000x128xf32, #tpu.memory_space<hbm>> -> memref<10000x128xf32, #tpu.memory_space<hbm>>
        tpu.enqueue_indirect_dma source(%dma_start3A_332 : memref<10000x128xf32, #tpu.memory_space<hbm>>) target(%arg10 : memref<128x128xf32, #tpu.memory_space<vmem>>) offsets(%dma_start3A_325 : memref<128xi32, #tpu.memory_space<vmem>>) semaphore(%arg13 : memref<!tpu.dma_semaphore, #tpu.memory_space<semaphore_mem>>)
      }
      %scan3A_199 = arith.constant 3 : i32
      %lt3A_200 = arith.constant 19 : i32
      %lt3A_201 = arith.cmpi slt, %add3A_194, %lt3A_200 : i32
      %convert_element_type3A_202 = arith.extui %lt3A_201 : i1 to i32
      %cond3A_203 = arith.constant 0 : i32
      %cond3A_204 = arith.cmpi ne, %convert_element_type3A_202, %cond3A_203 : i32
      scf.if %cond3A_204 {
        %add3A_258 = arith.constant 1 : i32
        %add3A_259 = arith.addi %add3A_194, %add3A_258 : i32
        %mul3A_260 = arith.constant 8 : i32
        %mul3A_261 = arith.muli %add3A_259, %mul3A_260 : i32
        %add3A_262 = arith.addi %mul3A_0, %mul3A_261 : i32
        %dma_wait3A_263 = arith.constant 0 : i32
        %dma_wait3A_264 = arith.constant 0 : i32
        %dma_wait3A_265 = arith.constant 0 : i32
        %dma_wait3A_266 = tpu.memref_slice %arg7[%dma_wait3A_263, %dma_wait3A_264, %dma_wait3A_265] : memref<2x8x128xi32, #tpu.memory_space<vmem>> -> memref<1x8x128xi32, #tpu.memory_space<vmem>>
        %dma_wait3A_267 = tpu.memref_squeeze %dma_wait3A_266 : memref<1x8x128xi32, #tpu.memory_space<vmem>> -> memref<8x128xi32, #tpu.memory_space<vmem>>
        %dma_wait3A_268 = arith.constant 0 : i32
        %dma_wait3A_269 = tpu.memref_slice %arg3[%add3A_262, %dma_wait3A_268] : memref<2560x128xi32, #tpu.memory_space<hbm>> -> memref<8x128xi32, #tpu.memory_space<hbm>>
        %dma_wait3A_270 = arith.constant 0 : i32
        %dma_wait3A_271 = arith.constant 0 : i32
        %dma_wait3A_272 = tpu.memref_slice %arg7[%dma_wait3A_263, %dma_wait3A_270, %dma_wait3A_271] : memref<2x8x128xi32, #tpu.memory_space<vmem>> -> memref<1x8x128xi32, #tpu.memory_space<vmem>>
        %dma_wait3A_273 = tpu.memref_squeeze %dma_wait3A_272 : memref<1x8x128xi32, #tpu.memory_space<vmem>> -> memref<8x128xi32, #tpu.memory_space<vmem>>
        %dma_wait3A_274 = arith.constant 0 : i32
        %dma_wait3A_275 = tpu.memref_slice %arg3[%add3A_262, %dma_wait3A_274] : memref<2560x128xi32, #tpu.memory_space<hbm>> -> memref<8x128xi32, #tpu.memory_space<hbm>>
        tpu.wait_dma2 semaphore(%arg14 : memref<!tpu.dma_semaphore, #tpu.memory_space<semaphore_mem>>) src(%dma_wait3A_275 : memref<8x128xi32, #tpu.memory_space<hbm>>) dst(%dma_wait3A_273 : memref<8x128xi32, #tpu.memory_space<vmem>>)
        %dma_wait3A_276 = arith.constant 0 : i32
        %dma_wait3A_277 = arith.constant 0 : i32
        %dma_wait3A_278 = arith.constant 0 : i32
        %dma_wait3A_279 = tpu.memref_slice %arg8[%dma_wait3A_276, %dma_wait3A_277, %dma_wait3A_278] : memref<2x8x128xi32, #tpu.memory_space<vmem>> -> memref<1x8x128xi32, #tpu.memory_space<vmem>>
        %dma_wait3A_280 = tpu.memref_squeeze %dma_wait3A_279 : memref<1x8x128xi32, #tpu.memory_space<vmem>> -> memref<8x128xi32, #tpu.memory_space<vmem>>
        %dma_wait3A_281 = arith.constant 0 : i32
        %dma_wait3A_282 = tpu.memref_slice %arg4[%add3A_262, %dma_wait3A_281] : memref<2560x128xi32, #tpu.memory_space<hbm>> -> memref<8x128xi32, #tpu.memory_space<hbm>>
        %dma_wait3A_283 = arith.constant 0 : i32
        %dma_wait3A_284 = arith.constant 0 : i32
        %dma_wait3A_285 = tpu.memref_slice %arg8[%dma_wait3A_276, %dma_wait3A_283, %dma_wait3A_284] : memref<2x8x128xi32, #tpu.memory_space<vmem>> -> memref<1x8x128xi32, #tpu.memory_space<vmem>>
        %dma_wait3A_286 = tpu.memref_squeeze %dma_wait3A_285 : memref<1x8x128xi32, #tpu.memory_space<vmem>> -> memref<8x128xi32, #tpu.memory_space<vmem>>
        %dma_wait3A_287 = arith.constant 0 : i32
        %dma_wait3A_288 = tpu.memref_slice %arg4[%add3A_262, %dma_wait3A_287] : memref<2560x128xi32, #tpu.memory_space<hbm>> -> memref<8x128xi32, #tpu.memory_space<hbm>>
        tpu.wait_dma2 semaphore(%arg14 : memref<!tpu.dma_semaphore, #tpu.memory_space<semaphore_mem>>) src(%dma_wait3A_288 : memref<8x128xi32, #tpu.memory_space<hbm>>) dst(%dma_wait3A_286 : memref<8x128xi32, #tpu.memory_space<vmem>>)
      } else {
      }
      %dma_wait3A_205 = arith.constant 1 : i32
      %dma_wait3A_206 = arith.constant 6 : i32
      %dma_wait3A_207 = arith.constant 0 : i32
      %dma_wait3A_208 = arith.constant 0 : i32
      %dma_wait3A_209 = tpu.memref_slice %arg7[%dma_wait3A_205, %dma_wait3A_207, %dma_wait3A_208] : memref<2x8x128xi32, #tpu.memory_space<vmem>> -> memref<1x8x128xi32, #tpu.memory_space<vmem>>
      %dma_wait3A_210 = tpu.memref_squeeze %dma_wait3A_209 : memref<1x8x128xi32, #tpu.memory_space<vmem>> -> memref<8x128xi32, #tpu.memory_space<vmem>>
      %dma_wait3A_211 = arith.constant 0 : i32
      %dma_wait3A_212 = tpu.memref_slice %dma_wait3A_210[%dma_wait3A_206, %dma_wait3A_211] : memref<8x128xi32, #tpu.memory_space<vmem>> -> memref<1x128xi32, #tpu.memory_space<vmem>>
      %dma_wait3A_213 = tpu.memref_squeeze %dma_wait3A_212 : memref<1x128xi32, #tpu.memory_space<vmem>> -> memref<128xi32, #tpu.memory_space<vmem>>
      %dma_wait3A_214 = arith.constant 0 : i32
      %dma_wait3A_215 = arith.constant 0 : i32
      %dma_wait3A_216 = tpu.memref_slice %arg2[%arg0, %dma_wait3A_214, %dma_wait3A_215] : memref<2x10000x128xf32, #tpu.memory_space<hbm>> -> memref<1x10000x128xf32, #tpu.memory_space<hbm>>
      %dma_wait3A_217 = tpu.memref_squeeze %dma_wait3A_216 : memref<1x10000x128xf32, #tpu.memory_space<hbm>> -> memref<10000x128xf32, #tpu.memory_space<hbm>>
      %dma_wait3A_218 = arith.constant 0 : i32
      %dma_wait3A_219 = arith.constant 0 : i32
      %dma_wait3A_220 = tpu.memref_slice %dma_wait3A_217[%dma_wait3A_218, %dma_wait3A_219] : memref<10000x128xf32, #tpu.memory_space<hbm>> -> memref<10000x128xf32, #tpu.memory_space<hbm>>
      tpu.wait_indirect_dma semaphore(%arg12 : memref<!tpu.dma_semaphore, #tpu.memory_space<semaphore_mem>>) src(%dma_wait3A_220 : memref<10000x128xf32, #tpu.memory_space<hbm>>) dst(%arg9 : memref<128x128xf32, #tpu.memory_space<vmem>>)
      %run_scoped3A_221 = arith.constant 1 : i32
      %run_scoped3A_222 = arith.constant 6 : i32
      "tpu.region"() ({
        %run_scoped3A_258 = tpu.sem_alloc : memref<!tpu.dma_semaphore, #tpu.memory_space<semaphore_mem>>
        %dma_start3A_259 = arith.constant 0 : i32
        %dma_start3A_260 = arith.constant 0 : i32
        %dma_start3A_261 = tpu.memref_slice %arg8[%run_scoped3A_221, %dma_start3A_259, %dma_start3A_260] : memref<2x8x128xi32, #tpu.memory_space<vmem>> -> memref<1x8x128xi32, #tpu.memory_space<vmem>>
        %dma_start3A_262 = tpu.memref_squeeze %dma_start3A_261 : memref<1x8x128xi32, #tpu.memory_space<vmem>> -> memref<8x128xi32, #tpu.memory_space<vmem>>
        %dma_start3A_263 = arith.constant 0 : i32
        %dma_start3A_264 = tpu.memref_slice %dma_start3A_262[%run_scoped3A_222, %dma_start3A_263] : memref<8x128xi32, #tpu.memory_space<vmem>> -> memref<1x128xi32, #tpu.memory_space<vmem>>
        %dma_start3A_265 = tpu.memref_squeeze %dma_start3A_264 : memref<1x128xi32, #tpu.memory_space<vmem>> -> memref<128xi32, #tpu.memory_space<vmem>>
        %dma_start3A_266 = arith.constant 0 : i32
        %dma_start3A_267 = arith.constant 0 : i32
        %dma_start3A_268 = tpu.memref_slice %arg11[%dma_start3A_266, %dma_start3A_267] : memref<10112x128xf32, #tpu.memory_space<vmem_shared>> -> memref<10112x128xf32, #tpu.memory_space<vmem_shared>>
        tpu.enqueue_indirect_dma source(%arg9 : memref<128x128xf32, #tpu.memory_space<vmem>>) target(%dma_start3A_268 : memref<10112x128xf32, #tpu.memory_space<vmem_shared>>) offsets(%dma_start3A_265 : memref<128xi32, #tpu.memory_space<vmem>>) semaphore(%run_scoped3A_258 : memref<!tpu.dma_semaphore, #tpu.memory_space<semaphore_mem>>) {add = true}
        %dma_wait3A_269 = arith.constant 0 : i32
        %dma_wait3A_270 = arith.constant 0 : i32
        %dma_wait3A_271 = tpu.memref_slice %arg8[%run_scoped3A_221, %dma_wait3A_269, %dma_wait3A_270] : memref<2x8x128xi32, #tpu.memory_space<vmem>> -> memref<1x8x128xi32, #tpu.memory_space<vmem>>
        %dma_wait3A_272 = tpu.memref_squeeze %dma_wait3A_271 : memref<1x8x128xi32, #tpu.memory_space<vmem>> -> memref<8x128xi32, #tpu.memory_space<vmem>>
        %dma_wait3A_273 = arith.constant 0 : i32
        %dma_wait3A_274 = tpu.memref_slice %dma_wait3A_272[%run_scoped3A_222, %dma_wait3A_273] : memref<8x128xi32, #tpu.memory_space<vmem>> -> memref<1x128xi32, #tpu.memory_space<vmem>>
        %dma_wait3A_275 = tpu.memref_squeeze %dma_wait3A_274 : memref<1x128xi32, #tpu.memory_space<vmem>> -> memref<128xi32, #tpu.memory_space<vmem>>
        %dma_wait3A_276 = arith.constant 0 : i32
        %dma_wait3A_277 = arith.constant 0 : i32
        %dma_wait3A_278 = tpu.memref_slice %arg11[%dma_wait3A_276, %dma_wait3A_277] : memref<10112x128xf32, #tpu.memory_space<vmem_shared>> -> memref<10112x128xf32, #tpu.memory_space<vmem_shared>>
        tpu.wait_indirect_dma semaphore(%run_scoped3A_258 : memref<!tpu.dma_semaphore, #tpu.memory_space<semaphore_mem>>) src(%arg9 : memref<128x128xf32, #tpu.memory_space<vmem>>) dst(%dma_wait3A_278 : memref<10112x128xf32, #tpu.memory_space<vmem_shared>>)
        tpu.yield
      }) : () -> ()
      %lt3A_223 = arith.constant 19 : i32
      %lt3A_224 = arith.cmpi slt, %add3A_194, %lt3A_223 : i32
      %convert_element_type3A_225 = arith.extui %lt3A_224 : i1 to i32
      %cond3A_226 = arith.constant 0 : i32
      %cond3A_227 = arith.cmpi ne, %convert_element_type3A_225, %cond3A_226 : i32
      scf.if %cond3A_227 {
        %dma_start3A_258 = arith.constant 0 : i32
        %dma_start3A_259 = arith.constant 0 : i32
        %dma_start3A_260 = arith.constant 0 : i32
        %dma_start3A_261 = arith.constant 0 : i32
        %dma_start3A_262 = tpu.memref_slice %arg7[%dma_start3A_258, %dma_start3A_260, %dma_start3A_261] : memref<2x8x128xi32, #tpu.memory_space<vmem>> -> memref<1x8x128xi32, #tpu.memory_space<vmem>>
        %dma_start3A_263 = tpu.memref_squeeze %dma_start3A_262 : memref<1x8x128xi32, #tpu.memory_space<vmem>> -> memref<8x128xi32, #tpu.memory_space<vmem>>
        %dma_start3A_264 = arith.constant 0 : i32
        %dma_start3A_265 = tpu.memref_slice %dma_start3A_263[%dma_start3A_259, %dma_start3A_264] : memref<8x128xi32, #tpu.memory_space<vmem>> -> memref<1x128xi32, #tpu.memory_space<vmem>>
        %dma_start3A_266 = tpu.memref_squeeze %dma_start3A_265 : memref<1x128xi32, #tpu.memory_space<vmem>> -> memref<128xi32, #tpu.memory_space<vmem>>
        %dma_start3A_267 = arith.constant 0 : i32
        %dma_start3A_268 = arith.constant 0 : i32
        %dma_start3A_269 = tpu.memref_slice %arg2[%arg0, %dma_start3A_267, %dma_start3A_268] : memref<2x10000x128xf32, #tpu.memory_space<hbm>> -> memref<1x10000x128xf32, #tpu.memory_space<hbm>>
        %dma_start3A_270 = tpu.memref_squeeze %dma_start3A_269 : memref<1x10000x128xf32, #tpu.memory_space<hbm>> -> memref<10000x128xf32, #tpu.memory_space<hbm>>
        %dma_start3A_271 = arith.constant 0 : i32
        %dma_start3A_272 = arith.constant 0 : i32
        %dma_start3A_273 = tpu.memref_slice %dma_start3A_270[%dma_start3A_271, %dma_start3A_272] : memref<10000x128xf32, #tpu.memory_space<hbm>> -> memref<10000x128xf32, #tpu.memory_space<hbm>>
        tpu.enqueue_indirect_dma source(%dma_start3A_273 : memref<10000x128xf32, #tpu.memory_space<hbm>>) target(%arg9 : memref<128x128xf32, #tpu.memory_space<vmem>>) offsets(%dma_start3A_266 : memref<128xi32, #tpu.memory_space<vmem>>) semaphore(%arg12 : memref<!tpu.dma_semaphore, #tpu.memory_space<semaphore_mem>>)
      } else {
      }
      %dma_wait3A_228 = arith.constant 1 : i32
      %dma_wait3A_229 = arith.constant 7 : i32
      %dma_wait3A_230 = arith.constant 0 : i32
      %dma_wait3A_231 = arith.constant 0 : i32
      %dma_wait3A_232 = tpu.memref_slice %arg7[%dma_wait3A_228, %dma_wait3A_230, %dma_wait3A_231] : memref<2x8x128xi32, #tpu.memory_space<vmem>> -> memref<1x8x128xi32, #tpu.memory_space<vmem>>
      %dma_wait3A_233 = tpu.memref_squeeze %dma_wait3A_232 : memref<1x8x128xi32, #tpu.memory_space<vmem>> -> memref<8x128xi32, #tpu.memory_space<vmem>>
      %dma_wait3A_234 = arith.constant 0 : i32
      %dma_wait3A_235 = tpu.memref_slice %dma_wait3A_233[%dma_wait3A_229, %dma_wait3A_234] : memref<8x128xi32, #tpu.memory_space<vmem>> -> memref<1x128xi32, #tpu.memory_space<vmem>>
      %dma_wait3A_236 = tpu.memref_squeeze %dma_wait3A_235 : memref<1x128xi32, #tpu.memory_space<vmem>> -> memref<128xi32, #tpu.memory_space<vmem>>
      %dma_wait3A_237 = arith.constant 0 : i32
      %dma_wait3A_238 = arith.constant 0 : i32
      %dma_wait3A_239 = tpu.memref_slice %arg2[%arg0, %dma_wait3A_237, %dma_wait3A_238] : memref<2x10000x128xf32, #tpu.memory_space<hbm>> -> memref<1x10000x128xf32, #tpu.memory_space<hbm>>
      %dma_wait3A_240 = tpu.memref_squeeze %dma_wait3A_239 : memref<1x10000x128xf32, #tpu.memory_space<hbm>> -> memref<10000x128xf32, #tpu.memory_space<hbm>>
      %dma_wait3A_241 = arith.constant 0 : i32
      %dma_wait3A_242 = arith.constant 0 : i32
      %dma_wait3A_243 = tpu.memref_slice %dma_wait3A_240[%dma_wait3A_241, %dma_wait3A_242] : memref<10000x128xf32, #tpu.memory_space<hbm>> -> memref<10000x128xf32, #tpu.memory_space<hbm>>
      tpu.wait_indirect_dma semaphore(%arg13 : memref<!tpu.dma_semaphore, #tpu.memory_space<semaphore_mem>>) src(%dma_wait3A_243 : memref<10000x128xf32, #tpu.memory_space<hbm>>) dst(%arg10 : memref<128x128xf32, #tpu.memory_space<vmem>>)
      %run_scoped3A_244 = arith.constant 1 : i32
      %run_scoped3A_245 = arith.constant 7 : i32
      "tpu.region"() ({
        %run_scoped3A_258 = tpu.sem_alloc : memref<!tpu.dma_semaphore, #tpu.memory_space<semaphore_mem>>
        %dma_start3A_259 = arith.constant 0 : i32
        %dma_start3A_260 = arith.constant 0 : i32
        %dma_start3A_261 = tpu.memref_slice %arg8[%run_scoped3A_244, %dma_start3A_259, %dma_start3A_260] : memref<2x8x128xi32, #tpu.memory_space<vmem>> -> memref<1x8x128xi32, #tpu.memory_space<vmem>>
        %dma_start3A_262 = tpu.memref_squeeze %dma_start3A_261 : memref<1x8x128xi32, #tpu.memory_space<vmem>> -> memref<8x128xi32, #tpu.memory_space<vmem>>
        %dma_start3A_263 = arith.constant 0 : i32
        %dma_start3A_264 = tpu.memref_slice %dma_start3A_262[%run_scoped3A_245, %dma_start3A_263] : memref<8x128xi32, #tpu.memory_space<vmem>> -> memref<1x128xi32, #tpu.memory_space<vmem>>
        %dma_start3A_265 = tpu.memref_squeeze %dma_start3A_264 : memref<1x128xi32, #tpu.memory_space<vmem>> -> memref<128xi32, #tpu.memory_space<vmem>>
        %dma_start3A_266 = arith.constant 0 : i32
        %dma_start3A_267 = arith.constant 0 : i32
        %dma_start3A_268 = tpu.memref_slice %arg11[%dma_start3A_266, %dma_start3A_267] : memref<10112x128xf32, #tpu.memory_space<vmem_shared>> -> memref<10112x128xf32, #tpu.memory_space<vmem_shared>>
        tpu.enqueue_indirect_dma source(%arg10 : memref<128x128xf32, #tpu.memory_space<vmem>>) target(%dma_start3A_268 : memref<10112x128xf32, #tpu.memory_space<vmem_shared>>) offsets(%dma_start3A_265 : memref<128xi32, #tpu.memory_space<vmem>>) semaphore(%run_scoped3A_258 : memref<!tpu.dma_semaphore, #tpu.memory_space<semaphore_mem>>) {add = true}
        %dma_wait3A_269 = arith.constant 0 : i32
        %dma_wait3A_270 = arith.constant 0 : i32
        %dma_wait3A_271 = tpu.memref_slice %arg8[%run_scoped3A_244, %dma_wait3A_269, %dma_wait3A_270] : memref<2x8x128xi32, #tpu.memory_space<vmem>> -> memref<1x8x128xi32, #tpu.memory_space<vmem>>
        %dma_wait3A_272 = tpu.memref_squeeze %dma_wait3A_271 : memref<1x8x128xi32, #tpu.memory_space<vmem>> -> memref<8x128xi32, #tpu.memory_space<vmem>>
        %dma_wait3A_273 = arith.constant 0 : i32
        %dma_wait3A_274 = tpu.memref_slice %dma_wait3A_272[%run_scoped3A_245, %dma_wait3A_273] : memref<8x128xi32, #tpu.memory_space<vmem>> -> memref<1x128xi32, #tpu.memory_space<vmem>>
        %dma_wait3A_275 = tpu.memref_squeeze %dma_wait3A_274 : memref<1x128xi32, #tpu.memory_space<vmem>> -> memref<128xi32, #tpu.memory_space<vmem>>
        %dma_wait3A_276 = arith.constant 0 : i32
        %dma_wait3A_277 = arith.constant 0 : i32
        %dma_wait3A_278 = tpu.memref_slice %arg11[%dma_wait3A_276, %dma_wait3A_277] : memref<10112x128xf32, #tpu.memory_space<vmem_shared>> -> memref<10112x128xf32, #tpu.memory_space<vmem_shared>>
        tpu.wait_indirect_dma semaphore(%run_scoped3A_258 : memref<!tpu.dma_semaphore, #tpu.memory_space<semaphore_mem>>) src(%arg10 : memref<128x128xf32, #tpu.memory_space<vmem>>) dst(%dma_wait3A_278 : memref<10112x128xf32, #tpu.memory_space<vmem_shared>>)
        tpu.yield
      }) : () -> ()
      %lt3A_246 = arith.constant 19 : i32
      %lt3A_247 = arith.cmpi slt, %add3A_194, %lt3A_246 : i32
      %convert_element_type3A_248 = arith.extui %lt3A_247 : i1 to i32
      %cond3A_249 = arith.constant 0 : i32
      %cond3A_250 = arith.cmpi ne, %convert_element_type3A_248, %cond3A_249 : i32
      scf.if %cond3A_250 {
        %dma_start3A_258 = arith.constant 0 : i32
        %dma_start3A_259 = arith.constant 1 : i32
        %dma_start3A_260 = arith.constant 0 : i32
        %dma_start3A_261 = arith.constant 0 : i32
        %dma_start3A_262 = tpu.memref_slice %arg7[%dma_start3A_258, %dma_start3A_260, %dma_start3A_261] : memref<2x8x128xi32, #tpu.memory_space<vmem>> -> memref<1x8x128xi32, #tpu.memory_space<vmem>>
        %dma_start3A_263 = tpu.memref_squeeze %dma_start3A_262 : memref<1x8x128xi32, #tpu.memory_space<vmem>> -> memref<8x128xi32, #tpu.memory_space<vmem>>
        %dma_start3A_264 = arith.constant 0 : i32
        %dma_start3A_265 = tpu.memref_slice %dma_start3A_263[%dma_start3A_259, %dma_start3A_264] : memref<8x128xi32, #tpu.memory_space<vmem>> -> memref<1x128xi32, #tpu.memory_space<vmem>>
        %dma_start3A_266 = tpu.memref_squeeze %dma_start3A_265 : memref<1x128xi32, #tpu.memory_space<vmem>> -> memref<128xi32, #tpu.memory_space<vmem>>
        %dma_start3A_267 = arith.constant 0 : i32
        %dma_start3A_268 = arith.constant 0 : i32
        %dma_start3A_269 = tpu.memref_slice %arg2[%arg0, %dma_start3A_267, %dma_start3A_268] : memref<2x10000x128xf32, #tpu.memory_space<hbm>> -> memref<1x10000x128xf32, #tpu.memory_space<hbm>>
        %dma_start3A_270 = tpu.memref_squeeze %dma_start3A_269 : memref<1x10000x128xf32, #tpu.memory_space<hbm>> -> memref<10000x128xf32, #tpu.memory_space<hbm>>
        %dma_start3A_271 = arith.constant 0 : i32
        %dma_start3A_272 = arith.constant 0 : i32
        %dma_start3A_273 = tpu.memref_slice %dma_start3A_270[%dma_start3A_271, %dma_start3A_272] : memref<10000x128xf32, #tpu.memory_space<hbm>> -> memref<10000x128xf32, #tpu.memory_space<hbm>>
        tpu.enqueue_indirect_dma source(%dma_start3A_273 : memref<10000x128xf32, #tpu.memory_space<hbm>>) target(%arg10 : memref<128x128xf32, #tpu.memory_space<vmem>>) offsets(%dma_start3A_266 : memref<128xi32, #tpu.memory_space<vmem>>) semaphore(%arg13 : memref<!tpu.dma_semaphore, #tpu.memory_space<semaphore_mem>>)
      } else {
      }
      %add3A_251 = arith.constant 2 : i32
      %add3A_252 = arith.addi %add3A_194, %add3A_251 : i32
      %lt3A_253 = arith.constant 20 : i32
      %lt3A_254 = arith.cmpi slt, %add3A_252, %lt3A_253 : i32
      %convert_element_type3A_255 = arith.extui %lt3A_254 : i1 to i32
      %cond3A_256 = arith.constant 0 : i32
      %cond3A_257 = arith.cmpi ne, %convert_element_type3A_255, %cond3A_256 : i32
      scf.if %cond3A_257 {
        %add3A_258 = arith.constant 2 : i32
        %add3A_259 = arith.addi %add3A_194, %add3A_258 : i32
        %mul3A_260 = arith.constant 8 : i32
        %mul3A_261 = arith.muli %add3A_259, %mul3A_260 : i32
        %add3A_262 = arith.addi %mul3A_0, %mul3A_261 : i32
        %dma_start3A_263 = arith.constant 1 : i32
        %dma_start3A_264 = arith.constant 0 : i32
        %dma_start3A_265 = arith.constant 0 : i32
        %dma_start3A_266 = tpu.memref_slice %arg7[%dma_start3A_263, %dma_start3A_264, %dma_start3A_265] : memref<2x8x128xi32, #tpu.memory_space<vmem>> -> memref<1x8x128xi32, #tpu.memory_space<vmem>>
        %dma_start3A_267 = tpu.memref_squeeze %dma_start3A_266 : memref<1x8x128xi32, #tpu.memory_space<vmem>> -> memref<8x128xi32, #tpu.memory_space<vmem>>
        %dma_start3A_268 = arith.constant 0 : i32
        %dma_start3A_269 = tpu.memref_slice %arg3[%add3A_262, %dma_start3A_268] : memref<2560x128xi32, #tpu.memory_space<hbm>> -> memref<8x128xi32, #tpu.memory_space<hbm>>
        %dma_start3A_270 = arith.constant 0 : i32
        %dma_start3A_271 = arith.constant 0 : i32
        %dma_start3A_272 = tpu.memref_slice %arg7[%dma_start3A_263, %dma_start3A_270, %dma_start3A_271] : memref<2x8x128xi32, #tpu.memory_space<vmem>> -> memref<1x8x128xi32, #tpu.memory_space<vmem>>
        %dma_start3A_273 = tpu.memref_squeeze %dma_start3A_272 : memref<1x8x128xi32, #tpu.memory_space<vmem>> -> memref<8x128xi32, #tpu.memory_space<vmem>>
        %dma_start3A_274 = arith.constant 0 : i32
        %dma_start3A_275 = tpu.memref_slice %arg3[%add3A_262, %dma_start3A_274] : memref<2560x128xi32, #tpu.memory_space<hbm>> -> memref<8x128xi32, #tpu.memory_space<hbm>>
        tpu.enqueue_dma source(%dma_start3A_275 : memref<8x128xi32, #tpu.memory_space<hbm>>) target(%dma_start3A_273 : memref<8x128xi32, #tpu.memory_space<vmem>>) target_semaphore(%arg15 : memref<!tpu.dma_semaphore, #tpu.memory_space<semaphore_mem>>)
        %dma_start3A_276 = arith.constant 1 : i32
        %dma_start3A_277 = arith.constant 0 : i32
        %dma_start3A_278 = arith.constant 0 : i32
        %dma_start3A_279 = tpu.memref_slice %arg8[%dma_start3A_276, %dma_start3A_277, %dma_start3A_278] : memref<2x8x128xi32, #tpu.memory_space<vmem>> -> memref<1x8x128xi32, #tpu.memory_space<vmem>>
        %dma_start3A_280 = tpu.memref_squeeze %dma_start3A_279 : memref<1x8x128xi32, #tpu.memory_space<vmem>> -> memref<8x128xi32, #tpu.memory_space<vmem>>
        %dma_start3A_281 = arith.constant 0 : i32
        %dma_start3A_282 = tpu.memref_slice %arg4[%add3A_262, %dma_start3A_281] : memref<2560x128xi32, #tpu.memory_space<hbm>> -> memref<8x128xi32, #tpu.memory_space<hbm>>
        %dma_start3A_283 = arith.constant 0 : i32
        %dma_start3A_284 = arith.constant 0 : i32
        %dma_start3A_285 = tpu.memref_slice %arg8[%dma_start3A_276, %dma_start3A_283, %dma_start3A_284] : memref<2x8x128xi32, #tpu.memory_space<vmem>> -> memref<1x8x128xi32, #tpu.memory_space<vmem>>
        %dma_start3A_286 = tpu.memref_squeeze %dma_start3A_285 : memref<1x8x128xi32, #tpu.memory_space<vmem>> -> memref<8x128xi32, #tpu.memory_space<vmem>>
        %dma_start3A_287 = arith.constant 0 : i32
        %dma_start3A_288 = tpu.memref_slice %arg4[%add3A_262, %dma_start3A_287] : memref<2560x128xi32, #tpu.memory_space<hbm>> -> memref<8x128xi32, #tpu.memory_space<hbm>>
        tpu.enqueue_dma source(%dma_start3A_288 : memref<8x128xi32, #tpu.memory_space<hbm>>) target(%dma_start3A_286 : memref<8x128xi32, #tpu.memory_space<vmem>>) target_semaphore(%arg15 : memref<!tpu.dma_semaphore, #tpu.memory_space<semaphore_mem>>)
      } else {
      }
    }
    %scan3A_121 = arith.constant 10 : i32
    %barrier3A_122 = arith.constant 0 : index
    tpu.barrier barrier_id(%barrier3A_122)
    %mul3A_123 = arith.constant 632 : i32
    %mul3A_124 = arith.muli %arg1, %mul3A_123 : i32
    %mul3A_125 = arith.constant 632 : i32
    %mul3A_126 = arith.muli %arg1, %mul3A_125 : i32
    "tpu.region"() ({
      %run_scoped3A = tpu.sem_alloc : memref<!tpu.dma_semaphore, #tpu.memory_space<semaphore_mem>>
      %dma_start3A_127 = arith.constant 0 : i32
      %dma_start3A_128 = arith.constant 0 : i32
      %dma_start3A_129 = tpu.memref_slice %arg6[%arg0, %dma_start3A_127, %dma_start3A_128] : memref<2x10112x128xf32, #tpu.memory_space<hbm>> -> memref<1x10112x128xf32, #tpu.memory_space<hbm>>
      %dma_start3A_130 = tpu.memref_squeeze %dma_start3A_129 : memref<1x10112x128xf32, #tpu.memory_space<hbm>> -> memref<10112x128xf32, #tpu.memory_space<hbm>>
      %dma_start3A_131 = arith.constant 0 : i32
      %dma_start3A_132 = tpu.memref_slice %dma_start3A_130[%mul3A_126, %dma_start3A_131] : memref<10112x128xf32, #tpu.memory_space<hbm>> -> memref<632x128xf32, #tpu.memory_space<hbm>>
      %dma_start3A_133 = arith.constant 0 : i32
      %dma_start3A_134 = tpu.memref_slice %arg11[%mul3A_124, %dma_start3A_133] : memref<10112x128xf32, #tpu.memory_space<vmem_shared>> -> memref<632x128xf32, #tpu.memory_space<vmem_shared>>
      tpu.enqueue_dma source(%dma_start3A_134 : memref<632x128xf32, #tpu.memory_space<vmem_shared>>) target(%dma_start3A_132 : memref<632x128xf32, #tpu.memory_space<hbm>>) target_semaphore(%run_scoped3A : memref<!tpu.dma_semaphore, #tpu.memory_space<semaphore_mem>>)
      %dma_wait3A_135 = arith.constant 0 : i32
      %dma_wait3A_136 = arith.constant 0 : i32
      %dma_wait3A_137 = tpu.memref_slice %arg6[%arg0, %dma_wait3A_135, %dma_wait3A_136] : memref<2x10112x128xf32, #tpu.memory_space<hbm>> -> memref<1x10112x128xf32, #tpu.memory_space<hbm>>
      %dma_wait3A_138 = tpu.memref_squeeze %dma_wait3A_137 : memref<1x10112x128xf32, #tpu.memory_space<hbm>> -> memref<10112x128xf32, #tpu.memory_space<hbm>>
      %dma_wait3A_139 = arith.constant 0 : i32
      %dma_wait3A_140 = tpu.memref_slice %dma_wait3A_138[%mul3A_126, %dma_wait3A_139] : memref<10112x128xf32, #tpu.memory_space<hbm>> -> memref<632x128xf32, #tpu.memory_space<hbm>>
      %dma_wait3A_141 = arith.constant 0 : i32
      %dma_wait3A_142 = tpu.memref_slice %arg11[%mul3A_124, %dma_wait3A_141] : memref<10112x128xf32, #tpu.memory_space<vmem_shared>> -> memref<632x128xf32, #tpu.memory_space<vmem_shared>>
      tpu.wait_dma2 semaphore(%run_scoped3A : memref<!tpu.dma_semaphore, #tpu.memory_space<semaphore_mem>>) src(%dma_wait3A_142 : memref<632x128xf32, #tpu.memory_space<vmem_shared>>) dst(%dma_wait3A_140 : memref<632x128xf32, #tpu.memory_space<hbm>>)
      tpu.yield
    }) : () -> ()
    return
  }
}

module attributes {stable_mosaic.version = 14 : i64} {
  func.func @body(%arg0: i32, %arg1: memref<2000x128xf32, #tpu.memory_space<vmem>>, %arg2: memref<2x2000x128xf32, #tpu.memory_space<vmem>>, %arg3: memref<128x256xf32, #tpu.memory_space<vmem>>, %arg4: memref<1x256xf32, #tpu.memory_space<vmem>>, %arg5: memref<256x256xf32, #tpu.memory_space<vmem>>, %arg6: memref<1x256xf32, #tpu.memory_space<vmem>>, %arg7: memref<2x2000x128xf32, #tpu.memory_space<vmem>>) attributes {dimension_semantics = [#tpu.dimension_semantics<arbitrary>], iteration_bounds = array<i64: 5>, scalar_prefetch = 0 : i64, scratch_operands = 0 : i64, tpu.core_type = #tpu.core_type<tc>, window_params = [{transform_indices = @transform_0, window_bounds = array<i64: 2000, 128>}, {transform_indices = @transform_1, window_bounds = array<i64: 2, 2000, 128>}, {pipeline_mode = #tpu.pipeline_mode<synchronous>, transform_indices = @transform_2, window_bounds = array<i64: 128, 256>}, {pipeline_mode = #tpu.pipeline_mode<synchronous>, transform_indices = @transform_3, window_bounds = array<i64: 1, 256>}, {pipeline_mode = #tpu.pipeline_mode<synchronous>, transform_indices = @transform_4, window_bounds = array<i64: 256, 256>}, {pipeline_mode = #tpu.pipeline_mode<synchronous>, transform_indices = @transform_5, window_bounds = array<i64: 1, 256>}, {transform_indices = @transform_6, window_bounds = array<i64: 2, 2000, 128>}]} {
    %get3A = arith.constant 0 : index
    %get3A_0 = arith.constant 0 : index
    %get3A_1 = vector.load %arg1[%get3A, %get3A_0] : memref<2000x128xf32, #tpu.memory_space<vmem>>, vector<2000x128xf32>
    %get3A_2 = arith.constant 0 : index
    %get3A_3 = arith.constant 0 : index
    %get3A_4 = arith.constant 0 : index
    %get3A_5 = vector.load %arg2[%get3A_2, %get3A_3, %get3A_4] : memref<2x2000x128xf32, #tpu.memory_space<vmem>>, vector<1x2000x128xf32>
    %get3A_6 = vector.shape_cast %get3A_5 : vector<1x2000x128xf32> to vector<2000x128xf32>
    %add3A = arith.addf %get3A_1, %get3A_6 : vector<2000x128xf32>
    %get3A_7 = arith.constant 1 : index
    %get3A_8 = arith.constant 0 : index
    %get3A_9 = arith.constant 0 : index
    %get3A_10 = vector.load %arg2[%get3A_7, %get3A_8, %get3A_9] : memref<2x2000x128xf32, #tpu.memory_space<vmem>>, vector<1x2000x128xf32>
    %get3A_11 = vector.shape_cast %get3A_10 : vector<1x2000x128xf32> to vector<2000x128xf32>
    %add3A_12 = arith.addf %add3A, %get3A_11 : vector<2000x128xf32>
    %get3A_13 = arith.constant 0 : index
    %get3A_14 = arith.constant 0 : index
    %get3A_15 = vector.load %arg3[%get3A_13, %get3A_14] : memref<128x256xf32, #tpu.memory_space<vmem>>, vector<128x256xf32>
    %dot_general3A = arith.constant dense<0.000000e+00> : vector<2000x256xf32>
    %dot_general3A_16 = tpu.matmul %add3A_12, %get3A_15, %dot_general3A {dimension_numbers = #tpu.dot_dimension_numbers<[1], [0], [0], [1], [0, 0, 1, 1], [], []>, transpose_lhs_hint = false} : vector<2000x128xf32>, vector<128x256xf32>, vector<2000x256xf32> -> vector<2000x256xf32>
    %get3A_17 = arith.constant 0 : index
    %get3A_18 = arith.constant 0 : index
    %get3A_19 = vector.load %arg4[%get3A_17, %get3A_18] : memref<1x256xf32, #tpu.memory_space<vmem>>, vector<1x256xf32>
    %add3A_20 = vector.broadcast %get3A_19 : vector<1x256xf32> to vector<2000x256xf32>
    %add3A_21 = arith.addf %dot_general3A_16, %add3A_20 : vector<2000x256xf32>
    %max3A = arith.constant 0.000000e+00 : f32
    %max3A_22 = vector.broadcast %max3A : f32 to vector<2000x256xf32>
    %max3A_23 = arith.maximumf %add3A_21, %max3A_22 : vector<2000x256xf32>
    %get3A_24 = arith.constant 0 : index
    %get3A_25 = arith.constant 0 : index
    %get3A_26 = vector.load %arg5[%get3A_24, %get3A_25] : memref<256x256xf32, #tpu.memory_space<vmem>>, vector<256x256xf32>
    %dot_general3A_27 = arith.constant dense<0.000000e+00> : vector<2000x256xf32>
    %dot_general3A_28 = tpu.matmul %max3A_23, %get3A_26, %dot_general3A_27 {dimension_numbers = #tpu.dot_dimension_numbers<[1], [0], [0], [1], [0, 0, 1, 1], [], []>, transpose_lhs_hint = false} : vector<2000x256xf32>, vector<256x256xf32>, vector<2000x256xf32> -> vector<2000x256xf32>
    %get3A_29 = arith.constant 0 : index
    %get3A_30 = arith.constant 0 : index
    %get3A_31 = vector.load %arg6[%get3A_29, %get3A_30] : memref<1x256xf32, #tpu.memory_space<vmem>>, vector<1x256xf32>
    %add3A_32 = vector.broadcast %get3A_31 : vector<1x256xf32> to vector<2000x256xf32>
    %add3A_33 = arith.addf %dot_general3A_28, %add3A_32 : vector<2000x256xf32>
    %max3A_34 = arith.constant 0.000000e+00 : f32
    %max3A_35 = vector.broadcast %max3A_34 : f32 to vector<2000x256xf32>
    %max3A_36 = arith.maximumf %add3A_33, %max3A_35 : vector<2000x256xf32>
    %slice3A = vector.extract_strided_slice %max3A_36 {offsets = [0, 0], sizes = [2000, 128], strides = [1, 1]} : vector<2000x256xf32> to vector<2000x128xf32>
    %swap3A = arith.constant 0 : index
    %swap3A_37 = arith.constant 0 : index
    %swap3A_38 = arith.constant 0 : index
    %swap3A_39 = vector.load %arg7[%swap3A, %swap3A_37, %swap3A_38] : memref<2x2000x128xf32, #tpu.memory_space<vmem>>, vector<1x2000x128xf32>
    %swap3A_40 = vector.shape_cast %swap3A_39 : vector<1x2000x128xf32> to vector<2000x128xf32>
    %swap3A_41 = vector.shape_cast %slice3A : vector<2000x128xf32> to vector<1x2000x128xf32>
    tpu.vector_store %arg7[%swap3A, %swap3A_37, %swap3A_38], %swap3A_41 {strides = array<i32>} : memref<2x2000x128xf32, #tpu.memory_space<vmem>>, vector<1x2000x128xf32>,
    %slice3A_42 = vector.extract_strided_slice %max3A_36 {offsets = [0, 128], sizes = [2000, 128], strides = [1, 1]} : vector<2000x256xf32> to vector<2000x128xf32>
    %swap3A_43 = arith.constant 1 : index
    %swap3A_44 = arith.constant 0 : index
    %swap3A_45 = arith.constant 0 : index
    %swap3A_46 = vector.load %arg7[%swap3A_43, %swap3A_44, %swap3A_45] : memref<2x2000x128xf32, #tpu.memory_space<vmem>>, vector<1x2000x128xf32>
    %swap3A_47 = vector.shape_cast %swap3A_46 : vector<1x2000x128xf32> to vector<2000x128xf32>
    %swap3A_48 = vector.shape_cast %slice3A_42 : vector<2000x128xf32> to vector<1x2000x128xf32>
    tpu.vector_store %arg7[%swap3A_43, %swap3A_44, %swap3A_45], %swap3A_48 {strides = array<i32>} : memref<2x2000x128xf32, #tpu.memory_space<vmem>>, vector<1x2000x128xf32>,
    return
  }
  func.func @transform_0(%arg0: i32) -> (i32, i32) {
    %c0_i32 = arith.constant 0 : i32
    %c0_i32_0 = arith.constant 0 : i32
    return %arg0, %c0_i32 : i32, i32
  }
  func.func @transform_1(%arg0: i32) -> (i32, i32, i32) {
    %c0_i32 = arith.constant 0 : i32
    %c0_i32_0 = arith.constant 0 : i32
    %c0_i32_1 = arith.constant 0 : i32
    return %c0_i32, %arg0, %c0_i32_0 : i32, i32, i32
  }
  func.func @transform_2(%arg0: i32) -> (i32, i32) {
    %c0_i32 = arith.constant 0 : i32
    %c0_i32_0 = arith.constant 0 : i32
    %c0_i32_1 = arith.constant 0 : i32
    return %c0_i32, %c0_i32_0 : i32, i32
  }
  func.func @transform_3(%arg0: i32) -> (i32, i32) {
    %c0_i32 = arith.constant 0 : i32
    %c0_i32_0 = arith.constant 0 : i32
    %c0_i32_1 = arith.constant 0 : i32
    return %c0_i32, %c0_i32_0 : i32, i32
  }
  func.func @transform_4(%arg0: i32) -> (i32, i32) {
    %c0_i32 = arith.constant 0 : i32
    %c0_i32_0 = arith.constant 0 : i32
    %c0_i32_1 = arith.constant 0 : i32
    return %c0_i32, %c0_i32_0 : i32, i32
  }
  func.func @transform_5(%arg0: i32) -> (i32, i32) {
    %c0_i32 = arith.constant 0 : i32
    %c0_i32_0 = arith.constant 0 : i32
    %c0_i32_1 = arith.constant 0 : i32
    return %c0_i32, %c0_i32_0 : i32, i32
  }
  func.func @transform_6(%arg0: i32) -> (i32, i32, i32) {
    %c0_i32 = arith.constant 0 : i32
    %c0_i32_0 = arith.constant 0 : i32
    %c0_i32_1 = arith.constant 0 : i32
    return %c0_i32, %arg0, %c0_i32_0 : i32, i32, i32
  }
}

module attributes {stable_mosaic.version = 14 : i64} {
  func.func @body(%arg0: i32, %arg1: memref<2x2000x128xf32, #tpu.memory_space<vmem>>, %arg2: memref<2x2000x128xf32, #tpu.memory_space<vmem>>, %arg3: memref<1x1x2000xi32, #tpu.memory_space<vmem>>, %arg4: memref<256x256xf32, #tpu.memory_space<vmem>>, %arg5: memref<1x256xf32, #tpu.memory_space<vmem>>, %arg6: memref<256x256xf32, #tpu.memory_space<vmem>>, %arg7: memref<1x256xf32, #tpu.memory_space<vmem>>, %arg8: memref<256x256xf32, #tpu.memory_space<vmem>>, %arg9: memref<1x256xf32, #tpu.memory_space<vmem>>, %arg10: memref<128x256xf32, #tpu.memory_space<vmem>>, %arg11: memref<128x256xf32, #tpu.memory_space<vmem>>) attributes {dimension_semantics = [#tpu.dimension_semantics<arbitrary>], iteration_bounds = array<i64: 5>, scalar_prefetch = 0 : i64, scratch_operands = 1 : i64, tpu.core_type = #tpu.core_type<tc>, window_params = [{transform_indices = @transform_0, window_bounds = array<i64: 2, 2000, 128>}, {transform_indices = @transform_1, window_bounds = array<i64: 2, 2000, 128>}, {transform_indices = @transform_2, window_bounds = array<i64: 1, 1, 2000>}, {pipeline_mode = #tpu.pipeline_mode<synchronous>, transform_indices = @transform_3, window_bounds = array<i64: 256, 256>}, {pipeline_mode = #tpu.pipeline_mode<synchronous>, transform_indices = @transform_4, window_bounds = array<i64: 1, 256>}, {pipeline_mode = #tpu.pipeline_mode<synchronous>, transform_indices = @transform_5, window_bounds = array<i64: 256, 256>}, {pipeline_mode = #tpu.pipeline_mode<synchronous>, transform_indices = @transform_6, window_bounds = array<i64: 1, 256>}, {pipeline_mode = #tpu.pipeline_mode<synchronous>, transform_indices = @transform_7, window_bounds = array<i64: 256, 256>}, {pipeline_mode = #tpu.pipeline_mode<synchronous>, transform_indices = @transform_8, window_bounds = array<i64: 1, 256>}, {pipeline_mode = #tpu.pipeline_mode<synchronous>, transform_indices = @transform_9, window_bounds = array<i64: 128, 256>}]} {
    %get3A = arith.constant 0 : index
    %get3A_0 = arith.constant 0 : index
    %get3A_1 = arith.constant 0 : index
    %get3A_2 = vector.load %arg1[%get3A, %get3A_0, %get3A_1] : memref<2x2000x128xf32, #tpu.memory_space<vmem>>, vector<1x2000x128xf32>
    %get3A_3 = vector.shape_cast %get3A_2 : vector<1x2000x128xf32> to vector<2000x128xf32>
    %get3A_4 = arith.constant 0 : index
    %get3A_5 = arith.constant 0 : index
    %get3A_6 = arith.constant 0 : index
    %get3A_7 = vector.load %arg2[%get3A_4, %get3A_5, %get3A_6] : memref<2x2000x128xf32, #tpu.memory_space<vmem>>, vector<1x2000x128xf32>
    %get3A_8 = vector.shape_cast %get3A_7 : vector<1x2000x128xf32> to vector<2000x128xf32>
    %add3A = arith.addf %get3A_3, %get3A_8 : vector<2000x128xf32>
    %get3A_9 = arith.constant 1 : index
    %get3A_10 = arith.constant 0 : index
    %get3A_11 = arith.constant 0 : index
    %get3A_12 = vector.load %arg1[%get3A_9, %get3A_10, %get3A_11] : memref<2x2000x128xf32, #tpu.memory_space<vmem>>, vector<1x2000x128xf32>
    %get3A_13 = vector.shape_cast %get3A_12 : vector<1x2000x128xf32> to vector<2000x128xf32>
    %get3A_14 = arith.constant 1 : index
    %get3A_15 = arith.constant 0 : index
    %get3A_16 = arith.constant 0 : index
    %get3A_17 = vector.load %arg2[%get3A_14, %get3A_15, %get3A_16] : memref<2x2000x128xf32, #tpu.memory_space<vmem>>, vector<1x2000x128xf32>
    %get3A_18 = vector.shape_cast %get3A_17 : vector<1x2000x128xf32> to vector<2000x128xf32>
    %add3A_19 = arith.addf %get3A_13, %get3A_18 : vector<2000x128xf32>
    %concatenate3A = tpu.concatenate %add3A, %add3A_19 in 1 : vector<2000x128xf32>, vector<2000x128xf32> -> vector<2000x256xf32>
    %get3A_20 = arith.constant 0 : index
    %get3A_21 = arith.constant 0 : index
    %get3A_22 = vector.load %arg4[%get3A_20, %get3A_21] : memref<256x256xf32, #tpu.memory_space<vmem>>, vector<256x256xf32>
    %dot_general3A = arith.constant dense<0.000000e+00> : vector<2000x256xf32>
    %dot_general3A_23 = tpu.matmul %concatenate3A, %get3A_22, %dot_general3A {dimension_numbers = #tpu.dot_dimension_numbers<[1], [0], [0], [1], [0, 0, 1, 1], [], []>, transpose_lhs_hint = false} : vector<2000x256xf32>, vector<256x256xf32>, vector<2000x256xf32> -> vector<2000x256xf32>
    %get3A_24 = arith.constant 0 : index
    %get3A_25 = arith.constant 0 : index
    %get3A_26 = vector.load %arg5[%get3A_24, %get3A_25] : memref<1x256xf32, #tpu.memory_space<vmem>>, vector<1x256xf32>
    %add3A_27 = vector.broadcast %get3A_26 : vector<1x256xf32> to vector<2000x256xf32>
    %add3A_28 = arith.addf %dot_general3A_23, %add3A_27 : vector<2000x256xf32>
    %max3A = arith.constant 0.000000e+00 : f32
    %max3A_29 = vector.broadcast %max3A : f32 to vector<2000x256xf32>
    %max3A_30 = arith.maximumf %add3A_28, %max3A_29 : vector<2000x256xf32>
    %get3A_31 = arith.constant 0 : index
    %get3A_32 = arith.constant 0 : index
    %get3A_33 = vector.load %arg6[%get3A_31, %get3A_32] : memref<256x256xf32, #tpu.memory_space<vmem>>, vector<256x256xf32>
    %dot_general3A_34 = arith.constant dense<0.000000e+00> : vector<2000x256xf32>
    %dot_general3A_35 = tpu.matmul %max3A_30, %get3A_33, %dot_general3A_34 {dimension_numbers = #tpu.dot_dimension_numbers<[1], [0], [0], [1], [0, 0, 1, 1], [], []>, transpose_lhs_hint = false} : vector<2000x256xf32>, vector<256x256xf32>, vector<2000x256xf32> -> vector<2000x256xf32>
    %get3A_36 = arith.constant 0 : index
    %get3A_37 = arith.constant 0 : index
    %get3A_38 = vector.load %arg7[%get3A_36, %get3A_37] : memref<1x256xf32, #tpu.memory_space<vmem>>, vector<1x256xf32>
    %add3A_39 = vector.broadcast %get3A_38 : vector<1x256xf32> to vector<2000x256xf32>
    %add3A_40 = arith.addf %dot_general3A_35, %add3A_39 : vector<2000x256xf32>
    %max3A_41 = arith.constant 0.000000e+00 : f32
    %max3A_42 = vector.broadcast %max3A_41 : f32 to vector<2000x256xf32>
    %max3A_43 = arith.maximumf %add3A_40, %max3A_42 : vector<2000x256xf32>
    %get3A_44 = arith.constant 0 : index
    %get3A_45 = arith.constant 0 : index
    %get3A_46 = arith.constant 0 : index
    %get3A_47 = vector.load %arg3[%get3A_44, %get3A_45, %get3A_46] : memref<1x1x2000xi32, #tpu.memory_space<vmem>>, vector<1x1x2000xi32>
    %get3A_48 = vector.shape_cast %get3A_47 : vector<1x1x2000xi32> to vector<2000xi32>
    %broadcast_in_dim3A = vector.shape_cast %get3A_48 : vector<2000xi32> to vector<2000x1xi32>
    %iota3A = tpu.iota {dimensions = array<i32: 1>} : vector<2000x128xi32>
    %eq3A = vector.broadcast %broadcast_in_dim3A : vector<2000x1xi32> to vector<2000x128xi32>
    %eq3A_49 = arith.cmpi eq, %eq3A, %iota3A : vector<2000x128xi32>
    %convert_element_type3A = arith.extui %eq3A_49 : vector<2000x128xi1> to vector<2000x128xi32>
    %convert_element_type3A_50 = arith.sitofp %convert_element_type3A : vector<2000x128xi32> to vector<2000x128xf32>
    %dot_general3A_51 = arith.constant dense<0.000000e+00> : vector<128x256xf32>
    %dot_general3A_52 = tpu.matmul %convert_element_type3A_50, %max3A_43, %dot_general3A_51 {dimension_numbers = #tpu.dot_dimension_numbers<[0], [0], [1], [1], [0, 1, 1, 1], [], []>, transpose_lhs_hint = false} : vector<2000x128xf32>, vector<2000x256xf32>, vector<128x256xf32> -> vector<128x256xf32>
    %eq3A_53 = arith.constant 0 : i32
    %eq3A_54 = arith.cmpi eq, %arg0, %eq3A_53 : i32
    %convert_element_type3A_55 = arith.extui %eq3A_54 : i1 to i32
    %cond3A = arith.constant 0 : i32
    %cond3A_56 = arith.cmpi ne, %convert_element_type3A_55, %cond3A : i32
    scf.if %cond3A_56 {
      %broadcast_in_dim3A_68 = arith.constant 0.000000e+00 : f32
      %broadcast_in_dim3A_69 = vector.broadcast %broadcast_in_dim3A_68 : f32 to vector<128x256xf32>
      %swap3A_70 = arith.constant 0 : index
      %swap3A_71 = arith.constant 0 : index
      %swap3A_72 = vector.load %arg11[%swap3A_70, %swap3A_71] : memref<128x256xf32, #tpu.memory_space<vmem>>, vector<128x256xf32>
      tpu.vector_store %arg11[%swap3A_70, %swap3A_71], %broadcast_in_dim3A_69 {strides = array<i32>} : memref<128x256xf32, #tpu.memory_space<vmem>>, vector<128x256xf32>,
    } else {
    }
    %get3A_57 = arith.constant 0 : index
    %get3A_58 = arith.constant 0 : index
    %get3A_59 = vector.load %arg11[%get3A_57, %get3A_58] : memref<128x256xf32, #tpu.memory_space<vmem>>, vector<128x256xf32>
    %add3A_60 = arith.addf %get3A_59, %dot_general3A_52 : vector<128x256xf32>
    %swap3A = arith.constant 0 : index
    %swap3A_61 = arith.constant 0 : index
    %swap3A_62 = vector.load %arg11[%swap3A, %swap3A_61] : memref<128x256xf32, #tpu.memory_space<vmem>>, vector<128x256xf32>
    tpu.vector_store %arg11[%swap3A, %swap3A_61], %add3A_60 {strides = array<i32>} : memref<128x256xf32, #tpu.memory_space<vmem>>, vector<128x256xf32>,
    %eq3A_63 = arith.constant 4 : i32
    %eq3A_64 = arith.cmpi eq, %arg0, %eq3A_63 : i32
    %convert_element_type3A_65 = arith.extui %eq3A_64 : i1 to i32
    %cond3A_66 = arith.constant 0 : i32
    %cond3A_67 = arith.cmpi ne, %convert_element_type3A_65, %cond3A_66 : i32
    scf.if %cond3A_67 {
      %get3A_68 = arith.constant 0 : index
      %get3A_69 = arith.constant 0 : index
      %get3A_70 = vector.load %arg11[%get3A_68, %get3A_69] : memref<128x256xf32, #tpu.memory_space<vmem>>, vector<128x256xf32>
      %get3A_71 = arith.constant 0 : index
      %get3A_72 = arith.constant 0 : index
      %get3A_73 = vector.load %arg8[%get3A_71, %get3A_72] : memref<256x256xf32, #tpu.memory_space<vmem>>, vector<256x256xf32>
      %dot_general3A_74 = arith.constant dense<0.000000e+00> : vector<128x256xf32>
      %dot_general3A_75 = tpu.matmul %get3A_70, %get3A_73, %dot_general3A_74 {dimension_numbers = #tpu.dot_dimension_numbers<[1], [0], [0], [1], [0, 0, 1, 1], [], []>, transpose_lhs_hint = false} : vector<128x256xf32>, vector<256x256xf32>, vector<128x256xf32> -> vector<128x256xf32>
      %get3A_76 = arith.constant 0 : index
      %get3A_77 = arith.constant 0 : index
      %get3A_78 = vector.load %arg9[%get3A_76, %get3A_77] : memref<1x256xf32, #tpu.memory_space<vmem>>, vector<1x256xf32>
      %add3A_79 = vector.broadcast %get3A_78 : vector<1x256xf32> to vector<128x256xf32>
      %add3A_80 = arith.addf %dot_general3A_75, %add3A_79 : vector<128x256xf32>
      %swap3A_81 = arith.constant 0 : index
      %swap3A_82 = arith.constant 0 : index
      %swap3A_83 = vector.load %arg10[%swap3A_81, %swap3A_82] : memref<128x256xf32, #tpu.memory_space<vmem>>, vector<128x256xf32>
      tpu.vector_store %arg10[%swap3A_81, %swap3A_82], %add3A_80 {strides = array<i32>} : memref<128x256xf32, #tpu.memory_space<vmem>>, vector<128x256xf32>,
    } else {
    }
    return
  }
  func.func @transform_0(%arg0: i32) -> (i32, i32, i32) {
    %c0_i32 = arith.constant 0 : i32
    %c0_i32_0 = arith.constant 0 : i32
    %c0_i32_1 = arith.constant 0 : i32
    return %c0_i32, %arg0, %c0_i32_0 : i32, i32, i32
  }
  func.func @transform_1(%arg0: i32) -> (i32, i32, i32) {
    %c0_i32 = arith.constant 0 : i32
    %c0_i32_0 = arith.constant 0 : i32
    %c0_i32_1 = arith.constant 0 : i32
    return %c0_i32, %arg0, %c0_i32_0 : i32, i32, i32
  }
  func.func @transform_2(%arg0: i32) -> (i32, i32, i32) {
    %c0_i32 = arith.constant 0 : i32
    %c0_i32_0 = arith.constant 0 : i32
    %c0_i32_1 = arith.constant 0 : i32
    return %arg0, %c0_i32, %c0_i32_0 : i32, i32, i32
  }
  func.func @transform_3(%arg0: i32) -> (i32, i32) {
    %c0_i32 = arith.constant 0 : i32
    %c0_i32_0 = arith.constant 0 : i32
    %c0_i32_1 = arith.constant 0 : i32
    return %c0_i32, %c0_i32_0 : i32, i32
  }
  func.func @transform_4(%arg0: i32) -> (i32, i32) {
    %c0_i32 = arith.constant 0 : i32
    %c0_i32_0 = arith.constant 0 : i32
    %c0_i32_1 = arith.constant 0 : i32
    return %c0_i32, %c0_i32_0 : i32, i32
  }
  func.func @transform_5(%arg0: i32) -> (i32, i32) {
    %c0_i32 = arith.constant 0 : i32
    %c0_i32_0 = arith.constant 0 : i32
    %c0_i32_1 = arith.constant 0 : i32
    return %c0_i32, %c0_i32_0 : i32, i32
  }
  func.func @transform_6(%arg0: i32) -> (i32, i32) {
    %c0_i32 = arith.constant 0 : i32
    %c0_i32_0 = arith.constant 0 : i32
    %c0_i32_1 = arith.constant 0 : i32
    return %c0_i32, %c0_i32_0 : i32, i32
  }
  func.func @transform_7(%arg0: i32) -> (i32, i32) {
    %c0_i32 = arith.constant 0 : i32
    %c0_i32_0 = arith.constant 0 : i32
    %c0_i32_1 = arith.constant 0 : i32
    return %c0_i32, %c0_i32_0 : i32, i32
  }
  func.func @transform_8(%arg0: i32) -> (i32, i32) {
    %c0_i32 = arith.constant 0 : i32
    %c0_i32_0 = arith.constant 0 : i32
    %c0_i32_1 = arith.constant 0 : i32
    return %c0_i32, %c0_i32_0 : i32, i32
  }
  func.func @transform_9(%arg0: i32) -> (i32, i32) {
    %c0_i32 = arith.constant 0 : i32
    %c0_i32_0 = arith.constant 0 : i32
    %c0_i32_1 = arith.constant 0 : i32
    return %c0_i32, %c0_i32_0 : i32, i32
  }
}

</mosaic_0001>

<sc_bundles>
// kernel: kernel.6.cloned.1.call-start
scs
__scs_entry_jumppad:
0x0: {  	(pc) =	sbr.rel $0x88, $3  }
0x1: {  	(tag) =	ssettag $0x0;
	lr =	simm.s32 $0x1  }
0x2: {  	[smem:$0x3F94] =	sst lr;
	_ =	strace $0xD0000000  }
0x3: {  	_ = 	snop  }
0x4: {  	_ = 	snop  }
0x5: {  	_ = 	snop  }
0x6: {  	_ = 	snop  }
0x7: {  	_ = 	snop  }
__scs_overlays_trampoline_lowered:
0x8: {  	[smem:$0x3FA3] =	sst s0  }
0x9: {  	[smem:$0x3FA4] =	sst s1  }
0xa: {  	[smem:$0x3FA5] =	sst s2  }
0xb: {  	[smem:$0x3FA6] =	sst s3  }
0xc: {  	[smem:$0x3FA7] =	sst s4  }
0xd: {  	[smem:$0x3FA8] =	sst s5  }
0xe: {  	[smem:$0x3FA9] =	sst s6  }
0xf: {  	[smem:$0x3FAA] =	sst s7  }
0x10: {  	[smem:$0x3FAB] =	sst s8  }
0x11: {  	[smem:$0x3FAC] =	sst s9;
	s0 =	simm.s32 @!p0 $0x0  }
0x12: {  	s1 =	sld [smem:$0x3F92];
	s0 =	simm.s32 @p0 $0x1  }
0x13: {  	[smem:$0x3FAD] =	sst s0;
	s0 =	simm.s32 @!p1 $0x0  }
0x14: {  	s2 =	sld [smem:$0x3F91];
	s0 =	simm.s32 @p1 $0x1  }
0x15: {  	[smem:$0x3FAE] =	sst s0;
	s0 =	simm.s32 @!p2 $0x0  }
0x16: {  	s3 =	sld [smem:$0x3FDB];
	s0 =	simm.s32 @p2 $0x1  }
0x17: {  	s4 =	simm.s32 $0x1BF5;
	[smem:$0x3FB0] =	sst s0  }
0x18: {  	s0 =	sld [smem:$0x3F93];
	_ =	swait.ge [sflag:s4], $0x0  }
0x19: {  	s7 =	sld [smem:$0x3F94]  }
0x1a: {  	s8 =	sadd.s32 $0xFFFFE003, lr  }
0x1b: {  	s9 =	sadd.s32 $0xFFFFFEF7, lr;
	s5 =	simm.s32 $0xFFFFFFFF;
	p2 =	slt.u32 s8, $0xFFFFF086  }
0x1c: {  	p1 =	slt.u32 s9, $0xF7A;
	s5 =	simm.s32 @!p2 $0x0  }
0x1d: {  	s5 =	simm.s32 @p1 $0x1;
	p0 =	seq.s32 s7, s2  }
0x1e: {  	s7 =	smul.u32 @!p0 $0xF7A, s2;
	p2 =	seq.s32 @!p0 s5, $0x0  }
0x1f: {  	s9 =	smul.u32 $0xF7A, s1;
	s8 =	simm.s32 @!p0 $0x1BF5;
	p2 =	por !p2, p0  }
0x20: {  	[sflag:s8] =	ssyncset.s32 @!p0 $0xFFFFF086;
	s6 =	sadd.s32 @!p0 s3, s7;
	s7 =	simm.s32 @!p0 $0x108  }
0x21: {  	s3 =	sadd.s32 s3, s9;
	s6 =	sadd.s32 @!p0 $0x88, s6;
	s7 =	simm.s32 @p2 $0x1082  }
0x22: {  	[simem:s7], [sflag:s8] =	dma.local @!p0 [hbm:s6], $0xF7A  }
0x23: {  	s9 =	sor.u32 $0xD0000000, s2;
	s6 =	simm.s32 $0x108;
	_ =	swait.ge @!p0 [sflag:s8], $0x0  }
0x24: {  	s3 =	sadd.s32 $0x88, s3;
	s6 =	simm.s32 @!p1 $0x1082;
	[sflag:s4] =	ssyncset.s32 $0xFFFFF086  }
0x25: {  	[simem:s6], [sflag:s4] =	dma.local [hbm:s3], $0xF7A  }
0x26: {  	[smem:$0x3F94] =	sst s1;
	(tag) =	ssettag s2;
	_ =	strace s9  }
0x27: {  	s1 =	sld [smem:$0x3FA4]  }
0x28: {  	s2 =	sld [smem:$0x3FA5]  }
0x29: {  	s4 =	sld [smem:$0x3FA7]  }
0x2a: {  	p0 =	seq.s32 s5, $0x0;
	s5 =	sld [smem:$0x3FA8]  }
0x2b: {  	s6 =	sld [smem:$0x3FA9]  }
0x2c: {  	s7 =	sld [smem:$0x3FAA]  }
0x2d: {  	s3 =	simm.s32 $0x108;
	s8 =	sld [smem:$0x3FAB]  }
0x2e: {  	s3 =	simm.s32 @!p0 $0x1082;
	s9 =	sld [smem:$0x3FAC]  }
0x2f: {  	lr =	sadd.s32 s0, s3;
	s0 =	sld [smem:$0x3FA3]  }
0x30: {  	s3 =	sld [smem:$0x3FA6]  }
0x31: {  	[smem:$0x3FAF] =	sst s10  }
0x32: {  	s10 =	sld [smem:$0x3FAD];
	_ =	sdelay $0x3  }
0x33: {  	p0 =	seq.s32 s10, $0x1;
	s10 =	sld [smem:$0x3FAF];
	_ =	sdelay $0x3  }
0x34: {  	[smem:$0x3FAF] =	sst s10  }
0x35: {  	s10 =	sld [smem:$0x3FAE];
	_ =	sdelay $0x3  }
0x36: {  	p1 =	seq.s32 s10, $0x1;
	s10 =	sld [smem:$0x3FAF];
	_ =	sdelay $0x3  }
0x37: {  	[smem:$0x3FAF] =	sst s10  }
0x38: {  	s10 =	sld [smem:$0x3FB0]  }
0x39: {  	_ = 	snop;
	(pc) =	sbr.ind lr, $3  }
0x3a: {  	_ = 	snop  }
0x3b: {  	_ = 	snop  }
0x3c: {  	p2 =	seq.s32 s10, $0x1;
	s10 =	sld [smem:$0x3FAF]  }
0x3d: {  	_ =	shalt  }
0x3e: {  	_ =	shalt  }
0x3f: {  	_ =	shalt  }
0x40: {  	_ =	shalt  }
0x41: {  	_ =	shalt  }
0x42: {  	_ =	shalt  }
0x43: {  	_ =	shalt  }
0x44: {  	_ =	shalt  }
0x45: {  	_ =	shalt  }
0x46: {  	_ =	shalt  }
0x47: {  	_ =	shalt  }
0x48: {  	_ =	shalt  }
0x49: {  	_ =	shalt  }
0x4a: {  	_ =	shalt  }
0x4b: {  	_ =	shalt  }
0x4c: {  	_ =	shalt  }
0x4d: {  	_ =	shalt  }
0x4e: {  	_ =	shalt  }
0x4f: {  	_ =	shalt  }
0x50: {  	_ =	shalt  }
0x51: {  	_ =	shalt  }
0x52: {  	_ =	shalt  }
0x53: {  	_ =	shalt  }
0x54: {  	_ =	shalt  }
0x55: {  	_ =	shalt  }
0x56: {  	_ =	shalt  }
0x57: {  	_ =	shalt  }
0x58: {  	_ =	shalt  }
0x59: {  	_ =	shalt  }
0x5a: {  	_ =	shalt  }
0x5b: {  	_ =	shalt  }
0x5c: {  	_ =	shalt  }
0x5d: {  	_ =	shalt  }
0x5e: {  	_ =	shalt  }
0x5f: {  	_ =	shalt  }
0x60: {  	_ =	shalt  }
0x61: {  	_ =	shalt  }
0x62: {  	_ =	shalt  }
0x63: {  	_ =	shalt  }
0x64: {  	_ =	shalt  }
0x65: {  	_ =	shalt  }
0x66: {  	_ =	shalt  }
0x67: {  	_ =	shalt  }
0x68: {  	_ =	shalt  }
0x69: {  	_ =	shalt  }
0x6a: {  	_ =	shalt  }
0x6b: {  	_ =	shalt  }
0x6c: {  	_ =	shalt  }
0x6d: {  	_ =	shalt  }
0x6e: {  	_ =	shalt  }
0x6f: {  	_ =	shalt  }
0x70: {  	_ =	shalt  }
0x71: {  	_ =	shalt  }
0x72: {  	_ =	shalt  }
0x73: {  	_ =	shalt  }
0x74: {  	_ =	shalt  }
0x75: {  	_ =	shalt  }
0x76: {  	_ =	shalt  }
0x77: {  	_ =	shalt  }
0x78: {  	_ =	shalt  }
0x79: {  	_ =	shalt  }
0x7a: {  	_ =	shalt  }
0x7b: {  	_ =	shalt  }
0x7c: {  	_ =	shalt  }
0x7d: {  	_ =	shalt  }
0x7e: {  	_ =	shalt  }
0x7f: {  	_ =	shalt  }
0x80: {  	_ =	shalt  }
0x81: {  	_ =	shalt  }
0x82: {  	_ =	shalt  }
0x83: {  	_ =	shalt  }
0x84: {  	_ =	shalt  }
0x85: {  	_ =	shalt  }
0x86: {  	_ =	shalt  }
0x87: {  	_ =	shalt  }
.Lfunc_end0:
.L_simem_size_0:
called_computation_lowered:
.L_overlay_start_0:
0x88: {  	s2 =	sld [smem:$0x3FD9]  }
0x89: {  	s3 =	sld [smem:$0x3FFE];
	_ =	sdelay $0x1  }
0x8a: {  	s1 =	srdreg.scid  }
0x8b: {  	s0 =	sand.u32 $0x1, s1  }
0x8c: {  	s17 =	sshll.u32 s0, $0xA;
	s2 =	sadd.s32 s3, s2  }
0x8d: {  	s2 =	sadd.s32 s2, s17  }
0x8e: {  	[smem:$0x3FBB] =	sst s2  }
0x8f: {  	_ = 	snop  }
0x90: {  	s2 =	sld [smem:$0x3FC9];
	(tm) =	ssettm $0x1  }
0x91: {  	s18 =	sld [smem:$0x3FFB];
	_ =	sdelay $0x3  }
0x92: {  	_ =	strace s18  }
0x93: {  	s3 =	sld [smem:$0x3FFC];
	_ =	sdelay $0x3  }
0x94: {  	_ =	strace s3  }
0x95: {  	s3 =	sld [smem:$0x3FFD];
	_ =	sdelay $0x3  }
0x96: {  	_ =	strace s3  }
0x97: {  	_ =	strace $0x8FFFFFFF  }
0x98: {  	s19 =	sld [smem:$0x3FDB];
	_ =	sdelay $0x1  }
0x99: {  	s4 =	simm.s32 $_scs_section_size  }
0x9a: {  	s5 =	simm.s32 $_size__tile_overlayer_lowered;
	s6 =	simm.s32 $_tile_overlayer_lowered  }
0x9b: {  	s22 =	simm.s32 $0x1BFF;
	s21 =	sshll.u32 s6, $0x1;
	s3 =	sadd.s32 s4, s19  }
0x9c: {  	s7 =	simm.s32 $0x0;
	s20 =	sshll.u32 s5, $0x1;
	s5 =	sadd.s32 s21, s3  }
0x9d: {  	[timem:s7], [sflag:s22] =	dma.local [hbm:s5], s20  }
0x9e: {  	_ =	swait.ge [sflag:s22], s20  }
0x9f: {  	s4 =	ssub.s32 $0x0, s20;
	[sflag:s22] =	ssyncset.done $0x0  }
0xa0: {  	[sflag:s22] =	ssyncadd.s32 s4;
	_ =	sdelay $0x1  }
0xa1: {  	s23 =	simm.s32 $0x1B8B  }
0xa2: {  	_ =	swait.ge [sflag:s23], $0x1  }
0xa3: {  	[sflag:s23] =	ssyncset.done $0x0  }
0xa4: {  	s25 =	simm.s32 $0x1B8E;
	s24 =	sld [smem:$0x3FFE];
	[sflag:s23] =	ssyncadd.s32 $0xFFFFFFFF  }
0xa5: {  	s26 =	simm.s32 $execute0_lowered;
	[smem:$0x3FD2] =	sst s25  }
0xa6: {  	s5 =	sshll.u32 s26, $0x1;
	_ =	strace $0x80000046;
	[dreg:$0x1] =	wrdreg $0xFFFFFFFF  }
0xa7: {  	s28 =	simm.s32 $_size_execute0_lowered;
	s3 =	sadd.s32 s3, s5;
	[dreg:$0x0] =	wrdreg $0x0  }
0xa8: {  	s5 =	sshll.u32 s28, $0x1;
	[dreg:$0x2] =	wrdreg s3  }
0xa9: {  	[dreg:$0x3] =	wrdreg s5  }
0xaa: {  	[dreg:$0x4] =	wrdreg $0xC0  }
0xab: {  	_ =	task [dreg:s7], $0x5FFFF  }
0xac: {  	[dreg:$0x1] =	wrdreg $0xFFFFFFFF  }
0xad: {  	[dreg:$0x0] =	wrdreg $0x60  }
0xae: {  	[dreg:$0x2] =	wrdreg s2  }
0xaf: {  	[dreg:$0x3] =	wrdreg s24  }
0xb0: {  	[dreg:$0x4] =	wrdreg $0x90000  }
0xb1: {  	[dreg:$0x5] =	wrdreg $0x9  }
0xb2: {  	_ =	task.clear_ibuf [dreg:s7], $0x6FFFF;
	_ =	strace $0x90000046  }
0xb3: {  	s29 =	simm.s32 $0x9;
	_ =	strace $0x80000048  }
0xb4: {  	_ =	swait.ge [sflag:s29], $0x1  }
0xb5: {  	[sflag:s29] =	ssyncadd.s32 $0xFFFFFFFF  }
0xb6: {  	_ =	strace $0x90000048  }
0xb7: {  	_ =	sfence  }
0xb8: {  	s30 =	sld [smem:$0x0];
	_ =	sdelay $0x2  }
0xb9: {  	s31 =	sshll.u32 s1, $0xD;
	s1 =	sshrl.u32 s1, $0x2  }
0xba: {  	s3 =	sand.u32 $0x4000, s31;
	s1 =	sadd.s32 s1, s30  }
0xbb: {  	s0 =	sor.u32 s3, s0;
	s1 =	sshll.u32 s1, $0x11  }
0xbc: {  	s0 =	sor.u32 s1, s0  }
0xbd: {  	s0 =	sadd.s32 $0x8F2B, s0  }
0xbe: {  	[sflag:s0] =	ssyncadd.remote.s32 $0x1  }
0xbf: {  	_ =	sfence.sel $0xFFFF  }
0xc0: {  	[dreg:$0x0] =	wrdreg $0xFFFFFFFF;
	(pc) =	sbr.abs _section_cstart, $3  }
0xc1: {  	[dreg:$0x1] =	wrdreg $0xFFFFFFFF  }
0xc2: {  	_ =	task.clear_ibuf [dreg:s7], $0x2FFFF;
	_ =	strace $0x9FFFFFFF  }
0xc3: {  	(tm) =	ssettm $0x7FFFFFFF  }
tec
execute0_lowered:
.L_overlay_start_1:
0x0: {  	(tag) =	ssettag $0x1  }
0x1: {  	s1 =	rddreg [dreg:$0x0]  }
0x2: {  	s0 =	rddreg [dreg:$0x1]  }
0x3: {  	s2 =	rddreg [dreg:$0x2];
	s3 =	simm.s32 $0x0  }
0x4: {  	s4 =	srdreg.scid;
	s13 =	stileid.u32;
	s18 =	simm.s32 $0x400  }
0x5: {  	s19 =	simm.s32 $0xC00;
	s21 =	simm.s32 $0x80;
	s29 =	simm.s32 $0x2  }
0x6: {  	s30 =	simm.s32 $0x580;
	s31 =	simm.s32 $0xD00;
	s17 =	simm.s32 $0x0  }
0x7: {  	[smem:$0x7FF] =	sst s3;
	s5 =	sadd.s32 $0x2600, s0;
	s7 =	smul.u32 $0x2780, s13  }
0x8: {  	s4 =	sand.u32 $0x1, s4;
	s6 =	sadd.s32 $0xC600, s0;
	s22 =	smul.u32 $0x4F000, s13  }
0x9: {  	s26 =	smul.u32 $0x500, s13;
	s16 =	sadd.s32 $0x2780, s0;
	_ =	strace $0x80000047  }
0xa: {  	s8 =	sshll.u32 s4, $0x4;
	s9 =	smul.u32 $0x27800, s4;
	s10 =	ssub.s32 $0x2, s4  }
0xb: {  	s4 =	smul.u32 $0x5000, s4;
	s8 =	sor.u32 s13, s8;
	s11 =	sadd.s32 s7, s0  }
0xc: {  	s12 =	sshrl.u32 s10, $0x1;
	s13 =	simm.s32 $0x4;
	s8 =	smul.u32 $0x500, s8  }
0xd: {  	s9 =	sadd.s32 s9, s0;
	s10 =	ssub.s32 s10, s12;
	s12 =	sshrl.u32 s22, $0x2  }
0xe: {  	s11 =	sadd.s32 $0x16600, s11;
	s4 =	sadd.s32 s26, s4;
	s22 =	simm.s32 $0x1000  }
0xf: {  	s26 =	simm.s32 $0x1;
	s25 =	sadd.s32 s12, s2;
	[dreg:$0x9] =	wrdreg s11  }
0x10: {  	s9 =	sadd.s32 $0x3DE00, s9;
	s10 =	smax.u32 s10, $0x1;
	[dreg:$0xb] =	wrdreg s4  }
0x11: {  	s4 =	simm.s32 $0xD80;
	s11 =	simm.s32 $0x780;
	s12 =	simm.s32 $0xF80  }
0x12: {  	s14 =	sadd.s32 s5, s8;
	s23 =	sadd.s32 s6, s8;
	[dreg:$0x8] =	wrdreg s25  }
0x13: {  	s8 =	sor.u32 $0x80, s8;
	[dreg:$0xa] =	wrdreg s10;
	s28 =	sadd.s32 s7, s9  }
0x14: {  	s25 =	simm.s32 $0x5;
	s7 =	simm.s32 $0x680;
	[dreg:$0x4] =	wrdreg s14  }
0x15: {  	s9 =	simm.s32 $0x700;
	s10 =	simm.s32 $0xE80;
	[dreg:$0x5] =	wrdreg s23  }
0x16: {  	s24 =	sadd.s32 s5, s8;
	s8 =	sadd.s32 s6, s8;
	[dreg:$0xc] =	wrdreg s28  }
0x17: {  	s14 =	sadd.s32 $0xC780, s0;
	s23 =	simm.s32 $0x5000;
	[dreg:$0x6] =	wrdreg s24  }
0x18: {  	s0 =	simm.s32 $0x600;
	[dreg:$0x7] =	wrdreg s8;
	s8 =	simm.s32 $0xE00  }
.LBB2_1:
0x19: {  	[dreg:$0xd] =	wrdreg s17  }
0x1a: {  	s15 =	rddreg [dreg:$0x4]  }
0x1b: {  	[tilespmem:s3], [sflag:$0x3] =	stream.linear.gather [hbm4b:s15+s3], $0x400, $0x38;
	[tilespmem:$0x1CC00] =	vst v63  }
0x1c: {  	s17 =	rddreg [dreg:$0x5];
	s20 =	simm.s32 $0x800  }
0x1d: {  	[tilespmem:s20], [sflag:$0x3] =	stream.linear.gather [hbm4b:s17+s3], $0x400, $0x38;
	[tilespmem:$0x1CC00] =	vst v63  }
0x1e: {  	s24 =	rddreg [dreg:$0x6]  }
0x1f: {  	[tilespmem:s18], [sflag:$0x4] =	stream.linear.gather [hbm4b:s24+s3], $0x400, $0x38;
	[tilespmem:$0x1CC00] =	vst v63  }
0x20: {  	s28 =	rddreg [dreg:$0x7];
	s17 =	simm.s32 $0x3  }
0x21: {  	[tilespmem:s19], [sflag:$0x4] =	stream.linear.gather [hbm4b:s28+s3], $0x400, $0x38;
	[tilespmem:$0x1CC00] =	vst v63  }
0x22: {  	_ =	swait.ge [sflag:s17], $0x400  }
0x23: {  	[sflag:s17] =	ssyncset.done $0x0  }
0x24: {  	[sflag:s17] =	ssyncadd.s32 $0xFFFFFC00  }
0x25: {  	s20 =	stileid.u32;
	_ =	swait.ge [sflag:s17], $0x400  }
0x26: {  	s15 =	sshll.u32 s20, $0x6;
	[sflag:s17] =	ssyncset.done $0x0;
	s24 =	rddreg [dreg:$0x8]  }
0x27: {  	s28 =	rddreg [dreg:$0x9];
	[sflag:s17] =	ssyncadd.s32 $0xFFFFFC00;
	s17 =	sor.u32 $0x1C05, s15  }
0x28: {  	[tilespmem:s22], [sflag:$0x1] =	stream.indirect.gather [hbm4b:s1+s21], $0x80, s3, s21, $0xb8;
	[tilespmem:$0x1CC00] =	vst v63  }
0x29: {  	s20 =	sshrl.u32 s24, $0x3;
	[dreg:$0xe] =	wrdreg s17  }
0x2a: {  	[dreg:$0xf] =	wrdreg s20  }
0x2b: {  	[tilespmem:s23], [sflag:$0x2] =	stream.indirect.gather [hbm4b:s1+s21], $0x80, s21, s21, $0xb8;
	[tilespmem:$0x1CC00] =	vst v63  }
0x2c: {  	[spmem:s20], [sflag:s17] =	dma.local [hbm:s28], $0x2780  }
.Ltmp0:
0x2d: {  	_ =	swait.ge [sflag:s25], $0x2780;
	(pc) =	sbr.rel .LBB2_2-.Ltmp0, $4  }
0x2e: {  	[sflag:s25] =	ssyncset.done $0x0  }
0x2f: {  	[sflag:s25] =	ssyncadd.s32 $0xFFFFD880  }
0x30: {  	[bflag:$0x0] =	sbarrier.arrive $0xFFFF  }
0x31: {  	s24 =	simm.s32 $0x0;
	s15 =	rddreg [dreg:$0xb]  }
.LBB2_3:
0x32: {  	[tilespmem:s23], [sflag:$0x2] =	stream.indirect.gather [hbm4b:s1+s21], $0x80, s21, s21, $0xb8;
	[tilespmem:$0x1CC00] =	vst v63  }
.LBB2_5:
0x33: {  	s17 =	sadd.s32 s15, s16  }
0x34: {  	[tilespmem:s18], [sflag:$0x4] =	stream.linear.gather [hbm4b:s17+s3], $0x400, $0x38;
	[tilespmem:$0x1CC00] =	vst v63  }
0x35: {  	s28 =	sadd.s32 s15, s14;
	s24 =	sadd.s32 $0x1, s24;
	s15 =	sadd.s32 $0x100, s15  }
0x36: {  	[tilespmem:s19], [sflag:$0x4] =	stream.linear.gather [hbm4b:s28+s3], $0x400, $0x38;
	[tilespmem:$0x1CC00] =	vst v63  }
.LBB2_2:
0x37: {  	_ =	swait.ge [sflag:s26], $0x4000  }
0x38: {  	[sflag:s26] =	ssyncset.done $0x0  }
0x39: {  	s17 =	simm.s32 $0x800;
	[sflag:s26] =	ssyncadd.s32 $0xFFFFC000  }
0x3a: {  	[spmem:s2] =	stream.indirect.scatter.add.f32 [tilespmem:s22], [sflag:$0x5], $0x80, s17, s21, $0xb8;
	[tilespmem:$0x1CC00] =	vst v63  }
0x3b: {  	_ =	swait.ge [sflag:s25], $0x4000  }
0x3c: {  	[sflag:s25] =	ssyncset.done $0x0  }
0x3d: {  	s20 =	simm.s32 $0x100;
	[sflag:s25] =	ssyncadd.s32 $0xFFFFC000  }
0x3e: {  	[tilespmem:s22], [sflag:$0x1] =	stream.indirect.gather [hbm4b:s1+s21], $0x80, s20, s21, $0xb8;
	[tilespmem:$0x1CC00] =	vst v63  }
0x3f: {  	_ =	swait.ge [sflag:s29], $0x4000  }
0x40: {  	[sflag:s29] =	ssyncset.done $0x0  }
0x41: {  	s28 =	simm.s32 $0x880;
	[sflag:s29] =	ssyncadd.s32 $0xFFFFC000  }
0x42: {  	[spmem:s2] =	stream.indirect.scatter.add.f32 [tilespmem:s23], [sflag:$0x5], $0x80, s28, s21, $0xb8;
	[tilespmem:$0x1CC00] =	vst v63  }
0x43: {  	_ =	swait.ge [sflag:s25], $0x4000  }
0x44: {  	[sflag:s25] =	ssyncset.done $0x0  }
0x45: {  	s20 =	simm.s32 $0x180;
	[sflag:s25] =	ssyncadd.s32 $0xFFFFC000  }
0x46: {  	[tilespmem:s23], [sflag:$0x2] =	stream.indirect.gather [hbm4b:s1+s21], $0x80, s20, s21, $0xb8;
	[tilespmem:$0x1CC00] =	vst v63  }
0x47: {  	_ =	swait.ge [sflag:s26], $0x4000  }
0x48: {  	[sflag:s26] =	ssyncset.done $0x0  }
0x49: {  	s28 =	simm.s32 $0x900;
	[sflag:s26] =	ssyncadd.s32 $0xFFFFC000  }
0x4a: {  	[spmem:s2] =	stream.indirect.scatter.add.f32 [tilespmem:s22], [sflag:$0x5], $0x80, s28, s21, $0xb8;
	[tilespmem:$0x1CC00] =	vst v63  }
0x4b: {  	_ =	swait.ge [sflag:s25], $0x4000  }
0x4c: {  	[sflag:s25] =	ssyncset.done $0x0  }
0x4d: {  	s20 =	simm.s32 $0x200;
	[sflag:s25] =	ssyncadd.s32 $0xFFFFC000  }
0x4e: {  	[tilespmem:s22], [sflag:$0x1] =	stream.indirect.gather [hbm4b:s1+s21], $0x80, s20, s21, $0xb8;
	[tilespmem:$0x1CC00] =	vst v63  }
0x4f: {  	_ =	swait.ge [sflag:s29], $0x4000  }
0x50: {  	[sflag:s29] =	ssyncset.done $0x0  }
0x51: {  	s28 =	simm.s32 $0x980;
	[sflag:s29] =	ssyncadd.s32 $0xFFFFC000  }
0x52: {  	[spmem:s2] =	stream.indirect.scatter.add.f32 [tilespmem:s23], [sflag:$0x5], $0x80, s28, s21, $0xb8;
	[tilespmem:$0x1CC00] =	vst v63  }
0x53: {  	_ =	swait.ge [sflag:s25], $0x4000  }
0x54: {  	[sflag:s25] =	ssyncset.done $0x0  }
0x55: {  	s20 =	simm.s32 $0x280;
	[sflag:s25] =	ssyncadd.s32 $0xFFFFC000  }
0x56: {  	[tilespmem:s23], [sflag:$0x2] =	stream.indirect.gather [hbm4b:s1+s21], $0x80, s20, s21, $0xb8;
	[tilespmem:$0x1CC00] =	vst v63  }
0x57: {  	_ =	swait.ge [sflag:s26], $0x4000  }
0x58: {  	[sflag:s26] =	ssyncset.done $0x0  }
0x59: {  	s28 =	simm.s32 $0xA00;
	[sflag:s26] =	ssyncadd.s32 $0xFFFFC000  }
0x5a: {  	[spmem:s2] =	stream.indirect.scatter.add.f32 [tilespmem:s22], [sflag:$0x5], $0x80, s28, s21, $0xb8;
	[tilespmem:$0x1CC00] =	vst v63  }
0x5b: {  	_ =	swait.ge [sflag:s25], $0x4000  }
0x5c: {  	[sflag:s25] =	ssyncset.done $0x0  }
0x5d: {  	s20 =	simm.s32 $0x300;
	[sflag:s25] =	ssyncadd.s32 $0xFFFFC000  }
0x5e: {  	[tilespmem:s22], [sflag:$0x1] =	stream.indirect.gather [hbm4b:s1+s21], $0x80, s20, s21, $0xb8;
	[tilespmem:$0x1CC00] =	vst v63  }
0x5f: {  	_ =	swait.ge [sflag:s29], $0x4000  }
0x60: {  	[sflag:s29] =	ssyncset.done $0x0  }
0x61: {  	s28 =	simm.s32 $0xA80;
	[sflag:s29] =	ssyncadd.s32 $0xFFFFC000  }
0x62: {  	[spmem:s2] =	stream.indirect.scatter.add.f32 [tilespmem:s23], [sflag:$0x5], $0x80, s28, s21, $0xb8;
	[tilespmem:$0x1CC00] =	vst v63  }
0x63: {  	_ =	swait.ge [sflag:s25], $0x4000  }
0x64: {  	[sflag:s25] =	ssyncset.done $0x0  }
0x65: {  	s20 =	simm.s32 $0x380;
	[sflag:s25] =	ssyncadd.s32 $0xFFFFC000  }
0x66: {  	[tilespmem:s23], [sflag:$0x2] =	stream.indirect.gather [hbm4b:s1+s21], $0x80, s20, s21, $0xb8;
	[tilespmem:$0x1CC00] =	vst v63  }
0x67: {  	_ =	swait.ge [sflag:s13], $0x400  }
0x68: {  	[sflag:s13] =	ssyncset.done $0x0  }
0x69: {  	[sflag:s13] =	ssyncadd.s32 $0xFFFFFC00  }
0x6a: {  	_ =	swait.ge [sflag:s13], $0x400  }
0x6b: {  	[sflag:s13] =	ssyncset.done $0x0  }
0x6c: {  	[sflag:s13] =	ssyncadd.s32 $0xFFFFFC00  }
0x6d: {  	_ =	swait.ge [sflag:s26], $0x4000  }
0x6e: {  	[sflag:s26] =	ssyncset.done $0x0  }
0x6f: {  	s28 =	simm.s32 $0xB00;
	[sflag:s26] =	ssyncadd.s32 $0xFFFFC000  }
0x70: {  	[spmem:s2] =	stream.indirect.scatter.add.f32 [tilespmem:s22], [sflag:$0x5], $0x80, s28, s21, $0xb8;
	[tilespmem:$0x1CC00] =	vst v63  }
0x71: {  	_ =	swait.ge [sflag:s25], $0x4000  }
0x72: {  	[sflag:s25] =	ssyncset.done $0x0  }
0x73: {  	[sflag:s25] =	ssyncadd.s32 $0xFFFFC000  }
0x74: {  	[tilespmem:s22], [sflag:$0x1] =	stream.indirect.gather [hbm4b:s1+s21], $0x80, s18, s21, $0xb8;
	[tilespmem:$0x1CC00] =	vst v63  }
0x75: {  	_ =	swait.ge [sflag:s29], $0x4000  }
0x76: {  	[sflag:s29] =	ssyncset.done $0x0  }
0x77: {  	s20 =	simm.s32 $0xB80;
	[sflag:s29] =	ssyncadd.s32 $0xFFFFC000  }
0x78: {  	[spmem:s2] =	stream.indirect.scatter.add.f32 [tilespmem:s23], [sflag:$0x5], $0x80, s20, s21, $0xb8;
	[tilespmem:$0x1CC00] =	vst v63  }
0x79: {  	p0 =	seq.s32 s24, $0x4;
	_ =	swait.ge [sflag:s25], $0x4000  }
0x7a: {  	s20 =	sadd.s32 @!p0 $0x100, s15;
	[sflag:s25] =	ssyncset.done $0x0  }
0x7b: {  	s28 =	simm.s32 $0x480;
	s20 =	sand.u32 @!p0 $0x1FFFFF00, s20;
	[sflag:s25] =	ssyncadd.s32 $0xFFFFC000  }
0x7c: {  	[tilespmem:s23], [sflag:$0x2] =	stream.indirect.gather [hbm4b:s1+s21], $0x80, s28, s21, $0xb8;
	[tilespmem:$0x1CC00] =	vst v63  }
0x7d: {  	s17 =	sadd.s32 @!p0 s5, s20;
	s28 =	simm.s32 @!p0 $0x0  }
0x7e: {  	[tilespmem:s28], [sflag:$0x3] =	stream.linear.gather @!p0 [hbm4b:s17+s28], $0x400, $0x38;
	[tilespmem:$0x1CC00] =	vst v63  }
0x7f: {  	s17 =	sadd.s32 @!p0 s6, s20;
	s20 =	simm.s32 @!p0 $0x800  }
0x80: {  	[tilespmem:s20], [sflag:$0x3] =	stream.linear.gather @!p0 [hbm4b:s17+s28], $0x400, $0x38;
	[tilespmem:$0x1CC00] =	vst v63  }
0x81: {  	_ =	swait.ge [sflag:s26], $0x4000  }
0x82: {  	[sflag:s26] =	ssyncset.done $0x0  }
0x83: {  	[sflag:s26] =	ssyncadd.s32 $0xFFFFC000  }
0x84: {  	[spmem:s2] =	stream.indirect.scatter.add.f32 [tilespmem:s22], [sflag:$0x5], $0x80, s19, s21, $0xb8;
	[tilespmem:$0x1CC00] =	vst v63  }
0x85: {  	_ =	swait.ge [sflag:s25], $0x4000  }
0x86: {  	[sflag:s25] =	ssyncset.done $0x0  }
0x87: {  	s20 =	simm.s32 $0x500;
	[sflag:s25] =	ssyncadd.s32 $0xFFFFC000  }
0x88: {  	[tilespmem:s22], [sflag:$0x1] =	stream.indirect.gather [hbm4b:s1+s21], $0x80, s20, s21, $0xb8;
	[tilespmem:$0x1CC00] =	vst v63  }
0x89: {  	_ =	swait.ge [sflag:s29], $0x4000  }
0x8a: {  	[sflag:s29] =	ssyncset.done $0x0  }
0x8b: {  	s28 =	simm.s32 $0xC80;
	[sflag:s29] =	ssyncadd.s32 $0xFFFFC000  }
0x8c: {  	[spmem:s2] =	stream.indirect.scatter.add.f32 [tilespmem:s23], [sflag:$0x5], $0x80, s28, s21, $0xb8;
	[tilespmem:$0x1CC00] =	vst v63  }
0x8d: {  	_ =	swait.ge [sflag:s25], $0x4000  }
0x8e: {  	[sflag:s25] =	ssyncset.done $0x0  }
0x8f: {  	[sflag:s25] =	ssyncadd.s32 $0xFFFFC000  }
0x90: {  	[tilespmem:s23], [sflag:$0x2] =	stream.indirect.gather [hbm4b:s1+s21], $0x80, s30, s21, $0xb8;
	[tilespmem:$0x1CC00] =	vst v63  }
0x91: {  	_ =	swait.ge [sflag:s26], $0x4000  }
0x92: {  	[sflag:s26] =	ssyncset.done $0x0  }
0x93: {  	[sflag:s26] =	ssyncadd.s32 $0xFFFFC000  }
0x94: {  	[spmem:s2] =	stream.indirect.scatter.add.f32 [tilespmem:s22], [sflag:$0x5], $0x80, s31, s21, $0xb8;
	[tilespmem:$0x1CC00] =	vst v63  }
0x95: {  	_ =	swait.ge [sflag:s25], $0x4000  }
0x96: {  	[sflag:s25] =	ssyncset.done $0x0  }
0x97: {  	[sflag:s25] =	ssyncadd.s32 $0xFFFFC000  }
0x98: {  	[tilespmem:s22], [sflag:$0x1] =	stream.indirect.gather [hbm4b:s1+s21], $0x80, s0, s21, $0xb8;
	[tilespmem:$0x1CC00] =	vst v63  }
0x99: {  	_ =	swait.ge [sflag:s29], $0x4000  }
0x9a: {  	[sflag:s29] =	ssyncset.done $0x0  }
0x9b: {  	[sflag:s29] =	ssyncadd.s32 $0xFFFFC000  }
0x9c: {  	[spmem:s2] =	stream.indirect.scatter.add.f32 [tilespmem:s23], [sflag:$0x5], $0x80, s4, s21, $0xb8;
	[tilespmem:$0x1CC00] =	vst v63  }
0x9d: {  	_ =	swait.ge [sflag:s25], $0x4000  }
0x9e: {  	[sflag:s25] =	ssyncset.done $0x0  }
0x9f: {  	[sflag:s25] =	ssyncadd.s32 $0xFFFFC000  }
0xa0: {  	[tilespmem:s23], [sflag:$0x2] =	stream.indirect.gather [hbm4b:s1+s21], $0x80, s7, s21, $0xb8;
	[tilespmem:$0x1CC00] =	vst v63  }
0xa1: {  	_ =	swait.ge [sflag:s26], $0x4000  }
0xa2: {  	[sflag:s26] =	ssyncset.done $0x0  }
0xa3: {  	[sflag:s26] =	ssyncadd.s32 $0xFFFFC000  }
0xa4: {  	[spmem:s2] =	stream.indirect.scatter.add.f32 [tilespmem:s22], [sflag:$0x5], $0x80, s8, s21, $0xb8;
	[tilespmem:$0x1CC00] =	vst v63  }
0xa5: {  	_ =	swait.ge [sflag:s25], $0x4000  }
0xa6: {  	[sflag:s25] =	ssyncset.done $0x0  }
0xa7: {  	[sflag:s25] =	ssyncadd.s32 $0xFFFFC000  }
0xa8: {  	[tilespmem:s22], [sflag:$0x1] =	stream.indirect.gather [hbm4b:s1+s21], $0x80, s9, s21, $0xb8;
	[tilespmem:$0x1CC00] =	vst v63  }
0xa9: {  	_ =	swait.ge [sflag:s29], $0x4000  }
0xaa: {  	[sflag:s29] =	ssyncset.done $0x0  }
0xab: {  	[sflag:s29] =	ssyncadd.s32 $0xFFFFC000  }
0xac: {  	[spmem:s2] =	stream.indirect.scatter.add.f32 [tilespmem:s23], [sflag:$0x5], $0x80, s10, s21, $0xb8;
	[tilespmem:$0x1CC00] =	vst v63  }
0xad: {  	_ =	swait.ge [sflag:s25], $0x4000  }
0xae: {  	p1 =	sgt.u32 s24, $0x3;
	[sflag:s25] =	ssyncset.done $0x0  }
0xaf: {  	s17 =	simm.s32 @p1 $0x1;
	[sflag:s25] =	ssyncadd.s32 $0xFFFFC000  }
0xb0: {  	[tilespmem:s23], [sflag:$0x2] =	stream.indirect.gather [hbm4b:s1+s21], $0x80, s11, s21, $0xb8;
	[tilespmem:$0x1CC00] =	vst v63  }
0xb1: {  	_ =	swait.ge @p1 [sflag:s17], $0x4000  }
0xb2: {  	s20 =	simm.s32 @p1 $0xF00;
	[sflag:s17] =	ssyncset.done @p1 $0x0  }
0xb3: {  	s28 =	simm.s32 @p1 $0x1000;
	[sflag:s17] =	ssyncadd.s32 @p1 $0xFFFFC000;
	s17 =	simm.s32 @p1 $0x80  }
0xb4: {  	[spmem:s2] =	stream.indirect.scatter.add.f32 @p1 [tilespmem:s28], [sflag:$0x5], $0x80, s20, s17, $0xb8;
	[tilespmem:$0x1CC00] =	vst v63  }
0xb5: {  	s17 =	simm.s32 @p1 $0x5  }
0xb6: {  	_ =	swait.ge @p1 [sflag:s17], $0x4000  }
0xb7: {  	[sflag:s17] =	ssyncset.done @p1 $0x0  }
0xb8: {  	[sflag:s17] =	ssyncadd.s32 @p1 $0xFFFFC000;
	s17 =	simm.s32 @!p1 $0x3  }
0xb9: {  	_ =	swait.ge @!p1 [sflag:s17], $0x400  }
0xba: {  	[sflag:s17] =	ssyncset.done @!p1 $0x0  }
0xbb: {  	[sflag:s17] =	ssyncadd.s32 @!p1 $0xFFFFFC00  }
0xbc: {  	_ =	swait.ge @!p1 [sflag:s17], $0x400  }
0xbd: {  	[sflag:s17] =	ssyncset.done @!p1 $0x0  }
0xbe: {  	[sflag:s17] =	ssyncadd.s32 @!p1 $0xFFFFFC00;
	s17 =	simm.s32 @!p1 $0x1  }
0xbf: {  	_ =	swait.ge @!p1 [sflag:s17], $0x4000  }
0xc0: {  	s20 =	simm.s32 @!p1 $0xF00;
	[sflag:s17] =	ssyncset.done @!p1 $0x0  }
0xc1: {  	s28 =	simm.s32 @!p1 $0x1000;
	[sflag:s17] =	ssyncadd.s32 @!p1 $0xFFFFC000;
	s17 =	simm.s32 @!p1 $0x80  }
0xc2: {  	[spmem:s2] =	stream.indirect.scatter.add.f32 @!p1 [tilespmem:s28], [sflag:$0x5], $0x80, s20, s17, $0xb8;
	[tilespmem:$0x1CC00] =	vst v63  }
0xc3: {  	s20 =	simm.s32 @!p1 $0x5  }
0xc4: {  	_ =	swait.ge @!p1 [sflag:s20], $0x4000  }
0xc5: {  	[sflag:s20] =	ssyncset.done @!p1 $0x0  }
0xc6: {  	[sflag:s20] =	ssyncadd.s32 @!p1 $0xFFFFC000;
	s20 =	simm.s32 @!p1 $0x0  }
0xc7: {  	[tilespmem:s28], [sflag:$0x1] =	stream.indirect.gather @!p1 [hbm4b:s1+s17], $0x80, s20, s17, $0xb8;
	[tilespmem:$0x1CC00] =	vst v63  }
0xc8: {  	_ =	swait.ge [sflag:s29], $0x4000  }
0xc9: {  	[sflag:s29] =	ssyncset.done $0x0  }
.Ltmp1:
0xca: {  	[sflag:s29] =	ssyncadd.s32 $0xFFFFC000;
	(pc) =	sbr.rel @!p1 .LBB2_3-.Ltmp1, $4  }
0xcb: {  	[spmem:s2] =	stream.indirect.scatter.add.f32 [tilespmem:s23], [sflag:$0x5], $0x80, s12, s21, $0xb8;
	[tilespmem:$0x1CC00] =	vst v63  }
0xcc: {  	_ =	swait.ge [sflag:s25], $0x4000  }
0xcd: {  	[sflag:s25] =	ssyncset.done $0x0  }
0xce: {  	[sflag:s25] =	ssyncadd.s32 $0xFFFFC000  }
.Ltmp2:
0xcf: {  	(pc) =	sbr.rel @!p0 .LBB2_5-.Ltmp2, $1  }
0xd0: {  	_ =	sdelay $0x3  }
0xd1: {  	[bflag:$0x0] =	sbarrier.arrive $0xFFFF  }
0xd2: {  	s15 =	rddreg [dreg:$0xc]  }
0xd3: {  	s17 =	rddreg [dreg:$0xe]  }
0xd4: {  	s20 =	rddreg [dreg:$0xf]  }
0xd5: {  	[hbm:s15], [sflag:s17] =	dma.local [spmem:s20], $0x2780  }
0xd6: {  	_ =	swait.ge [sflag:s25], $0x2780  }
0xd7: {  	s24 =	rddreg [dreg:$0xd]  }
0xd8: {  	s28 =	rddreg [dreg:$0xa];
	s17 =	sadd.s32 $0x1, s24  }
0xd9: {  	p0 =	sne.s32 s17, s28  }
.Ltmp3:
0xda: {  	_ = 	snop;
	(pc) =	sbr.rel @p0 .LBB2_1-.Ltmp3, $3  }
0xdb: {  	_ =	sdelay $0x1  }
0xdc: {  	[sflag:s25] =	ssyncset.done $0x0  }
0xdd: {  	[sflag:s25] =	ssyncadd.s32 $0xFFFFD880  }
0xde: {  	_ =	sfence.sel $0x180000  }
0xdf: {  	[bflag:$0x0] =	sbarrier.arrive $0xFFFF  }
0xe0: {  	_ =	strace $0x90000047  }
0xe1: {  	s0 =	stileid.u32;
	[bflag:$0x2] =	sbarrier.arrive $0xFFFF  }
0xe2: {  	p0 =	sne.s32 s0, $0x0;
	s0 =	rddreg [dreg:$0x3]  }
0xe3: {  	s0 =	sadd.s32 @!p0 $0x100000, s0  }
0xe4: {  	[sflag:s0] =	ssyncadd.tile.s32 @!p0 $0x1;
	_ =	shalt  }
.Lfunc_end2:
_tile_overlayer_lowered:
.L_overlay_start_2:
0xe5: {  	(tag) =	ssettag $0x2  }
0xe6: {  	s0 =	rddreg [dreg:$0x0];
	s2 =	stileid.u32  }
0xe7: {  	s1 =	rddreg [dreg:$0x1];
	p0 =	sne.s32 s2, $0x0  }
0xe8: {  	s3 =	rddreg [dreg:$0x2];
	[bflag:$0x3] =	sbarrier.arrive $0xFFFF;
	s2 =	simm.s32 @!p0 $0x1C05  }
0xe9: {  	[timem:s3], [sflag:s2] =	dma.local @!p0 [hbm:s0], s1  }
0xea: {  	s0 =	simm.s32 @!p0 $0x5  }
0xeb: {  	_ =	swait.ge @!p0 [sflag:s0], s1  }
0xec: {  	s1 =	ssub.s32 @!p0 $0x0, s1;
	[sflag:s0] =	ssyncset.done @!p0 $0x0  }
0xed: {  	[sflag:s0] =	ssyncadd.s32 @!p0 s1  }
0xee: {  	[bflag:$0x3] =	sbarrier.arrive $0xFFFF  }
0xef: {  	_ =	shalt  }

// kernel: kernel.9.cloned.1.call-start
scs
__scs_entry_jumppad:
0x0: {  	(pc) =	sbr.rel $0x88, $3  }
0x1: {  	(tag) =	ssettag $0x0;
	lr =	simm.s32 $0x1  }
0x2: {  	[smem:$0x3F94] =	sst lr;
	_ =	strace $0xD0000000  }
0x3: {  	_ = 	snop  }
0x4: {  	_ = 	snop  }
0x5: {  	_ = 	snop  }
0x6: {  	_ = 	snop  }
0x7: {  	_ = 	snop  }
__scs_overlays_trampoline_lowered:
0x8: {  	[smem:$0x3FA3] =	sst s0  }
0x9: {  	[smem:$0x3FA4] =	sst s1  }
0xa: {  	[smem:$0x3FA5] =	sst s2  }
0xb: {  	[smem:$0x3FA6] =	sst s3  }
0xc: {  	[smem:$0x3FA7] =	sst s4  }
0xd: {  	[smem:$0x3FA8] =	sst s5  }
0xe: {  	[smem:$0x3FA9] =	sst s6  }
0xf: {  	[smem:$0x3FAA] =	sst s7  }
0x10: {  	[smem:$0x3FAB] =	sst s8  }
0x11: {  	[smem:$0x3FAC] =	sst s9;
	s0 =	simm.s32 @!p0 $0x0  }
0x12: {  	s1 =	sld [smem:$0x3F92];
	s0 =	simm.s32 @p0 $0x1  }
0x13: {  	[smem:$0x3FAD] =	sst s0;
	s0 =	simm.s32 @!p1 $0x0  }
0x14: {  	s2 =	sld [smem:$0x3F91];
	s0 =	simm.s32 @p1 $0x1  }
0x15: {  	[smem:$0x3FAE] =	sst s0;
	s0 =	simm.s32 @!p2 $0x0  }
0x16: {  	s3 =	sld [smem:$0x3FDB];
	s0 =	simm.s32 @p2 $0x1  }
0x17: {  	s4 =	simm.s32 $0x1BF5;
	[smem:$0x3FB0] =	sst s0  }
0x18: {  	s0 =	sld [smem:$0x3F93];
	_ =	swait.ge [sflag:s4], $0x0  }
0x19: {  	s7 =	sld [smem:$0x3F94]  }
0x1a: {  	s8 =	sadd.s32 $0xFFFFE003, lr  }
0x1b: {  	s9 =	sadd.s32 $0xFFFFFEF7, lr;
	s5 =	simm.s32 $0xFFFFFFFF;
	p2 =	slt.u32 s8, $0xFFFFF086  }
0x1c: {  	p1 =	slt.u32 s9, $0xF7A;
	s5 =	simm.s32 @!p2 $0x0  }
0x1d: {  	s5 =	simm.s32 @p1 $0x1;
	p0 =	seq.s32 s7, s2  }
0x1e: {  	s7 =	smul.u32 @!p0 $0xF7A, s2;
	p2 =	seq.s32 @!p0 s5, $0x0  }
0x1f: {  	s9 =	smul.u32 $0xF7A, s1;
	s8 =	simm.s32 @!p0 $0x1BF5;
	p2 =	por !p2, p0  }
0x20: {  	[sflag:s8] =	ssyncset.s32 @!p0 $0xFFFFF086;
	s6 =	sadd.s32 @!p0 s3, s7;
	s7 =	simm.s32 @!p0 $0x108  }
0x21: {  	s3 =	sadd.s32 s3, s9;
	s6 =	sadd.s32 @!p0 $0x88, s6;
	s7 =	simm.s32 @p2 $0x1082  }
0x22: {  	[simem:s7], [sflag:s8] =	dma.local @!p0 [hbm:s6], $0xF7A  }
0x23: {  	s9 =	sor.u32 $0xD0000000, s2;
	s6 =	simm.s32 $0x108;
	_ =	swait.ge @!p0 [sflag:s8], $0x0  }
0x24: {  	s3 =	sadd.s32 $0x88, s3;
	s6 =	simm.s32 @!p1 $0x1082;
	[sflag:s4] =	ssyncset.s32 $0xFFFFF086  }
0x25: {  	[simem:s6], [sflag:s4] =	dma.local [hbm:s3], $0xF7A  }
0x26: {  	[smem:$0x3F94] =	sst s1;
	(tag) =	ssettag s2;
	_ =	strace s9  }
0x27: {  	s1 =	sld [smem:$0x3FA4]  }
0x28: {  	s2 =	sld [smem:$0x3FA5]  }
0x29: {  	s4 =	sld [smem:$0x3FA7]  }
0x2a: {  	p0 =	seq.s32 s5, $0x0;
	s5 =	sld [smem:$0x3FA8]  }
0x2b: {  	s6 =	sld [smem:$0x3FA9]  }
0x2c: {  	s7 =	sld [smem:$0x3FAA]  }
0x2d: {  	s3 =	simm.s32 $0x108;
	s8 =	sld [smem:$0x3FAB]  }
0x2e: {  	s3 =	simm.s32 @!p0 $0x1082;
	s9 =	sld [smem:$0x3FAC]  }
0x2f: {  	lr =	sadd.s32 s0, s3;
	s0 =	sld [smem:$0x3FA3]  }
0x30: {  	s3 =	sld [smem:$0x3FA6]  }
0x31: {  	[smem:$0x3FAF] =	sst s10  }
0x32: {  	s10 =	sld [smem:$0x3FAD];
	_ =	sdelay $0x3  }
0x33: {  	p0 =	seq.s32 s10, $0x1;
	s10 =	sld [smem:$0x3FAF];
	_ =	sdelay $0x3  }
0x34: {  	[smem:$0x3FAF] =	sst s10  }
0x35: {  	s10 =	sld [smem:$0x3FAE];
	_ =	sdelay $0x3  }
0x36: {  	p1 =	seq.s32 s10, $0x1;
	s10 =	sld [smem:$0x3FAF];
	_ =	sdelay $0x3  }
0x37: {  	[smem:$0x3FAF] =	sst s10  }
0x38: {  	s10 =	sld [smem:$0x3FB0]  }
0x39: {  	_ = 	snop;
	(pc) =	sbr.ind lr, $3  }
0x3a: {  	_ = 	snop  }
0x3b: {  	_ = 	snop  }
0x3c: {  	p2 =	seq.s32 s10, $0x1;
	s10 =	sld [smem:$0x3FAF]  }
0x3d: {  	_ =	shalt  }
0x3e: {  	_ =	shalt  }
0x3f: {  	_ =	shalt  }
0x40: {  	_ =	shalt  }
0x41: {  	_ =	shalt  }
0x42: {  	_ =	shalt  }
0x43: {  	_ =	shalt  }
0x44: {  	_ =	shalt  }
0x45: {  	_ =	shalt  }
0x46: {  	_ =	shalt  }
0x47: {  	_ =	shalt  }
0x48: {  	_ =	shalt  }
0x49: {  	_ =	shalt  }
0x4a: {  	_ =	shalt  }
0x4b: {  	_ =	shalt  }
0x4c: {  	_ =	shalt  }
0x4d: {  	_ =	shalt  }
0x4e: {  	_ =	shalt  }
0x4f: {  	_ =	shalt  }
0x50: {  	_ =	shalt  }
0x51: {  	_ =	shalt  }
0x52: {  	_ =	shalt  }
0x53: {  	_ =	shalt  }
0x54: {  	_ =	shalt  }
0x55: {  	_ =	shalt  }
0x56: {  	_ =	shalt  }
0x57: {  	_ =	shalt  }
0x58: {  	_ =	shalt  }
0x59: {  	_ =	shalt  }
0x5a: {  	_ =	shalt  }
0x5b: {  	_ =	shalt  }
0x5c: {  	_ =	shalt  }
0x5d: {  	_ =	shalt  }
0x5e: {  	_ =	shalt  }
0x5f: {  	_ =	shalt  }
0x60: {  	_ =	shalt  }
0x61: {  	_ =	shalt  }
0x62: {  	_ =	shalt  }
0x63: {  	_ =	shalt  }
0x64: {  	_ =	shalt  }
0x65: {  	_ =	shalt  }
0x66: {  	_ =	shalt  }
0x67: {  	_ =	shalt  }
0x68: {  	_ =	shalt  }
0x69: {  	_ =	shalt  }
0x6a: {  	_ =	shalt  }
0x6b: {  	_ =	shalt  }
0x6c: {  	_ =	shalt  }
0x6d: {  	_ =	shalt  }
0x6e: {  	_ =	shalt  }
0x6f: {  	_ =	shalt  }
0x70: {  	_ =	shalt  }
0x71: {  	_ =	shalt  }
0x72: {  	_ =	shalt  }
0x73: {  	_ =	shalt  }
0x74: {  	_ =	shalt  }
0x75: {  	_ =	shalt  }
0x76: {  	_ =	shalt  }
0x77: {  	_ =	shalt  }
0x78: {  	_ =	shalt  }
0x79: {  	_ =	shalt  }
0x7a: {  	_ =	shalt  }
0x7b: {  	_ =	shalt  }
0x7c: {  	_ =	shalt  }
0x7d: {  	_ =	shalt  }
0x7e: {  	_ =	shalt  }
0x7f: {  	_ =	shalt  }
0x80: {  	_ =	shalt  }
0x81: {  	_ =	shalt  }
0x82: {  	_ =	shalt  }
0x83: {  	_ =	shalt  }
0x84: {  	_ =	shalt  }
0x85: {  	_ =	shalt  }
0x86: {  	_ =	shalt  }
0x87: {  	_ =	shalt  }
.Lfunc_end0:
.L_simem_size_0:
called_computation.1_lowered:
.L_overlay_start_0:
0x88: {  	s2 =	sld [smem:$0x3FD9]  }
0x89: {  	s3 =	sld [smem:$0x3FFE];
	_ =	sdelay $0x1  }
0x8a: {  	s1 =	srdreg.scid  }
0x8b: {  	s0 =	sand.u32 $0x1, s1  }
0x8c: {  	s16 =	sshll.u32 s0, $0xA;
	s2 =	sadd.s32 s3, s2  }
0x8d: {  	s2 =	sadd.s32 s2, s16  }
0x8e: {  	[smem:$0x3FBB] =	sst s2  }
0x8f: {  	_ = 	snop  }
0x90: {  	(tm) =	ssettm $0x1  }
0x91: {  	s17 =	sld [smem:$0x3FFB];
	_ =	sdelay $0x3  }
0x92: {  	_ =	strace s17  }
0x93: {  	s2 =	sld [smem:$0x3FFC];
	_ =	sdelay $0x3  }
0x94: {  	_ =	strace s2  }
0x95: {  	s2 =	sld [smem:$0x3FFD];
	_ =	sdelay $0x3  }
0x96: {  	_ =	strace s2  }
0x97: {  	_ =	strace $0x8FFFFFFF  }
0x98: {  	s18 =	sld [smem:$0x3FDB];
	_ =	sdelay $0x1  }
0x99: {  	s19 =	simm.s32 $_scs_section_size  }
0x9a: {  	s4 =	simm.s32 $_size__tile_overlayer_lowered;
	s5 =	simm.s32 $_tile_overlayer_lowered  }
0x9b: {  	s22 =	simm.s32 $0x1BFF;
	s21 =	sshll.u32 s5, $0x1;
	s2 =	sadd.s32 s19, s18  }
0x9c: {  	s6 =	simm.s32 $0x0;
	s20 =	sshll.u32 s4, $0x1;
	s4 =	sadd.s32 s21, s2  }
0x9d: {  	[timem:s6], [sflag:s22] =	dma.local [hbm:s4], s20  }
0x9e: {  	_ =	swait.ge [sflag:s22], s20  }
0x9f: {  	s3 =	ssub.s32 $0x0, s20;
	[sflag:s22] =	ssyncset.done $0x0  }
0xa0: {  	[sflag:s22] =	ssyncadd.s32 s3;
	_ =	sdelay $0x1  }
0xa1: {  	s23 =	simm.s32 $0x1B8B  }
0xa2: {  	_ =	swait.ge [sflag:s23], $0x1  }
0xa3: {  	[sflag:s23] =	ssyncset.done $0x0  }
0xa4: {  	s25 =	simm.s32 $0x1B8E;
	s24 =	sld [smem:$0x3FFE];
	[sflag:s23] =	ssyncadd.s32 $0xFFFFFFFF  }
0xa5: {  	s26 =	simm.s32 $execute0_lowered;
	[smem:$0x3FD2] =	sst s25  }
0xa6: {  	s4 =	sshll.u32 s26, $0x1;
	_ =	strace $0x80000049;
	[dreg:$0x1] =	wrdreg $0xFFFFFFFF  }
0xa7: {  	s28 =	simm.s32 $_size_execute0_lowered;
	s2 =	sadd.s32 s2, s4;
	[dreg:$0x0] =	wrdreg $0x0  }
0xa8: {  	s4 =	sshll.u32 s28, $0x1;
	[dreg:$0x2] =	wrdreg s2  }
0xa9: {  	[dreg:$0x3] =	wrdreg s4  }
0xaa: {  	[dreg:$0x4] =	wrdreg $0xC0  }
0xab: {  	_ =	task [dreg:s6], $0x5FFFF  }
0xac: {  	[dreg:$0x1] =	wrdreg $0xFFFFFFFF  }
0xad: {  	[dreg:$0x0] =	wrdreg $0x60  }
0xae: {  	[dreg:$0x2] =	wrdreg s24  }
0xaf: {  	[dreg:$0x3] =	wrdreg $0x90000  }
0xb0: {  	[dreg:$0x4] =	wrdreg $0x9  }
0xb1: {  	_ =	task.clear_ibuf [dreg:s6], $0x5FFFF;
	_ =	strace $0x90000049  }
0xb2: {  	s29 =	simm.s32 $0x9;
	_ =	strace $0x8000004B  }
0xb3: {  	_ =	swait.ge [sflag:s29], $0x1  }
0xb4: {  	[sflag:s29] =	ssyncadd.s32 $0xFFFFFFFF  }
0xb5: {  	_ =	strace $0x9000004B  }
0xb6: {  	_ =	sfence  }
0xb7: {  	s30 =	sld [smem:$0x0];
	_ =	sdelay $0x2  }
0xb8: {  	s31 =	sshll.u32 s1, $0xD;
	s1 =	sshrl.u32 s1, $0x2  }
0xb9: {  	s3 =	sand.u32 $0x4000, s31;
	s1 =	sadd.s32 s1, s30  }
0xba: {  	s0 =	sor.u32 s3, s0;
	s1 =	sshll.u32 s1, $0x11  }
0xbb: {  	s0 =	sor.u32 s1, s0  }
0xbc: {  	s0 =	sadd.s32 $0x8F2B, s0  }
0xbd: {  	[sflag:s0] =	ssyncadd.remote.s32 $0x1  }
0xbe: {  	_ =	sfence.sel $0xFFFF  }
0xbf: {  	[dreg:$0x0] =	wrdreg $0xFFFFFFFF;
	(pc) =	sbr.abs _section_cstart, $3  }
0xc0: {  	[dreg:$0x1] =	wrdreg $0xFFFFFFFF  }
0xc1: {  	_ =	task.clear_ibuf [dreg:s6], $0x2FFFF;
	_ =	strace $0x9FFFFFFF  }
0xc2: {  	(tm) =	ssettm $0x7FFFFFFF  }
0xc3: {  	_ =	shalt  }
tec
execute0_lowered:
.L_overlay_start_1:
0x0: {  	(tag) =	ssettag $0x1  }
0x1: {  	s0 =	rddreg [dreg:$0x0]  }
0x2: {  	s1 =	rddreg [dreg:$0x1]  }
0x3: {  	s3 =	srdreg.scid;
	s2 =	simm.s32 $0x0;
	s12 =	stileid.u32  }
0x4: {  	s15 =	simm.s32 $0x400;
	s16 =	simm.s32 $0xC00;
	s17 =	simm.s32 $0xD00  }
0x5: {  	s28 =	simm.s32 $0x680;
	s29 =	simm.s32 $0xE00;
	s30 =	simm.s32 $0x700  }
0x6: {  	s31 =	simm.s32 $0xE80;
	s3 =	sand.u32 $0x1, s3;
	s6 =	smul.u32 $0x2780, s12  }
0x7: {  	[smem:$0x7FF] =	sst s2;
	s5 =	sadd.s32 $0x2600, s0;
	s11 =	smul.u32 $0xA00, s12  }
0x8: {  	s7 =	sadd.s32 $0xC600, s0;
	s18 =	smul.u32 $0x4F000, s12;
	s26 =	sshll.u32 s12, $0x6  }
0x9: {  	s12 =	simm.s32 $0x480;
	s4 =	smul.u32 $0x27100, s3;
	_ =	strace $0x8000004A  }
0xa: {  	s8 =	smul.u32 $0x27800, s3;
	s3 =	ssub.s32 $0x2, s3;
	s9 =	sadd.s32 s6, s0  }
0xb: {  	s10 =	sshrl.u32 s3, $0x1;
	s13 =	sadd.s32 s5, s11;
	s14 =	sadd.s32 s7, s11  }
0xc: {  	s19 =	sor.u32 $0x80, s11;
	s21 =	sshrl.u32 s18, $0x2;
	s18 =	simm.s32 $0x80  }
0xd: {  	s4 =	sadd.s32 s4, s0;
	s0 =	sadd.s32 s8, s0;
	s3 =	ssub.s32 s3, s10  }
0xe: {  	s5 =	sadd.s32 s5, s19;
	s20 =	sadd.s32 s7, s19;
	[dreg:$0x4] =	wrdreg s14  }
0xf: {  	s22 =	sadd.s32 s21, s1;
	s23 =	sadd.s32 $0x16600, s9;
	[dreg:$0x3] =	wrdreg s13  }
0x10: {  	s24 =	sadd.s32 $0x180, s14;
	s25 =	sadd.s32 $0x180, s13;
	[dreg:$0x5] =	wrdreg s5  }
0x11: {  	s19 =	simm.s32 $0x1000;
	s7 =	sor.u32 $0x1C05, s26;
	[dreg:$0x6] =	wrdreg s20  }
0x12: {  	s26 =	simm.s32 $0x2;
	s13 =	simm.s32 $0x500;
	[dreg:$0x7] =	wrdreg s22  }
0x13: {  	s21 =	simm.s32 $0x580;
	s14 =	simm.s32 $0x600;
	[dreg:$0x8] =	wrdreg s23  }
0x14: {  	s8 =	sadd.s32 $0x3DE00, s4;
	s0 =	sadd.s32 $0x8C000, s0;
	[dreg:$0xa] =	wrdreg s24  }
0x15: {  	s3 =	smax.u32 s3, $0x1;
	[dreg:$0xb] =	wrdreg s25;
	s20 =	simm.s32 $0x5000  }
0x16: {  	s22 =	simm.s32 $0x5;
	s23 =	simm.s32 $0x1;
	s4 =	simm.s32 $0x4  }
0x17: {  	s24 =	simm.s32 $0xC80;
	s25 =	simm.s32 $0xD80;
	[dreg:$0xc] =	wrdreg s7  }
0x18: {  	[dreg:$0x9] =	wrdreg s3;
	s0 =	sadd.s32 s6, s0;
	s3 =	simm.s32 $0xF80  }
0x19: {  	s6 =	simm.s32 $0x0;
	[dreg:$0xd] =	wrdreg s0;
	s0 =	simm.s32 $0x780  }
.LBB2_1:
0x1a: {  	[dreg:$0xe] =	wrdreg s6  }
0x1b: {  	s5 =	rddreg [dreg:$0x3]  }
0x1c: {  	[tilespmem:s2], [sflag:$0x3] =	stream.linear.gather [hbm4b:s5+s2], $0x400, $0x38;
	[tilespmem:$0x1CC00] =	vst v63  }
0x1d: {  	s6 =	rddreg [dreg:$0x4];
	s9 =	simm.s32 $0x800  }
0x1e: {  	[tilespmem:s9], [sflag:$0x3] =	stream.linear.gather [hbm4b:s6+s2], $0x400, $0x38;
	[tilespmem:$0x1CC00] =	vst v63  }
0x1f: {  	s10 =	rddreg [dreg:$0x5]  }
0x20: {  	[tilespmem:s15], [sflag:$0x4] =	stream.linear.gather [hbm4b:s10+s2], $0x400, $0x38;
	[tilespmem:$0x1CC00] =	vst v63  }
0x21: {  	s11 =	rddreg [dreg:$0x6];
	s6 =	simm.s32 $0x3  }
0x22: {  	[tilespmem:s16], [sflag:$0x4] =	stream.linear.gather [hbm4b:s11+s2], $0x400, $0x38;
	[tilespmem:$0x1CC00] =	vst v63  }
0x23: {  	_ =	swait.ge [sflag:s6], $0x400  }
0x24: {  	[sflag:s6] =	ssyncset.done $0x0  }
0x25: {  	[sflag:s6] =	ssyncadd.s32 $0xFFFFFC00  }
0x26: {  	_ =	swait.ge [sflag:s6], $0x400  }
0x27: {  	[sflag:s6] =	ssyncset.done $0x0;
	s9 =	rddreg [dreg:$0x7]  }
0x28: {  	s11 =	rddreg [dreg:$0x8];
	[sflag:s6] =	ssyncadd.s32 $0xFFFFFC00;
	s10 =	sshrl.u32 s9, $0x3  }
0x29: {  	[tilespmem:s19], [sflag:$0x1] =	stream.indirect.gather [hbm4b:s8+s18], $0x80, s2, s18, $0xb8;
	[tilespmem:$0x1CC00] =	vst v63  }
0x2a: {  	[dreg:$0xf] =	wrdreg s10  }
0x2b: {  	[tilespmem:s20], [sflag:$0x2] =	stream.indirect.gather [hbm4b:s8+s18], $0x80, s18, s18, $0xb8;
	[tilespmem:$0x1CC00] =	vst v63  }
0x2c: {  	[spmem:s10], [sflag:s7] =	dma.local [hbm:s11], $0x2780  }
0x2d: {  	_ =	swait.ge [sflag:s22], $0x2780  }
.Ltmp0:
0x2e: {  	[sflag:s22] =	ssyncset.done $0x0;
	(pc) =	sbr.rel .LBB2_2-.Ltmp0, $4  }
0x2f: {  	[sflag:s22] =	ssyncadd.s32 $0xFFFFD880  }
0x30: {  	[bflag:$0x0] =	sbarrier.arrive $0xFFFF  }
0x31: {  	s6 =	rddreg [dreg:$0xb]  }
0x32: {  	s9 =	simm.s32 $0x0;
	s7 =	rddreg [dreg:$0xa]  }
.LBB2_3:
0x33: {  	[tilespmem:s20], [sflag:$0x2] =	stream.indirect.gather [hbm4b:s8+s18], $0x80, s18, s18, $0xb8;
	[tilespmem:$0x1CC00] =	vst v63  }
.LBB2_5:
0x34: {  	[tilespmem:s15], [sflag:$0x4] =	stream.linear.gather [hbm4b:s6+s2], $0x400, $0x38;
	[tilespmem:$0x1CC00] =	vst v63  }
0x35: {  	_ = 	snop  }
0x36: {  	[tilespmem:s16], [sflag:$0x4] =	stream.linear.gather [hbm4b:s7+s2], $0x400, $0x38;
	[tilespmem:$0x1CC00] =	vst v63  }
0x37: {  	s9 =	sadd.s32 $0x1, s9;
	s6 =	sadd.s32 $0x100, s6;
	s7 =	sadd.s32 $0x100, s7  }
.LBB2_2:
0x38: {  	_ =	swait.ge [sflag:s23], $0x4000  }
0x39: {  	[sflag:s23] =	ssyncset.done $0x0  }
0x3a: {  	s5 =	simm.s32 $0x800;
	[sflag:s23] =	ssyncadd.s32 $0xFFFFC000  }
0x3b: {  	[spmem:s1] =	stream.indirect.scatter.add.f32 [tilespmem:s19], [sflag:$0x5], $0x80, s5, s18, $0xb8;
	[tilespmem:$0x1CC00] =	vst v63  }
0x3c: {  	_ =	swait.ge [sflag:s22], $0x4000  }
0x3d: {  	[sflag:s22] =	ssyncset.done $0x0  }
0x3e: {  	s11 =	simm.s32 $0x100;
	[sflag:s22] =	ssyncadd.s32 $0xFFFFC000  }
0x3f: {  	[tilespmem:s19], [sflag:$0x1] =	stream.indirect.gather [hbm4b:s8+s18], $0x80, s11, s18, $0xb8;
	[tilespmem:$0x1CC00] =	vst v63  }
0x40: {  	_ =	swait.ge [sflag:s26], $0x4000  }
0x41: {  	[sflag:s26] =	ssyncset.done $0x0  }
0x42: {  	s10 =	simm.s32 $0x880;
	[sflag:s26] =	ssyncadd.s32 $0xFFFFC000  }
0x43: {  	[spmem:s1] =	stream.indirect.scatter.add.f32 [tilespmem:s20], [sflag:$0x5], $0x80, s10, s18, $0xb8;
	[tilespmem:$0x1CC00] =	vst v63  }
0x44: {  	_ =	swait.ge [sflag:s22], $0x4000  }
0x45: {  	[sflag:s22] =	ssyncset.done $0x0  }
0x46: {  	s11 =	simm.s32 $0x180;
	[sflag:s22] =	ssyncadd.s32 $0xFFFFC000  }
0x47: {  	[tilespmem:s20], [sflag:$0x2] =	stream.indirect.gather [hbm4b:s8+s18], $0x80, s11, s18, $0xb8;
	[tilespmem:$0x1CC00] =	vst v63  }
0x48: {  	_ =	swait.ge [sflag:s23], $0x4000  }
0x49: {  	[sflag:s23] =	ssyncset.done $0x0  }
0x4a: {  	s10 =	simm.s32 $0x900;
	[sflag:s23] =	ssyncadd.s32 $0xFFFFC000  }
0x4b: {  	[spmem:s1] =	stream.indirect.scatter.add.f32 [tilespmem:s19], [sflag:$0x5], $0x80, s10, s18, $0xb8;
	[tilespmem:$0x1CC00] =	vst v63  }
0x4c: {  	_ =	swait.ge [sflag:s22], $0x4000  }
0x4d: {  	[sflag:s22] =	ssyncset.done $0x0  }
0x4e: {  	s11 =	simm.s32 $0x200;
	[sflag:s22] =	ssyncadd.s32 $0xFFFFC000  }
0x4f: {  	[tilespmem:s19], [sflag:$0x1] =	stream.indirect.gather [hbm4b:s8+s18], $0x80, s11, s18, $0xb8;
	[tilespmem:$0x1CC00] =	vst v63  }
0x50: {  	_ =	swait.ge [sflag:s26], $0x4000  }
0x51: {  	[sflag:s26] =	ssyncset.done $0x0  }
0x52: {  	s10 =	simm.s32 $0x980;
	[sflag:s26] =	ssyncadd.s32 $0xFFFFC000  }
0x53: {  	[spmem:s1] =	stream.indirect.scatter.add.f32 [tilespmem:s20], [sflag:$0x5], $0x80, s10, s18, $0xb8;
	[tilespmem:$0x1CC00] =	vst v63  }
0x54: {  	_ =	swait.ge [sflag:s22], $0x4000  }
0x55: {  	[sflag:s22] =	ssyncset.done $0x0  }
0x56: {  	s11 =	simm.s32 $0x280;
	[sflag:s22] =	ssyncadd.s32 $0xFFFFC000  }
0x57: {  	[tilespmem:s20], [sflag:$0x2] =	stream.indirect.gather [hbm4b:s8+s18], $0x80, s11, s18, $0xb8;
	[tilespmem:$0x1CC00] =	vst v63  }
0x58: {  	_ =	swait.ge [sflag:s23], $0x4000  }
0x59: {  	[sflag:s23] =	ssyncset.done $0x0  }
0x5a: {  	s10 =	simm.s32 $0xA00;
	[sflag:s23] =	ssyncadd.s32 $0xFFFFC000  }
0x5b: {  	[spmem:s1] =	stream.indirect.scatter.add.f32 [tilespmem:s19], [sflag:$0x5], $0x80, s10, s18, $0xb8;
	[tilespmem:$0x1CC00] =	vst v63  }
0x5c: {  	_ =	swait.ge [sflag:s22], $0x4000  }
0x5d: {  	[sflag:s22] =	ssyncset.done $0x0  }
0x5e: {  	s11 =	simm.s32 $0x300;
	[sflag:s22] =	ssyncadd.s32 $0xFFFFC000  }
0x5f: {  	[tilespmem:s19], [sflag:$0x1] =	stream.indirect.gather [hbm4b:s8+s18], $0x80, s11, s18, $0xb8;
	[tilespmem:$0x1CC00] =	vst v63  }
0x60: {  	_ =	swait.ge [sflag:s26], $0x4000  }
0x61: {  	[sflag:s26] =	ssyncset.done $0x0  }
0x62: {  	s10 =	simm.s32 $0xA80;
	[sflag:s26] =	ssyncadd.s32 $0xFFFFC000  }
0x63: {  	[spmem:s1] =	stream.indirect.scatter.add.f32 [tilespmem:s20], [sflag:$0x5], $0x80, s10, s18, $0xb8;
	[tilespmem:$0x1CC00] =	vst v63  }
0x64: {  	_ =	swait.ge [sflag:s22], $0x4000  }
0x65: {  	[sflag:s22] =	ssyncset.done $0x0  }
0x66: {  	s11 =	simm.s32 $0x380;
	[sflag:s22] =	ssyncadd.s32 $0xFFFFC000  }
0x67: {  	[tilespmem:s20], [sflag:$0x2] =	stream.indirect.gather [hbm4b:s8+s18], $0x80, s11, s18, $0xb8;
	[tilespmem:$0x1CC00] =	vst v63  }
0x68: {  	_ =	swait.ge [sflag:s4], $0x400  }
0x69: {  	[sflag:s4] =	ssyncset.done $0x0  }
0x6a: {  	[sflag:s4] =	ssyncadd.s32 $0xFFFFFC00  }
0x6b: {  	_ =	swait.ge [sflag:s4], $0x400  }
0x6c: {  	[sflag:s4] =	ssyncset.done $0x0  }
0x6d: {  	[sflag:s4] =	ssyncadd.s32 $0xFFFFFC00  }
0x6e: {  	_ =	swait.ge [sflag:s23], $0x4000  }
0x6f: {  	[sflag:s23] =	ssyncset.done $0x0  }
0x70: {  	s10 =	simm.s32 $0xB00;
	[sflag:s23] =	ssyncadd.s32 $0xFFFFC000  }
0x71: {  	[spmem:s1] =	stream.indirect.scatter.add.f32 [tilespmem:s19], [sflag:$0x5], $0x80, s10, s18, $0xb8;
	[tilespmem:$0x1CC00] =	vst v63  }
0x72: {  	_ =	swait.ge [sflag:s22], $0x4000  }
0x73: {  	[sflag:s22] =	ssyncset.done $0x0  }
0x74: {  	[sflag:s22] =	ssyncadd.s32 $0xFFFFC000  }
0x75: {  	[tilespmem:s19], [sflag:$0x1] =	stream.indirect.gather [hbm4b:s8+s18], $0x80, s15, s18, $0xb8;
	[tilespmem:$0x1CC00] =	vst v63  }
0x76: {  	_ =	swait.ge [sflag:s26], $0x4000  }
0x77: {  	[sflag:s26] =	ssyncset.done $0x0  }
0x78: {  	s11 =	simm.s32 $0xB80;
	[sflag:s26] =	ssyncadd.s32 $0xFFFFC000  }
0x79: {  	[spmem:s1] =	stream.indirect.scatter.add.f32 [tilespmem:s20], [sflag:$0x5], $0x80, s11, s18, $0xb8;
	[tilespmem:$0x1CC00] =	vst v63  }
0x7a: {  	_ =	swait.ge [sflag:s22], $0x4000  }
0x7b: {  	[sflag:s22] =	ssyncset.done $0x0  }
0x7c: {  	p0 =	seq.s32 s9, $0x9;
	[sflag:s22] =	ssyncadd.s32 $0xFFFFC000  }
0x7d: {  	[tilespmem:s20], [sflag:$0x2] =	stream.indirect.gather [hbm4b:s8+s18], $0x80, s12, s18, $0xb8;
	[tilespmem:$0x1CC00] =	vst v63  }
0x7e: {  	s5 =	simm.s32 @!p0 $0x0;
	s10 =	sadd.s32 @!p0 $0xFFFFFF80, s6  }
0x7f: {  	[tilespmem:s5], [sflag:$0x3] =	stream.linear.gather @!p0 [hbm4b:s10+s5], $0x400, $0x38;
	[tilespmem:$0x1CC00] =	vst v63  }
0x80: {  	s11 =	simm.s32 @!p0 $0x800;
	s10 =	sadd.s32 @!p0 $0xFFFFFF80, s7  }
0x81: {  	[tilespmem:s11], [sflag:$0x3] =	stream.linear.gather @!p0 [hbm4b:s10+s5], $0x400, $0x38;
	[tilespmem:$0x1CC00] =	vst v63  }
0x82: {  	_ =	swait.ge [sflag:s23], $0x4000  }
0x83: {  	[sflag:s23] =	ssyncset.done $0x0  }
0x84: {  	[sflag:s23] =	ssyncadd.s32 $0xFFFFC000  }
0x85: {  	[spmem:s1] =	stream.indirect.scatter.add.f32 [tilespmem:s19], [sflag:$0x5], $0x80, s16, s18, $0xb8;
	[tilespmem:$0x1CC00] =	vst v63  }
0x86: {  	_ =	swait.ge [sflag:s22], $0x4000  }
0x87: {  	[sflag:s22] =	ssyncset.done $0x0  }
0x88: {  	[sflag:s22] =	ssyncadd.s32 $0xFFFFC000  }
0x89: {  	[tilespmem:s19], [sflag:$0x1] =	stream.indirect.gather [hbm4b:s8+s18], $0x80, s13, s18, $0xb8;
	[tilespmem:$0x1CC00] =	vst v63  }
0x8a: {  	_ =	swait.ge [sflag:s26], $0x4000  }
0x8b: {  	[sflag:s26] =	ssyncset.done $0x0  }
0x8c: {  	[sflag:s26] =	ssyncadd.s32 $0xFFFFC000  }
0x8d: {  	[spmem:s1] =	stream.indirect.scatter.add.f32 [tilespmem:s20], [sflag:$0x5], $0x80, s24, s18, $0xb8;
	[tilespmem:$0x1CC00] =	vst v63  }
0x8e: {  	_ =	swait.ge [sflag:s22], $0x4000  }
0x8f: {  	[sflag:s22] =	ssyncset.done $0x0  }
0x90: {  	[sflag:s22] =	ssyncadd.s32 $0xFFFFC000  }
0x91: {  	[tilespmem:s20], [sflag:$0x2] =	stream.indirect.gather [hbm4b:s8+s18], $0x80, s21, s18, $0xb8;
	[tilespmem:$0x1CC00] =	vst v63  }
0x92: {  	_ =	swait.ge [sflag:s23], $0x4000  }
0x93: {  	[sflag:s23] =	ssyncset.done $0x0  }
0x94: {  	[sflag:s23] =	ssyncadd.s32 $0xFFFFC000  }
0x95: {  	[spmem:s1] =	stream.indirect.scatter.add.f32 [tilespmem:s19], [sflag:$0x5], $0x80, s17, s18, $0xb8;
	[tilespmem:$0x1CC00] =	vst v63  }
0x96: {  	_ =	swait.ge [sflag:s22], $0x4000  }
0x97: {  	[sflag:s22] =	ssyncset.done $0x0  }
0x98: {  	[sflag:s22] =	ssyncadd.s32 $0xFFFFC000  }
0x99: {  	[tilespmem:s19], [sflag:$0x1] =	stream.indirect.gather [hbm4b:s8+s18], $0x80, s14, s18, $0xb8;
	[tilespmem:$0x1CC00] =	vst v63  }
0x9a: {  	_ =	swait.ge [sflag:s26], $0x4000  }
0x9b: {  	[sflag:s26] =	ssyncset.done $0x0  }
0x9c: {  	[sflag:s26] =	ssyncadd.s32 $0xFFFFC000  }
0x9d: {  	[spmem:s1] =	stream.indirect.scatter.add.f32 [tilespmem:s20], [sflag:$0x5], $0x80, s25, s18, $0xb8;
	[tilespmem:$0x1CC00] =	vst v63  }
0x9e: {  	_ =	swait.ge [sflag:s22], $0x4000  }
0x9f: {  	[sflag:s22] =	ssyncset.done $0x0  }
0xa0: {  	[sflag:s22] =	ssyncadd.s32 $0xFFFFC000  }
0xa1: {  	[tilespmem:s20], [sflag:$0x2] =	stream.indirect.gather [hbm4b:s8+s18], $0x80, s28, s18, $0xb8;
	[tilespmem:$0x1CC00] =	vst v63  }
0xa2: {  	_ =	swait.ge [sflag:s23], $0x4000  }
0xa3: {  	[sflag:s23] =	ssyncset.done $0x0  }
0xa4: {  	[sflag:s23] =	ssyncadd.s32 $0xFFFFC000  }
0xa5: {  	[spmem:s1] =	stream.indirect.scatter.add.f32 [tilespmem:s19], [sflag:$0x5], $0x80, s29, s18, $0xb8;
	[tilespmem:$0x1CC00] =	vst v63  }
0xa6: {  	_ =	swait.ge [sflag:s22], $0x4000  }
0xa7: {  	[sflag:s22] =	ssyncset.done $0x0  }
0xa8: {  	[sflag:s22] =	ssyncadd.s32 $0xFFFFC000  }
0xa9: {  	[tilespmem:s19], [sflag:$0x1] =	stream.indirect.gather [hbm4b:s8+s18], $0x80, s30, s18, $0xb8;
	[tilespmem:$0x1CC00] =	vst v63  }
0xaa: {  	_ =	swait.ge [sflag:s26], $0x4000  }
0xab: {  	[sflag:s26] =	ssyncset.done $0x0  }
0xac: {  	[sflag:s26] =	ssyncadd.s32 $0xFFFFC000  }
0xad: {  	[spmem:s1] =	stream.indirect.scatter.add.f32 [tilespmem:s20], [sflag:$0x5], $0x80, s31, s18, $0xb8;
	[tilespmem:$0x1CC00] =	vst v63  }
0xae: {  	_ =	swait.ge [sflag:s22], $0x4000  }
0xaf: {  	p1 =	sgt.u32 s9, $0x8;
	[sflag:s22] =	ssyncset.done $0x0  }
0xb0: {  	s5 =	simm.s32 @p1 $0x1;
	[sflag:s22] =	ssyncadd.s32 $0xFFFFC000  }
0xb1: {  	[tilespmem:s20], [sflag:$0x2] =	stream.indirect.gather [hbm4b:s8+s18], $0x80, s0, s18, $0xb8;
	[tilespmem:$0x1CC00] =	vst v63  }
0xb2: {  	_ =	swait.ge @p1 [sflag:s5], $0x4000  }
0xb3: {  	s10 =	simm.s32 @p1 $0xF00;
	[sflag:s5] =	ssyncset.done @p1 $0x0  }
0xb4: {  	s11 =	simm.s32 @p1 $0x1000;
	[sflag:s5] =	ssyncadd.s32 @p1 $0xFFFFC000;
	s5 =	simm.s32 @p1 $0x80  }
0xb5: {  	[spmem:s1] =	stream.indirect.scatter.add.f32 @p1 [tilespmem:s11], [sflag:$0x5], $0x80, s10, s5, $0xb8;
	[tilespmem:$0x1CC00] =	vst v63  }
0xb6: {  	s5 =	simm.s32 @p1 $0x5  }
0xb7: {  	_ =	swait.ge @p1 [sflag:s5], $0x4000  }
0xb8: {  	[sflag:s5] =	ssyncset.done @p1 $0x0  }
0xb9: {  	[sflag:s5] =	ssyncadd.s32 @p1 $0xFFFFC000;
	s5 =	simm.s32 @!p1 $0x3  }
0xba: {  	_ =	swait.ge @!p1 [sflag:s5], $0x400  }
0xbb: {  	[sflag:s5] =	ssyncset.done @!p1 $0x0  }
0xbc: {  	[sflag:s5] =	ssyncadd.s32 @!p1 $0xFFFFFC00  }
0xbd: {  	_ =	swait.ge @!p1 [sflag:s5], $0x400  }
0xbe: {  	[sflag:s5] =	ssyncset.done @!p1 $0x0  }
0xbf: {  	[sflag:s5] =	ssyncadd.s32 @!p1 $0xFFFFFC00;
	s5 =	simm.s32 @!p1 $0x1  }
0xc0: {  	_ =	swait.ge @!p1 [sflag:s5], $0x4000  }
0xc1: {  	s10 =	simm.s32 @!p1 $0xF00;
	[sflag:s5] =	ssyncset.done @!p1 $0x0  }
0xc2: {  	s11 =	simm.s32 @!p1 $0x1000;
	[sflag:s5] =	ssyncadd.s32 @!p1 $0xFFFFC000;
	s5 =	simm.s32 @!p1 $0x80  }
0xc3: {  	[spmem:s1] =	stream.indirect.scatter.add.f32 @!p1 [tilespmem:s11], [sflag:$0x5], $0x80, s10, s5, $0xb8;
	[tilespmem:$0x1CC00] =	vst v63  }
0xc4: {  	s10 =	simm.s32 @!p1 $0x5  }
0xc5: {  	_ =	swait.ge @!p1 [sflag:s10], $0x4000  }
0xc6: {  	[sflag:s10] =	ssyncset.done @!p1 $0x0  }
0xc7: {  	[sflag:s10] =	ssyncadd.s32 @!p1 $0xFFFFC000;
	s10 =	simm.s32 @!p1 $0x0  }
0xc8: {  	[tilespmem:s11], [sflag:$0x1] =	stream.indirect.gather @!p1 [hbm4b:s8+s5], $0x80, s10, s5, $0xb8;
	[tilespmem:$0x1CC00] =	vst v63  }
0xc9: {  	_ =	swait.ge [sflag:s26], $0x4000  }
0xca: {  	[sflag:s26] =	ssyncset.done $0x0  }
.Ltmp1:
0xcb: {  	[sflag:s26] =	ssyncadd.s32 $0xFFFFC000;
	(pc) =	sbr.rel @!p1 .LBB2_3-.Ltmp1, $4  }
0xcc: {  	[spmem:s1] =	stream.indirect.scatter.add.f32 [tilespmem:s20], [sflag:$0x5], $0x80, s3, s18, $0xb8;
	[tilespmem:$0x1CC00] =	vst v63  }
0xcd: {  	_ =	swait.ge [sflag:s22], $0x4000  }
0xce: {  	[sflag:s22] =	ssyncset.done $0x0  }
0xcf: {  	[sflag:s22] =	ssyncadd.s32 $0xFFFFC000  }
.Ltmp2:
0xd0: {  	(pc) =	sbr.rel @!p0 .LBB2_5-.Ltmp2, $1  }
0xd1: {  	_ =	sdelay $0x3  }
0xd2: {  	[bflag:$0x0] =	sbarrier.arrive $0xFFFF  }
0xd3: {  	s7 =	rddreg [dreg:$0xc]  }
0xd4: {  	s5 =	rddreg [dreg:$0xd]  }
0xd5: {  	s6 =	rddreg [dreg:$0xf]  }
0xd6: {  	[hbm:s5], [sflag:s7] =	dma.local [spmem:s6], $0x2780  }
0xd7: {  	_ =	swait.ge [sflag:s22], $0x2780  }
0xd8: {  	s10 =	rddreg [dreg:$0xe]  }
0xd9: {  	s11 =	rddreg [dreg:$0x9];
	s6 =	sadd.s32 $0x1, s10  }
0xda: {  	p0 =	sne.s32 s6, s11  }
.Ltmp3:
0xdb: {  	_ = 	snop;
	(pc) =	sbr.rel @p0 .LBB2_1-.Ltmp3, $3  }
0xdc: {  	_ =	sdelay $0x1  }
0xdd: {  	[sflag:s22] =	ssyncset.done $0x0  }
0xde: {  	[sflag:s22] =	ssyncadd.s32 $0xFFFFD880  }
0xdf: {  	_ =	sfence.sel $0x180000  }
0xe0: {  	[bflag:$0x0] =	sbarrier.arrive $0xFFFF  }
0xe1: {  	_ =	strace $0x9000004A  }
0xe2: {  	s0 =	stileid.u32;
	[bflag:$0x2] =	sbarrier.arrive $0xFFFF  }
0xe3: {  	p0 =	sne.s32 s0, $0x0;
	s0 =	rddreg [dreg:$0x2]  }
0xe4: {  	s0 =	sadd.s32 @!p0 $0x100000, s0  }
0xe5: {  	[sflag:s0] =	ssyncadd.tile.s32 @!p0 $0x1;
	_ =	shalt  }
.Lfunc_end2:
_tile_overlayer_lowered:
.L_overlay_start_2:
0xe6: {  	(tag) =	ssettag $0x2  }
0xe7: {  	s0 =	rddreg [dreg:$0x0];
	s2 =	stileid.u32  }
0xe8: {  	s1 =	rddreg [dreg:$0x1];
	p0 =	sne.s32 s2, $0x0  }
0xe9: {  	s3 =	rddreg [dreg:$0x2];
	[bflag:$0x3] =	sbarrier.arrive $0xFFFF;
	s2 =	simm.s32 @!p0 $0x1C05  }
0xea: {  	[timem:s3], [sflag:s2] =	dma.local @!p0 [hbm:s0], s1  }
0xeb: {  	s0 =	simm.s32 @!p0 $0x5  }
0xec: {  	_ =	swait.ge @!p0 [sflag:s0], s1  }
0xed: {  	s1 =	ssub.s32 @!p0 $0x0, s1;
	[sflag:s0] =	ssyncset.done @!p0 $0x0  }
0xee: {  	[sflag:s0] =	ssyncadd.s32 @!p0 s1  }
0xef: {  	[bflag:$0x3] =	sbarrier.arrive $0xFFFF  }
0xf0: {  	_ =	shalt  }

</sc_bundles>
